<compile_context>
chip_gen: v7x
topology: tpu7x:2x2x1
jax: 0.10.2.dev20260603
libtpu: 0.0.44.dev20260713+nightly
codegen_flags: <defaults>
</compile_context>

<pallas_src>
import jax
import jax.numpy as jnp
from jax import lax
from jax.experimental import pallas as pl
from jax.experimental.pallas import tpu as pltpu
from jax.experimental.pallas import tpu_sc as plsc

_B = 16384
_D = 64
_V = 1000000
_NC = 2
_NS = 16
_NW = _NC * _NS
_BPW = _B // _NW
_NT = (_V + 127) // 128
_SHARD = 245
_LAST_T = _NT - 1
_LAST_OFF = _LAST_T * 128


def _extract_body(lab_hbm, centT_hbm, ext_hbm, lab_all, listb, sortb, hist,
                  rptr, wptr, slab, slab_last, stage, bidx, lsem, ssem, wsem):
    wid = lax.axis_index("s") * _NC + lax.axis_index("c")
    lo_t = wid * _SHARD
    hi_t = lo_t + _SHARD
    reg_cnt = jnp.clip(_LAST_T - lo_t, 0, _SHARD)

    def issue(t, bank):
        off = pl.multiple_of((lo_t + t) * 128, 128)
        pltpu.async_copy(centT_hbm.at[:, pl.ds(off, 128)], slab.at[bank],
                         ssem.at[bank])

    for r in range(7):
        @pl.when(r < reg_cnt)
        def _():
            issue(r, r)

    pltpu.sync_copy(lab_hbm, lab_all.at[pl.ds(0, _B)])

    iota = lax.iota(jnp.int32, 16)
    lane0 = iota == 0
    ones = jnp.full((16,), 1, jnp.int32)

    def scan_body(i, ptr):
        ch = lab_all[pl.ds(i * 16, 16)]
        tc = ch >> 7
        m = (tc >= lo_t) & (tc < hi_t)
        plsc.store_compressed(listb.at[pl.ds(ptr, 16)], iota + i * 16, mask=m)
        return ptr + plsc.all_reduce_population_count(m)[0]

    ent = lax.fori_loop(0, _B // 16, scan_body, 0)

    def zero_body(j, _):
        wptr[pl.ds(j * 16, 16)] = jnp.zeros((16,), jnp.int32)
        hist[pl.ds(j * 16, 16)] = jnp.zeros((16,), jnp.int32)
        return 0

    lax.fori_loop(0, 16, zero_body, 0)

    def count_body(e, _):
        b = listb[pl.ds(e, 16)][0]
        c = lab_all[pl.ds(b, 16)][0]
        tcl = (c >> 7) - lo_t
        plsc.addupdate_scatter(hist, [jnp.full((16,), tcl, jnp.int32)], ones,
                               mask=lane0)
        return 0

    lax.fori_loop(0, ent, count_body, 0)

    def prefix_body(j, s):
        ch = hist[pl.ds(j * 16, 16)]
        cs = plsc.cumsum(ch)
        ex = (cs - ch) + s
        rptr[pl.ds(j * 16, 16)] = ex
        wptr[pl.ds(j * 16, 16)] = ex
        return s + cs[15]

    lax.fori_loop(0, 16, prefix_body, 0)

    def place_body(e, _):
        b = listb[pl.ds(e, 16)][0]
        c = lab_all[pl.ds(b, 16)][0]
        tcl = (c >> 7) - lo_t
        tsp = jnp.full((16,), tcl, jnp.int32)
        slot = plsc.load_gather(wptr, [tsp])[0]
        plsc.store_scatter(sortb, [jnp.full((16,), slot, jnp.int32)],
                           jnp.full((16,), b, jnp.int32), mask=lane0)
        plsc.addupdate_scatter(wptr, [tsp], ones, mask=lane0)
        return 0

    lax.fori_loop(0, ent, place_body, 0)

    def wait_slab(bank):
        pltpu.make_async_copy(centT_hbm.at[:, pl.ds(0, 128)], slab.at[bank],
                              ssem.at[bank]).wait()

    def wait_ring(slot):
        pltpu.make_async_copy(stage.at[0], ext_hbm.at[pl.ds(0, 1)],
                              wsem.at[slot]).wait()

    def extract_one(e, q, src_ref, width):
        slot = q & 3

        @pl.when(q >= 4)
        def _():
            wait_ring(slot)

        b = sortb[pl.ds(e, 16)][0]
        c = lab_all[pl.ds(b, 16)][0]
        l = c & 127
        lsp = jnp.full((16,), l, jnp.int32)
        for g in range(4):
            cv = plsc.load_gather(src_ref, [iota + 16 * g, lsp])
            stage[slot, 0, pl.ds(16 * g, 16)] = cv
        plsc.store_scatter(bidx, [jnp.full((16,), slot, jnp.int32),
                                  jnp.zeros((16,), jnp.int32)],
                           jnp.full((16,), b, jnp.int32), mask=lane0)
        pltpu.async_copy(stage.at[slot], ext_hbm.at[bidx.at[slot]],
                         wsem.at[slot])
        return q + 1

    def tile_body(t, q):
        bank = t & 7

        @pl.when(t + 7 < reg_cnt)
        def _():
            issue(t + 7, (t + 7) & 7)

        wait_slab(bank)
        e0 = plsc.load_gather(rptr, [jnp.full((16,), t, jnp.int32)])[0]
        n = plsc.load_gather(hist, [jnp.full((16,), t, jnp.int32)])[0]

        def inner(i, qq):
            return extract_one(e0 + i, qq, slab.at[bank], 128)

        return lax.fori_loop(0, n, inner, q)

    q = lax.fori_loop(0, reg_cnt, tile_body, 0)

    trel_last = _LAST_T - 31 * _SHARD

    def last_pass(q):
        pltpu.sync_copy(centT_hbm.at[:, pl.ds(_LAST_OFF, 64)], slab_last)
        e0 = plsc.load_gather(rptr, [jnp.full((16,), trel_last, jnp.int32)])[0]
        n = plsc.load_gather(hist, [jnp.full((16,), trel_last, jnp.int32)])[0]

        def inner(i, qq):
            return extract_one(e0 + i, qq, slab_last, 64)

        return lax.fori_loop(0, n, inner, q)

    q = lax.cond(wid == 31, last_pass, lambda x: x, q)

    def drain(i, _):
        wait_ring(i & 3)
        return 0

    lax.fori_loop(0, jnp.minimum(q, 4), drain, 0)


def _mse_body(featT_hbm, ext_hbm, out_hbm, feat_v, ext_v, part_v, fsem, esem):
    wid = lax.axis_index("s") * _NC + lax.axis_index("c")
    base = wid * _BPW
    fcopy = pltpu.async_copy(featT_hbm.at[:, pl.ds(base, _BPW)], feat_v, fsem)
    pltpu.async_copy(ext_hbm.at[pl.ds(base, _BPW)], ext_v, esem).wait()
    fcopy.wait()

    iota = lax.iota(jnp.int32, 16)

    def group_body(g, accs):
        a0, a1, a2, a3 = accs
        for b in range(16):
            k = g * 16 + b
            fcol = jnp.full((16,), k, jnp.int32)
            cv0 = ext_v[k, pl.ds(0, 16)]
            fv0 = plsc.load_gather(feat_v, [iota, fcol])
            cv1 = ext_v[k, pl.ds(16, 16)]
            fv1 = plsc.load_gather(feat_v, [iota + 16, fcol])
            cv2 = ext_v[k, pl.ds(32, 16)]
            fv2 = plsc.load_gather(feat_v, [iota + 32, fcol])
            cv3 = ext_v[k, pl.ds(48, 16)]
            fv3 = plsc.load_gather(feat_v, [iota + 48, fcol])
            d0 = fv0 - cv0
            d1 = fv1 - cv1
            d2 = fv2 - cv2
            d3 = fv3 - cv3
            a0 = a0 + d0 * d0
            a1 = a1 + d1 * d1
            a2 = a2 + d2 * d2
            a3 = a3 + d3 * d3
        return (a0, a1, a2, a3)

    zero = jnp.zeros((16,), jnp.float32)
    accs = lax.fori_loop(0, _BPW // 16, group_body, (zero, zero, zero, zero))
    part_v[...] = (accs[0] + accs[1]) + (accs[2] + accs[3])
    pltpu.sync_copy(part_v, out_hbm.at[wid])


@jax.jit
def kernel(features, labels, centers):
    featT = features.T
    centT = centers.T
    labels = labels.astype(jnp.int32)
    mesh = plsc.VectorSubcoreMesh(core_axis_name="c", subcore_axis_name="s")
    params = pltpu.CompilerParams(use_tc_tiling_on_sc=True,
                                  needs_layout_passes=False)
    ext = pl.kernel(
        _extract_body,
        out_type=jax.ShapeDtypeStruct((_B, 128), jnp.float32),
        mesh=mesh,
        scratch_types=[
            pltpu.VMEM((_B + 16, ), jnp.int32),
            pltpu.VMEM((_B + 16, ), jnp.int32),
            pltpu.VMEM((_B + 16, ), jnp.int32),
            pltpu.VMEM((272, ), jnp.int32),
            pltpu.VMEM((272, ), jnp.int32),
            pltpu.VMEM((272, ), jnp.int32),
            pltpu.VMEM((8, _D, 128), jnp.float32),
            pltpu.VMEM((_D, 64), jnp.float32),
            pltpu.VMEM((4, 1, 128), jnp.float32),
            pltpu.VMEM((4, 1), jnp.int32),
            pltpu.SemaphoreType.DMA,
            pltpu.SemaphoreType.DMA((8, )),
            pltpu.SemaphoreType.DMA((4, )),
        ],
        compiler_params=params,
    )(labels, centT)
    partials = pl.kernel(
        _mse_body,
        out_type=jax.ShapeDtypeStruct((_NW, 16), jnp.float32),
        mesh=mesh,
        scratch_types=[
            pltpu.VMEM((_D, _BPW), jnp.float32),
            pltpu.VMEM((_BPW, 128), jnp.float32),
            pltpu.VMEM((16, ), jnp.float32),
            pltpu.SemaphoreType.DMA,
            pltpu.SemaphoreType.DMA,
        ],
        compiler_params=params,
    )(featT, ext)
    return jnp.sum(partials) * (1.0 / (_B * _D))

# --- scband reference (transcript-rebuilt; emitter-appended) ---
"""Pipeline reference for scband-center-loss-55344948576724 (READ-ONLY COPY).

The authoritative reference and input builder live on the scoring server;
editing this copy changes nothing except your own understanding.
"""

import jax, jax.numpy as jnp
import numpy as np

NUM_CLASSES = 1000000
FEATURE_DIM = 64
BATCH = 16384
LAMBDA_C = 1.0


def setup_inputs(seed: int = 0) -> dict:
    key = jax.random.key(seed)
    k1, k2, k3 = jax.random.split(key, 3)
    features = jax.random.normal(k1, (BATCH, FEATURE_DIM), dtype=jnp.float32)
    labels = jax.random.randint(k2, (BATCH,), 0, NUM_CLASSES, dtype=jnp.int64 if jax.config.jax_enable_x64 else jnp.int32)
    centers = jax.random.normal(k3, (NUM_CLASSES, FEATURE_DIM), dtype=jnp.float32)
    return {"features": features, "labels": labels, "centers": centers}


def reference(features, labels, centers):
    # centers_batch = self.centers[labels]
    centers_batch = jnp.take(centers, labels, axis=0)
    # F.mse_loss default reduction='mean' over all elements
    diff = features - centers_batch
    center_loss = jnp.mean(diff * diff)
    return LAMBDA_C * center_loss

if __name__ == "__main__":
    import jax
    _d = setup_inputs()
    print(jax.jit(kernel)(*tuple(_d.values())))

</pallas_src>

<mosaic_0001>
#map = affine_map<(d0, d1) -> (0)>
#map1 = affine_map<(d0, d1) -> (0, 0)>
module attributes {stable_mosaic.version = 14 : i64} {
  func.func @_extract_body(%arg0: i32, %arg1: i32, %arg2: memref<16384xi32, #tpu.memory_space<hbm>>, %arg3: memref<64x1000000xf32, #tpu.memory_space<hbm>>, %arg4: memref<16384x128xf32, #tpu.memory_space<hbm>>, %arg5: memref<16400xi32, #tpu.memory_space<vmem>>, %arg6: memref<16400xi32, #tpu.memory_space<vmem>>, %arg7: memref<16400xi32, #tpu.memory_space<vmem>>, %arg8: memref<272xi32, #tpu.memory_space<vmem>>, %arg9: memref<272xi32, #tpu.memory_space<vmem>>, %arg10: memref<272xi32, #tpu.memory_space<vmem>>, %arg11: memref<8x64x128xf32, #tpu.memory_space<vmem>>, %arg12: memref<64x64xf32, #tpu.memory_space<vmem>>, %arg13: memref<4x1x128xf32, #tpu.memory_space<vmem>>, %arg14: memref<4x1xi32, #tpu.memory_space<vmem>>, %arg15: memref<!tpu.dma_semaphore, #tpu.memory_space<semaphore_mem>>, %arg16: memref<8x!tpu.dma_semaphore, #tpu.memory_space<semaphore_mem>>, %arg17: memref<4x!tpu.dma_semaphore, #tpu.memory_space<semaphore_mem>>) attributes {dimension_semantics = [#tpu.dimension_semantics<core_parallel>, #tpu.dimension_semantics<subcore_parallel>], iteration_bounds = array<i64: 2, 16>, scalar_prefetch = 0 : i64, scratch_operands = 13 : i64, tpu.core_type = #tpu.core_type<sc_vector_subcore>, window_params = [{transform_indices = #map}, {transform_indices = #map1}, {transform_indices = #map1}]} {
    %mul3A = arith.constant 2 : i32
    %mul3A_0 = arith.muli %arg1, %mul3A : i32
    %add3A = arith.addi %mul3A_0, %arg0 : i32
    %mul3A_1 = arith.constant 245 : i32
    %mul3A_2 = arith.muli %add3A, %mul3A_1 : i32
    %add3A_3 = arith.constant 245 : i32
    %add3A_4 = arith.addi %mul3A_2, %add3A_3 : i32
    %sub3A = arith.constant 7812 : i32
    %sub3A_5 = arith.subi %sub3A, %mul3A_2 : i32
    %jit3A = arith.constant 0 : i32
    %jit3A_6 = arith.constant 245 : i32
    %max3A = arith.maxsi %jit3A, %sub3A_5 : i32
    %min3A = arith.minsi %jit3A_6, %max3A : i32
    %gt3A = arith.constant 0 : i32
    %gt3A_7 = arith.cmpi sgt, %min3A, %gt3A : i32
    %convert_element_type3A = arith.extui %gt3A_7 : i1 to i32
    %cond3A = arith.constant 0 : i32
    %cond3A_8 = arith.cmpi ne, %convert_element_type3A, %cond3A : i32
    scf.if %cond3A_8 {
      %add3A_117 = arith.constant 0 : i32
      %add3A_118 = arith.addi %mul3A_2, %add3A_117 : i32
      %mul3A_119 = arith.constant 128 : i32
      %mul3A_120 = arith.muli %add3A_118, %mul3A_119 : i32
      %multiple_of3A = tpu.assume_multiple %mul3A_120, 128 : i32
      %dma_start3A = arith.constant 0 : i32
      %dma_start3A_121 = arith.constant 0 : i32
      %dma_start3A_122 = arith.constant 0 : i32
      %dma_start3A_123 = arith.constant 0 : i32
      %dma_start3A_124 = tpu.memref_slice %arg11[%dma_start3A, %dma_start3A_122, %dma_start3A_123] : memref<8x64x128xf32, #tpu.memory_space<vmem>> -> memref<1x64x128xf32, #tpu.memory_space<vmem>>
      %dma_start3A_125 = tpu.memref_squeeze %dma_start3A_124 : memref<1x64x128xf32, #tpu.memory_space<vmem>> -> memref<64x128xf32, #tpu.memory_space<vmem>>
      %dma_start3A_126 = arith.constant 0 : i32
      %dma_start3A_127 = tpu.memref_slice %arg3[%dma_start3A_126, %multiple_of3A] : memref<64x1000000xf32, #tpu.memory_space<hbm>> -> memref<64x128xf32, #tpu.memory_space<hbm>>
      %dma_start3A_128 = tpu.memref_slice %arg16[%dma_start3A_121] : memref<8x!tpu.dma_semaphore, #tpu.memory_space<semaphore_mem>> -> memref<1x!tpu.dma_semaphore, #tpu.memory_space<semaphore_mem>>
      %dma_start3A_129 = tpu.memref_squeeze %dma_start3A_128 : memref<1x!tpu.dma_semaphore, #tpu.memory_space<semaphore_mem>> -> memref<!tpu.dma_semaphore, #tpu.memory_space<semaphore_mem>>
      %dma_start3A_130 = arith.constant 0 : i32
      %dma_start3A_131 = arith.constant 0 : i32
      %dma_start3A_132 = tpu.memref_slice %arg11[%dma_start3A, %dma_start3A_130, %dma_start3A_131] : memref<8x64x128xf32, #tpu.memory_space<vmem>> -> memref<1x64x128xf32, #tpu.memory_space<vmem>>
      %dma_start3A_133 = tpu.memref_squeeze %dma_start3A_132 : memref<1x64x128xf32, #tpu.memory_space<vmem>> -> memref<64x128xf32, #tpu.memory_space<vmem>>
      %dma_start3A_134 = arith.constant 0 : i32
      %dma_start3A_135 = tpu.memref_slice %arg3[%dma_start3A_134, %multiple_of3A] : memref<64x1000000xf32, #tpu.memory_space<hbm>> -> memref<64x128xf32, #tpu.memory_space<hbm>>
      tpu.enqueue_dma source(%dma_start3A_135 : memref<64x128xf32, #tpu.memory_space<hbm>>) target(%dma_start3A_133 : memref<64x128xf32, #tpu.memory_space<vmem>>) target_semaphore(%dma_start3A_129 : memref<!tpu.dma_semaphore, #tpu.memory_space<semaphore_mem>>)
    } else {
    }
    %gt3A_9 = arith.constant 1 : i32
    %gt3A_10 = arith.cmpi sgt, %min3A, %gt3A_9 : i32
    %convert_element_type3A_11 = arith.extui %gt3A_10 : i1 to i32
    %cond3A_12 = arith.constant 0 : i32
    %cond3A_13 = arith.cmpi ne, %convert_element_type3A_11, %cond3A_12 : i32
    scf.if %cond3A_13 {
      %add3A_117 = arith.constant 1 : i32
      %add3A_118 = arith.addi %mul3A_2, %add3A_117 : i32
      %mul3A_119 = arith.constant 128 : i32
      %mul3A_120 = arith.muli %add3A_118, %mul3A_119 : i32
      %multiple_of3A = tpu.assume_multiple %mul3A_120, 128 : i32
      %dma_start3A = arith.constant 1 : i32
      %dma_start3A_121 = arith.constant 1 : i32
      %dma_start3A_122 = arith.constant 0 : i32
      %dma_start3A_123 = arith.constant 0 : i32
      %dma_start3A_124 = tpu.memref_slice %arg11[%dma_start3A, %dma_start3A_122, %dma_start3A_123] : memref<8x64x128xf32, #tpu.memory_space<vmem>> -> memref<1x64x128xf32, #tpu.memory_space<vmem>>
      %dma_start3A_125 = tpu.memref_squeeze %dma_start3A_124 : memref<1x64x128xf32, #tpu.memory_space<vmem>> -> memref<64x128xf32, #tpu.memory_space<vmem>>
      %dma_start3A_126 = arith.constant 0 : i32
      %dma_start3A_127 = tpu.memref_slice %arg3[%dma_start3A_126, %multiple_of3A] : memref<64x1000000xf32, #tpu.memory_space<hbm>> -> memref<64x128xf32, #tpu.memory_space<hbm>>
      %dma_start3A_128 = tpu.memref_slice %arg16[%dma_start3A_121] : memref<8x!tpu.dma_semaphore, #tpu.memory_space<semaphore_mem>> -> memref<1x!tpu.dma_semaphore, #tpu.memory_space<semaphore_mem>>
      %dma_start3A_129 = tpu.memref_squeeze %dma_start3A_128 : memref<1x!tpu.dma_semaphore, #tpu.memory_space<semaphore_mem>> -> memref<!tpu.dma_semaphore, #tpu.memory_space<semaphore_mem>>
      %dma_start3A_130 = arith.constant 0 : i32
      %dma_start3A_131 = arith.constant 0 : i32
      %dma_start3A_132 = tpu.memref_slice %arg11[%dma_start3A, %dma_start3A_130, %dma_start3A_131] : memref<8x64x128xf32, #tpu.memory_space<vmem>> -> memref<1x64x128xf32, #tpu.memory_space<vmem>>
      %dma_start3A_133 = tpu.memref_squeeze %dma_start3A_132 : memref<1x64x128xf32, #tpu.memory_space<vmem>> -> memref<64x128xf32, #tpu.memory_space<vmem>>
      %dma_start3A_134 = arith.constant 0 : i32
      %dma_start3A_135 = tpu.memref_slice %arg3[%dma_start3A_134, %multiple_of3A] : memref<64x1000000xf32, #tpu.memory_space<hbm>> -> memref<64x128xf32, #tpu.memory_space<hbm>>
      tpu.enqueue_dma source(%dma_start3A_135 : memref<64x128xf32, #tpu.memory_space<hbm>>) target(%dma_start3A_133 : memref<64x128xf32, #tpu.memory_space<vmem>>) target_semaphore(%dma_start3A_129 : memref<!tpu.dma_semaphore, #tpu.memory_space<semaphore_mem>>)
    } else {
    }
    %gt3A_14 = arith.constant 2 : i32
    %gt3A_15 = arith.cmpi sgt, %min3A, %gt3A_14 : i32
    %convert_element_type3A_16 = arith.extui %gt3A_15 : i1 to i32
    %cond3A_17 = arith.constant 0 : i32
    %cond3A_18 = arith.cmpi ne, %convert_element_type3A_16, %cond3A_17 : i32
    scf.if %cond3A_18 {
      %add3A_117 = arith.constant 2 : i32
      %add3A_118 = arith.addi %mul3A_2, %add3A_117 : i32
      %mul3A_119 = arith.constant 128 : i32
      %mul3A_120 = arith.muli %add3A_118, %mul3A_119 : i32
      %multiple_of3A = tpu.assume_multiple %mul3A_120, 128 : i32
      %dma_start3A = arith.constant 2 : i32
      %dma_start3A_121 = arith.constant 2 : i32
      %dma_start3A_122 = arith.constant 0 : i32
      %dma_start3A_123 = arith.constant 0 : i32
      %dma_start3A_124 = tpu.memref_slice %arg11[%dma_start3A, %dma_start3A_122, %dma_start3A_123] : memref<8x64x128xf32, #tpu.memory_space<vmem>> -> memref<1x64x128xf32, #tpu.memory_space<vmem>>
      %dma_start3A_125 = tpu.memref_squeeze %dma_start3A_124 : memref<1x64x128xf32, #tpu.memory_space<vmem>> -> memref<64x128xf32, #tpu.memory_space<vmem>>
      %dma_start3A_126 = arith.constant 0 : i32
      %dma_start3A_127 = tpu.memref_slice %arg3[%dma_start3A_126, %multiple_of3A] : memref<64x1000000xf32, #tpu.memory_space<hbm>> -> memref<64x128xf32, #tpu.memory_space<hbm>>
      %dma_start3A_128 = tpu.memref_slice %arg16[%dma_start3A_121] : memref<8x!tpu.dma_semaphore, #tpu.memory_space<semaphore_mem>> -> memref<1x!tpu.dma_semaphore, #tpu.memory_space<semaphore_mem>>
      %dma_start3A_129 = tpu.memref_squeeze %dma_start3A_128 : memref<1x!tpu.dma_semaphore, #tpu.memory_space<semaphore_mem>> -> memref<!tpu.dma_semaphore, #tpu.memory_space<semaphore_mem>>
      %dma_start3A_130 = arith.constant 0 : i32
      %dma_start3A_131 = arith.constant 0 : i32
      %dma_start3A_132 = tpu.memref_slice %arg11[%dma_start3A, %dma_start3A_130, %dma_start3A_131] : memref<8x64x128xf32, #tpu.memory_space<vmem>> -> memref<1x64x128xf32, #tpu.memory_space<vmem>>
      %dma_start3A_133 = tpu.memref_squeeze %dma_start3A_132 : memref<1x64x128xf32, #tpu.memory_space<vmem>> -> memref<64x128xf32, #tpu.memory_space<vmem>>
      %dma_start3A_134 = arith.constant 0 : i32
      %dma_start3A_135 = tpu.memref_slice %arg3[%dma_start3A_134, %multiple_of3A] : memref<64x1000000xf32, #tpu.memory_space<hbm>> -> memref<64x128xf32, #tpu.memory_space<hbm>>
      tpu.enqueue_dma source(%dma_start3A_135 : memref<64x128xf32, #tpu.memory_space<hbm>>) target(%dma_start3A_133 : memref<64x128xf32, #tpu.memory_space<vmem>>) target_semaphore(%dma_start3A_129 : memref<!tpu.dma_semaphore, #tpu.memory_space<semaphore_mem>>)
    } else {
    }
    %gt3A_19 = arith.constant 3 : i32
    %gt3A_20 = arith.cmpi sgt, %min3A, %gt3A_19 : i32
    %convert_element_type3A_21 = arith.extui %gt3A_20 : i1 to i32
    %cond3A_22 = arith.constant 0 : i32
    %cond3A_23 = arith.cmpi ne, %convert_element_type3A_21, %cond3A_22 : i32
    scf.if %cond3A_23 {
      %add3A_117 = arith.constant 3 : i32
      %add3A_118 = arith.addi %mul3A_2, %add3A_117 : i32
      %mul3A_119 = arith.constant 128 : i32
      %mul3A_120 = arith.muli %add3A_118, %mul3A_119 : i32
      %multiple_of3A = tpu.assume_multiple %mul3A_120, 128 : i32
      %dma_start3A = arith.constant 3 : i32
      %dma_start3A_121 = arith.constant 3 : i32
      %dma_start3A_122 = arith.constant 0 : i32
      %dma_start3A_123 = arith.constant 0 : i32
      %dma_start3A_124 = tpu.memref_slice %arg11[%dma_start3A, %dma_start3A_122, %dma_start3A_123] : memref<8x64x128xf32, #tpu.memory_space<vmem>> -> memref<1x64x128xf32, #tpu.memory_space<vmem>>
      %dma_start3A_125 = tpu.memref_squeeze %dma_start3A_124 : memref<1x64x128xf32, #tpu.memory_space<vmem>> -> memref<64x128xf32, #tpu.memory_space<vmem>>
      %dma_start3A_126 = arith.constant 0 : i32
      %dma_start3A_127 = tpu.memref_slice %arg3[%dma_start3A_126, %multiple_of3A] : memref<64x1000000xf32, #tpu.memory_space<hbm>> -> memref<64x128xf32, #tpu.memory_space<hbm>>
      %dma_start3A_128 = tpu.memref_slice %arg16[%dma_start3A_121] : memref<8x!tpu.dma_semaphore, #tpu.memory_space<semaphore_mem>> -> memref<1x!tpu.dma_semaphore, #tpu.memory_space<semaphore_mem>>
      %dma_start3A_129 = tpu.memref_squeeze %dma_start3A_128 : memref<1x!tpu.dma_semaphore, #tpu.memory_space<semaphore_mem>> -> memref<!tpu.dma_semaphore, #tpu.memory_space<semaphore_mem>>
      %dma_start3A_130 = arith.constant 0 : i32
      %dma_start3A_131 = arith.constant 0 : i32
      %dma_start3A_132 = tpu.memref_slice %arg11[%dma_start3A, %dma_start3A_130, %dma_start3A_131] : memref<8x64x128xf32, #tpu.memory_space<vmem>> -> memref<1x64x128xf32, #tpu.memory_space<vmem>>
      %dma_start3A_133 = tpu.memref_squeeze %dma_start3A_132 : memref<1x64x128xf32, #tpu.memory_space<vmem>> -> memref<64x128xf32, #tpu.memory_space<vmem>>
      %dma_start3A_134 = arith.constant 0 : i32
      %dma_start3A_135 = tpu.memref_slice %arg3[%dma_start3A_134, %multiple_of3A] : memref<64x1000000xf32, #tpu.memory_space<hbm>> -> memref<64x128xf32, #tpu.memory_space<hbm>>
      tpu.enqueue_dma source(%dma_start3A_135 : memref<64x128xf32, #tpu.memory_space<hbm>>) target(%dma_start3A_133 : memref<64x128xf32, #tpu.memory_space<vmem>>) target_semaphore(%dma_start3A_129 : memref<!tpu.dma_semaphore, #tpu.memory_space<semaphore_mem>>)
    } else {
    }
    %gt3A_24 = arith.constant 4 : i32
    %gt3A_25 = arith.cmpi sgt, %min3A, %gt3A_24 : i32
    %convert_element_type3A_26 = arith.extui %gt3A_25 : i1 to i32
    %cond3A_27 = arith.constant 0 : i32
    %cond3A_28 = arith.cmpi ne, %convert_element_type3A_26, %cond3A_27 : i32
    scf.if %cond3A_28 {
      %add3A_117 = arith.constant 4 : i32
      %add3A_118 = arith.addi %mul3A_2, %add3A_117 : i32
      %mul3A_119 = arith.constant 128 : i32
      %mul3A_120 = arith.muli %add3A_118, %mul3A_119 : i32
      %multiple_of3A = tpu.assume_multiple %mul3A_120, 128 : i32
      %dma_start3A = arith.constant 4 : i32
      %dma_start3A_121 = arith.constant 4 : i32
      %dma_start3A_122 = arith.constant 0 : i32
      %dma_start3A_123 = arith.constant 0 : i32
      %dma_start3A_124 = tpu.memref_slice %arg11[%dma_start3A, %dma_start3A_122, %dma_start3A_123] : memref<8x64x128xf32, #tpu.memory_space<vmem>> -> memref<1x64x128xf32, #tpu.memory_space<vmem>>
      %dma_start3A_125 = tpu.memref_squeeze %dma_start3A_124 : memref<1x64x128xf32, #tpu.memory_space<vmem>> -> memref<64x128xf32, #tpu.memory_space<vmem>>
      %dma_start3A_126 = arith.constant 0 : i32
      %dma_start3A_127 = tpu.memref_slice %arg3[%dma_start3A_126, %multiple_of3A] : memref<64x1000000xf32, #tpu.memory_space<hbm>> -> memref<64x128xf32, #tpu.memory_space<hbm>>
      %dma_start3A_128 = tpu.memref_slice %arg16[%dma_start3A_121] : memref<8x!tpu.dma_semaphore, #tpu.memory_space<semaphore_mem>> -> memref<1x!tpu.dma_semaphore, #tpu.memory_space<semaphore_mem>>
      %dma_start3A_129 = tpu.memref_squeeze %dma_start3A_128 : memref<1x!tpu.dma_semaphore, #tpu.memory_space<semaphore_mem>> -> memref<!tpu.dma_semaphore, #tpu.memory_space<semaphore_mem>>
      %dma_start3A_130 = arith.constant 0 : i32
      %dma_start3A_131 = arith.constant 0 : i32
      %dma_start3A_132 = tpu.memref_slice %arg11[%dma_start3A, %dma_start3A_130, %dma_start3A_131] : memref<8x64x128xf32, #tpu.memory_space<vmem>> -> memref<1x64x128xf32, #tpu.memory_space<vmem>>
      %dma_start3A_133 = tpu.memref_squeeze %dma_start3A_132 : memref<1x64x128xf32, #tpu.memory_space<vmem>> -> memref<64x128xf32, #tpu.memory_space<vmem>>
      %dma_start3A_134 = arith.constant 0 : i32
      %dma_start3A_135 = tpu.memref_slice %arg3[%dma_start3A_134, %multiple_of3A] : memref<64x1000000xf32, #tpu.memory_space<hbm>> -> memref<64x128xf32, #tpu.memory_space<hbm>>
      tpu.enqueue_dma source(%dma_start3A_135 : memref<64x128xf32, #tpu.memory_space<hbm>>) target(%dma_start3A_133 : memref<64x128xf32, #tpu.memory_space<vmem>>) target_semaphore(%dma_start3A_129 : memref<!tpu.dma_semaphore, #tpu.memory_space<semaphore_mem>>)
    } else {
    }
    %gt3A_29 = arith.constant 5 : i32
    %gt3A_30 = arith.cmpi sgt, %min3A, %gt3A_29 : i32
    %convert_element_type3A_31 = arith.extui %gt3A_30 : i1 to i32
    %cond3A_32 = arith.constant 0 : i32
    %cond3A_33 = arith.cmpi ne, %convert_element_type3A_31, %cond3A_32 : i32
    scf.if %cond3A_33 {
      %add3A_117 = arith.constant 5 : i32
      %add3A_118 = arith.addi %mul3A_2, %add3A_117 : i32
      %mul3A_119 = arith.constant 128 : i32
      %mul3A_120 = arith.muli %add3A_118, %mul3A_119 : i32
      %multiple_of3A = tpu.assume_multiple %mul3A_120, 128 : i32
      %dma_start3A = arith.constant 5 : i32
      %dma_start3A_121 = arith.constant 5 : i32
      %dma_start3A_122 = arith.constant 0 : i32
      %dma_start3A_123 = arith.constant 0 : i32
      %dma_start3A_124 = tpu.memref_slice %arg11[%dma_start3A, %dma_start3A_122, %dma_start3A_123] : memref<8x64x128xf32, #tpu.memory_space<vmem>> -> memref<1x64x128xf32, #tpu.memory_space<vmem>>
      %dma_start3A_125 = tpu.memref_squeeze %dma_start3A_124 : memref<1x64x128xf32, #tpu.memory_space<vmem>> -> memref<64x128xf32, #tpu.memory_space<vmem>>
      %dma_start3A_126 = arith.constant 0 : i32
      %dma_start3A_127 = tpu.memref_slice %arg3[%dma_start3A_126, %multiple_of3A] : memref<64x1000000xf32, #tpu.memory_space<hbm>> -> memref<64x128xf32, #tpu.memory_space<hbm>>
      %dma_start3A_128 = tpu.memref_slice %arg16[%dma_start3A_121] : memref<8x!tpu.dma_semaphore, #tpu.memory_space<semaphore_mem>> -> memref<1x!tpu.dma_semaphore, #tpu.memory_space<semaphore_mem>>
      %dma_start3A_129 = tpu.memref_squeeze %dma_start3A_128 : memref<1x!tpu.dma_semaphore, #tpu.memory_space<semaphore_mem>> -> memref<!tpu.dma_semaphore, #tpu.memory_space<semaphore_mem>>
      %dma_start3A_130 = arith.constant 0 : i32
      %dma_start3A_131 = arith.constant 0 : i32
      %dma_start3A_132 = tpu.memref_slice %arg11[%dma_start3A, %dma_start3A_130, %dma_start3A_131] : memref<8x64x128xf32, #tpu.memory_space<vmem>> -> memref<1x64x128xf32, #tpu.memory_space<vmem>>
      %dma_start3A_133 = tpu.memref_squeeze %dma_start3A_132 : memref<1x64x128xf32, #tpu.memory_space<vmem>> -> memref<64x128xf32, #tpu.memory_space<vmem>>
      %dma_start3A_134 = arith.constant 0 : i32
      %dma_start3A_135 = tpu.memref_slice %arg3[%dma_start3A_134, %multiple_of3A] : memref<64x1000000xf32, #tpu.memory_space<hbm>> -> memref<64x128xf32, #tpu.memory_space<hbm>>
      tpu.enqueue_dma source(%dma_start3A_135 : memref<64x128xf32, #tpu.memory_space<hbm>>) target(%dma_start3A_133 : memref<64x128xf32, #tpu.memory_space<vmem>>) target_semaphore(%dma_start3A_129 : memref<!tpu.dma_semaphore, #tpu.memory_space<semaphore_mem>>)
    } else {
    }
    %gt3A_34 = arith.constant 6 : i32
    %gt3A_35 = arith.cmpi sgt, %min3A, %gt3A_34 : i32
    %convert_element_type3A_36 = arith.extui %gt3A_35 : i1 to i32
    %cond3A_37 = arith.constant 0 : i32
    %cond3A_38 = arith.cmpi ne, %convert_element_type3A_36, %cond3A_37 : i32
    scf.if %cond3A_38 {
      %add3A_117 = arith.constant 6 : i32
      %add3A_118 = arith.addi %mul3A_2, %add3A_117 : i32
      %mul3A_119 = arith.constant 128 : i32
      %mul3A_120 = arith.muli %add3A_118, %mul3A_119 : i32
      %multiple_of3A = tpu.assume_multiple %mul3A_120, 128 : i32
      %dma_start3A = arith.constant 6 : i32
      %dma_start3A_121 = arith.constant 6 : i32
      %dma_start3A_122 = arith.constant 0 : i32
      %dma_start3A_123 = arith.constant 0 : i32
      %dma_start3A_124 = tpu.memref_slice %arg11[%dma_start3A, %dma_start3A_122, %dma_start3A_123] : memref<8x64x128xf32, #tpu.memory_space<vmem>> -> memref<1x64x128xf32, #tpu.memory_space<vmem>>
      %dma_start3A_125 = tpu.memref_squeeze %dma_start3A_124 : memref<1x64x128xf32, #tpu.memory_space<vmem>> -> memref<64x128xf32, #tpu.memory_space<vmem>>
      %dma_start3A_126 = arith.constant 0 : i32
      %dma_start3A_127 = tpu.memref_slice %arg3[%dma_start3A_126, %multiple_of3A] : memref<64x1000000xf32, #tpu.memory_space<hbm>> -> memref<64x128xf32, #tpu.memory_space<hbm>>
      %dma_start3A_128 = tpu.memref_slice %arg16[%dma_start3A_121] : memref<8x!tpu.dma_semaphore, #tpu.memory_space<semaphore_mem>> -> memref<1x!tpu.dma_semaphore, #tpu.memory_space<semaphore_mem>>
      %dma_start3A_129 = tpu.memref_squeeze %dma_start3A_128 : memref<1x!tpu.dma_semaphore, #tpu.memory_space<semaphore_mem>> -> memref<!tpu.dma_semaphore, #tpu.memory_space<semaphore_mem>>
      %dma_start3A_130 = arith.constant 0 : i32
      %dma_start3A_131 = arith.constant 0 : i32
      %dma_start3A_132 = tpu.memref_slice %arg11[%dma_start3A, %dma_start3A_130, %dma_start3A_131] : memref<8x64x128xf32, #tpu.memory_space<vmem>> -> memref<1x64x128xf32, #tpu.memory_space<vmem>>
      %dma_start3A_133 = tpu.memref_squeeze %dma_start3A_132 : memref<1x64x128xf32, #tpu.memory_space<vmem>> -> memref<64x128xf32, #tpu.memory_space<vmem>>
      %dma_start3A_134 = arith.constant 0 : i32
      %dma_start3A_135 = tpu.memref_slice %arg3[%dma_start3A_134, %multiple_of3A] : memref<64x1000000xf32, #tpu.memory_space<hbm>> -> memref<64x128xf32, #tpu.memory_space<hbm>>
      tpu.enqueue_dma source(%dma_start3A_135 : memref<64x128xf32, #tpu.memory_space<hbm>>) target(%dma_start3A_133 : memref<64x128xf32, #tpu.memory_space<vmem>>) target_semaphore(%dma_start3A_129 : memref<!tpu.dma_semaphore, #tpu.memory_space<semaphore_mem>>)
    } else {
    }
    "tpu.region"() ({
      %run_scoped3A = tpu.sem_alloc : memref<!tpu.dma_semaphore, #tpu.memory_space<semaphore_mem>>
      %dma_start3A = arith.constant 0 : i32
      %dma_start3A_117 = tpu.memref_slice %arg5[%dma_start3A] : memref<16400xi32, #tpu.memory_space<vmem>> -> memref<16384xi32, #tpu.memory_space<vmem>>
      %dma_start3A_118 = arith.constant 0 : i32
      %dma_start3A_119 = tpu.memref_slice %arg5[%dma_start3A_118] : memref<16400xi32, #tpu.memory_space<vmem>> -> memref<16384xi32, #tpu.memory_space<vmem>>
      tpu.enqueue_dma source(%arg2 : memref<16384xi32, #tpu.memory_space<hbm>>) target(%dma_start3A_119 : memref<16384xi32, #tpu.memory_space<vmem>>) target_semaphore(%run_scoped3A : memref<!tpu.dma_semaphore, #tpu.memory_space<semaphore_mem>>)
      %dma_wait3A = arith.constant 0 : i32
      %dma_wait3A_120 = tpu.memref_slice %arg5[%dma_wait3A] : memref<16400xi32, #tpu.memory_space<vmem>> -> memref<16384xi32, #tpu.memory_space<vmem>>
      %dma_wait3A_121 = arith.constant 0 : i32
      %dma_wait3A_122 = tpu.memref_slice %arg5[%dma_wait3A_121] : memref<16400xi32, #tpu.memory_space<vmem>> -> memref<16384xi32, #tpu.memory_space<vmem>>
      tpu.wait_dma2 semaphore(%run_scoped3A : memref<!tpu.dma_semaphore, #tpu.memory_space<semaphore_mem>>) src(%arg2 : memref<16384xi32, #tpu.memory_space<hbm>>) dst(%dma_wait3A_122 : memref<16384xi32, #tpu.memory_space<vmem>>)
      tpu.yield
    }) : () -> ()
    %iota3A = tpu.iota {dimensions = array<i32: 0>} : vector<16xi32>
    %eq3A = arith.constant 0 : i32
    %eq3A_39 = vector.broadcast %eq3A : i32 to vector<16xi32>
    %eq3A_40 = arith.cmpi eq, %iota3A, %eq3A_39 : vector<16xi32>
    %broadcast_in_dim3A = arith.constant 1 : i32
    %broadcast_in_dim3A_41 = vector.broadcast %broadcast_in_dim3A : i32 to vector<16xi32>
    %scan3A = arith.constant 0 : i32
    %scan3A_42 = arith.constant 0 : i32
    %scan3A_43 = arith.constant 1024 : i32
    %scan3A_44 = arith.addi %scan3A_42, %scan3A_43 : i32
    %scan3A_45 = arith.constant 1 : i32
    %scan3A_46 = scf.for %scan3A_117 = %scan3A_42 to %scan3A_44 step %scan3A_45 iter_args(%scan3A_118 = %scan3A) -> (i32)  : i32 {
      %mul3A_119 = arith.constant 16 : i32
      %mul3A_120 = arith.muli %scan3A_117, %mul3A_119 : i32
      %get3A = arith.index_cast %mul3A_120 : i32 to index
      %get3A_121 = tpu.vector_load %arg5[%get3A] {strides = array<i32>} : memref<16400xi32, #tpu.memory_space<vmem>>, vector<16xi32>,
      %shift_right_arithmetic3A = arith.constant 7 : i32
      %shift_right_arithmetic3A_122 = vector.broadcast %shift_right_arithmetic3A : i32 to vector<16xi32>
      %shift_right_arithmetic3A_123 = arith.shrsi %get3A_121, %shift_right_arithmetic3A_122 : vector<16xi32>
      %ge3A = vector.broadcast %mul3A_2 : i32 to vector<16xi32>
      %ge3A_124 = arith.cmpi sge, %shift_right_arithmetic3A_123, %ge3A : vector<16xi32>
      %lt3A = vector.broadcast %add3A_4 : i32 to vector<16xi32>
      %lt3A_125 = arith.cmpi slt, %shift_right_arithmetic3A_123, %lt3A : vector<16xi32>
      %and3A = arith.andi %ge3A_124, %lt3A_125 : vector<16xi1>
      %mul3A_126 = arith.constant 16 : i32
      %mul3A_127 = arith.muli %scan3A_117, %mul3A_126 : i32
      %add3A_128 = vector.broadcast %mul3A_127 : i32 to vector<16xi32>
      %add3A_129 = arith.addi %iota3A, %add3A_128 : vector<16xi32>
      %swap3A = arith.index_cast %scan3A_118 : i32 to index
      %swap3A_130 = tpu.vector_load %arg6[%swap3A] masked %and3A {strides = array<i32>} : memref<16400xi32, #tpu.memory_space<vmem>>, vector<16xi32>, vector<16xi1>
      tpu.vector_store %arg6[%swap3A], %add3A_129 masked %and3A {strides = array<i32>} : memref<16400xi32, #tpu.memory_space<vmem>>, vector<16xi32>, vector<16xi1>
      %all_reduce_population_count3A = tpu.all_reduce %and3A {dim = 0 : i64, kind = #tpu.reduction_kind<sum>} : vector<16xi1> -> vector<16xi32>
      %slice3A = vector.extract_strided_slice %all_reduce_population_count3A {offsets = [0], sizes = [1], strides = [1]} : vector<16xi32> to vector<1xi32>
      %squeeze3A = vector.extract %slice3A[0] : i32 from vector<1xi32>
      %add3A_131 = arith.addi %scan3A_118, %squeeze3A : i32
      scf.yield %add3A_131 : i32
    }
    %scan3A_47 = arith.constant 1024 : i32
    %scan3A_48 = arith.constant 0 : i32
    %scan3A_49 = arith.constant 0 : i32
    %scan3A_50 = arith.constant 16 : i32
    %scan3A_51 = arith.addi %scan3A_49, %scan3A_50 : i32
    %scan3A_52 = arith.constant 1 : i32
    %scan3A_53 = scf.for %scan3A_117 = %scan3A_49 to %scan3A_51 step %scan3A_52 iter_args(%scan3A_118 = %scan3A_48) -> (i32)  : i32 {
      %broadcast_in_dim3A_119 = arith.constant 0 : i32
      %broadcast_in_dim3A_120 = vector.broadcast %broadcast_in_dim3A_119 : i32 to vector<16xi32>
      %mul3A_121 = arith.constant 16 : i32
      %mul3A_122 = arith.muli %scan3A_117, %mul3A_121 : i32
      %swap3A = arith.index_cast %mul3A_122 : i32 to index
      %swap3A_123 = tpu.vector_load %arg10[%swap3A] {strides = array<i32>} : memref<272xi32, #tpu.memory_space<vmem>>, vector<16xi32>,
      tpu.vector_store %arg10[%swap3A], %broadcast_in_dim3A_120 {strides = array<i32>} : memref<272xi32, #tpu.memory_space<vmem>>, vector<16xi32>,
      %broadcast_in_dim3A_124 = arith.constant 0 : i32
      %broadcast_in_dim3A_125 = vector.broadcast %broadcast_in_dim3A_124 : i32 to vector<16xi32>
      %mul3A_126 = arith.constant 16 : i32
      %mul3A_127 = arith.muli %scan3A_117, %mul3A_126 : i32
      %swap3A_128 = arith.index_cast %mul3A_127 : i32 to index
      %swap3A_129 = tpu.vector_load %arg8[%swap3A_128] {strides = array<i32>} : memref<272xi32, #tpu.memory_space<vmem>>, vector<16xi32>,
      tpu.vector_store %arg8[%swap3A_128], %broadcast_in_dim3A_125 {strides = array<i32>} : memref<272xi32, #tpu.memory_space<vmem>>, vector<16xi32>,
      %scan3A_130 = arith.constant 0 : i32
      scf.yield %scan3A_130 : i32
    }
    %scan3A_54 = arith.constant 16 : i32
    %while3A = arith.constant 0 : i32
    %while3A_55 = arith.constant 0 : i32
    %while3A_56 = arith.subi %scan3A_46, %while3A : i32
    %while3A_57 = arith.addi %while3A, %while3A_56 : i32
    %while3A_58 = arith.constant 1 : i32
    %while3A_59 = arith.divsi %while3A_56, %while3A_58 : i32
    %while3A_60 = arith.muli %while3A_59, %while3A_58 : i32
    %while3A_61 = arith.addi %while3A, %while3A_60 : i32
    %while3A_62 = arith.constant 1 : i32
    %while3A_63 = scf.for %while3A_117 = %while3A to %while3A_61 step %while3A_62 iter_args(%while3A_118 = %while3A_55) -> (i32)  : i32 {
      %get3A = arith.index_cast %while3A_117 : i32 to index
      %get3A_119 = tpu.vector_load %arg6[%get3A] {strides = array<i32>} : memref<16400xi32, #tpu.memory_space<vmem>>, vector<16xi32>,
      %slice3A = vector.extract_strided_slice %get3A_119 {offsets = [0], sizes = [1], strides = [1]} : vector<16xi32> to vector<1xi32>
      %squeeze3A = vector.extract %slice3A[0] : i32 from vector<1xi32>
      %get3A_120 = arith.index_cast %squeeze3A : i32 to index
      %get3A_121 = tpu.vector_load %arg5[%get3A_120] {strides = array<i32>} : memref<16400xi32, #tpu.memory_space<vmem>>, vector<16xi32>,
      %slice3A_122 = vector.extract_strided_slice %get3A_121 {offsets = [0], sizes = [1], strides = [1]} : vector<16xi32> to vector<1xi32>
      %squeeze3A_123 = vector.extract %slice3A_122[0] : i32 from vector<1xi32>
      %shift_right_arithmetic3A = arith.constant 7 : i32
      %shift_right_arithmetic3A_124 = arith.shrsi %squeeze3A_123, %shift_right_arithmetic3A : i32
      %sub3A_125 = arith.subi %shift_right_arithmetic3A_124, %mul3A_2 : i32
      %broadcast_in_dim3A_126 = vector.broadcast %sub3A_125 : i32 to vector<16xi32>
      tpu.vector_store_idx %arg8[%broadcast_in_dim3A_126], %broadcast_in_dim3A_41 masked %eq3A_40 {add = true} : memref<272xi32, #tpu.memory_space<vmem>>[vector<16xi32>], vector<16xi32>, vector<16xi1>
      %while3A_127 = arith.constant 0 : i32
      scf.yield %while3A_127 : i32
    }
    %while3A_64 = arith.constant 1 : i32
    %while3A_65 = scf.for %while3A_117 = %while3A_61 to %while3A_57 step %while3A_64 iter_args(%while3A_118 = %while3A_63) -> (i32)  : i32 {
      %get3A = arith.index_cast %while3A_117 : i32 to index
      %get3A_119 = tpu.vector_load %arg6[%get3A] {strides = array<i32>} : memref<16400xi32, #tpu.memory_space<vmem>>, vector<16xi32>,
      %slice3A = vector.extract_strided_slice %get3A_119 {offsets = [0], sizes = [1], strides = [1]} : vector<16xi32> to vector<1xi32>
      %squeeze3A = vector.extract %slice3A[0] : i32 from vector<1xi32>
      %get3A_120 = arith.index_cast %squeeze3A : i32 to index
      %get3A_121 = tpu.vector_load %arg5[%get3A_120] {strides = array<i32>} : memref<16400xi32, #tpu.memory_space<vmem>>, vector<16xi32>,
      %slice3A_122 = vector.extract_strided_slice %get3A_121 {offsets = [0], sizes = [1], strides = [1]} : vector<16xi32> to vector<1xi32>
      %squeeze3A_123 = vector.extract %slice3A_122[0] : i32 from vector<1xi32>
      %shift_right_arithmetic3A = arith.constant 7 : i32
      %shift_right_arithmetic3A_124 = arith.shrsi %squeeze3A_123, %shift_right_arithmetic3A : i32
      %sub3A_125 = arith.subi %shift_right_arithmetic3A_124, %mul3A_2 : i32
      %broadcast_in_dim3A_126 = vector.broadcast %sub3A_125 : i32 to vector<16xi32>
      tpu.vector_store_idx %arg8[%broadcast_in_dim3A_126], %broadcast_in_dim3A_41 masked %eq3A_40 {add = true} : memref<272xi32, #tpu.memory_space<vmem>>[vector<16xi32>], vector<16xi32>, vector<16xi1>
      %while3A_127 = arith.constant 0 : i32
      scf.yield %while3A_127 : i32
    }
    %scan3A_66 = arith.constant 0 : i32
    %scan3A_67 = arith.constant 0 : i32
    %scan3A_68 = arith.constant 16 : i32
    %scan3A_69 = arith.addi %scan3A_67, %scan3A_68 : i32
    %scan3A_70 = arith.constant 1 : i32
    %scan3A_71 = scf.for %scan3A_117 = %scan3A_67 to %scan3A_69 step %scan3A_70 iter_args(%scan3A_118 = %scan3A_66) -> (i32)  : i32 {
      %mul3A_119 = arith.constant 16 : i32
      %mul3A_120 = arith.muli %scan3A_117, %mul3A_119 : i32
      %get3A = arith.index_cast %mul3A_120 : i32 to index
      %get3A_121 = tpu.vector_load %arg8[%get3A] {strides = array<i32>} : memref<272xi32, #tpu.memory_space<vmem>>, vector<16xi32>,
      %broadcast_in_dim3A_122 = arith.constant true
      %broadcast_in_dim3A_123 = vector.broadcast %broadcast_in_dim3A_122 : i1 to vector<16xi1>
      %masked_cumsum3A = tpu.scan <sum>, %get3A_121 masked %broadcast_in_dim3A_123 : vector<16xi32>, vector<16xi1> -> vector<16xi32>
      %sub3A_124 = arith.subi %masked_cumsum3A, %get3A_121 : vector<16xi32>
      %add3A_125 = vector.broadcast %scan3A_118 : i32 to vector<16xi32>
      %add3A_126 = arith.addi %sub3A_124, %add3A_125 : vector<16xi32>
      %mul3A_127 = arith.constant 16 : i32
      %mul3A_128 = arith.muli %scan3A_117, %mul3A_127 : i32
      %swap3A = arith.index_cast %mul3A_128 : i32 to index
      %swap3A_129 = tpu.vector_load %arg9[%swap3A] {strides = array<i32>} : memref<272xi32, #tpu.memory_space<vmem>>, vector<16xi32>,
      tpu.vector_store %arg9[%swap3A], %add3A_126 {strides = array<i32>} : memref<272xi32, #tpu.memory_space<vmem>>, vector<16xi32>,
      %mul3A_130 = arith.constant 16 : i32
      %mul3A_131 = arith.muli %scan3A_117, %mul3A_130 : i32
      %swap3A_132 = arith.index_cast %mul3A_131 : i32 to index
      %swap3A_133 = tpu.vector_load %arg10[%swap3A_132] {strides = array<i32>} : memref<272xi32, #tpu.memory_space<vmem>>, vector<16xi32>,
      tpu.vector_store %arg10[%swap3A_132], %add3A_126 {strides = array<i32>} : memref<272xi32, #tpu.memory_space<vmem>>, vector<16xi32>,
      %slice3A = vector.extract_strided_slice %masked_cumsum3A {offsets = [15], sizes = [1], strides = [1]} : vector<16xi32> to vector<1xi32>
      %squeeze3A = vector.extract %slice3A[0] : i32 from vector<1xi32>
      %add3A_134 = arith.addi %scan3A_118, %squeeze3A : i32
      scf.yield %add3A_134 : i32
    }
    %scan3A_72 = arith.constant 16 : i32
    %while3A_73 = arith.constant 0 : i32
    %while3A_74 = arith.constant 0 : i32
    %while3A_75 = arith.subi %scan3A_46, %while3A_73 : i32
    %while3A_76 = arith.addi %while3A_73, %while3A_75 : i32
    %while3A_77 = arith.constant 1 : i32
    %while3A_78 = arith.divsi %while3A_75, %while3A_77 : i32
    %while3A_79 = arith.muli %while3A_78, %while3A_77 : i32
    %while3A_80 = arith.addi %while3A_73, %while3A_79 : i32
    %while3A_81 = arith.constant 1 : i32
    %while3A_82 = scf.for %while3A_117 = %while3A_73 to %while3A_80 step %while3A_81 iter_args(%while3A_118 = %while3A_74) -> (i32)  : i32 {
      %get3A = arith.index_cast %while3A_117 : i32 to index
      %get3A_119 = tpu.vector_load %arg6[%get3A] {strides = array<i32>} : memref<16400xi32, #tpu.memory_space<vmem>>, vector<16xi32>,
      %slice3A = vector.extract_strided_slice %get3A_119 {offsets = [0], sizes = [1], strides = [1]} : vector<16xi32> to vector<1xi32>
      %squeeze3A = vector.extract %slice3A[0] : i32 from vector<1xi32>
      %get3A_120 = arith.index_cast %squeeze3A : i32 to index
      %get3A_121 = tpu.vector_load %arg5[%get3A_120] {strides = array<i32>} : memref<16400xi32, #tpu.memory_space<vmem>>, vector<16xi32>,
      %slice3A_122 = vector.extract_strided_slice %get3A_121 {offsets = [0], sizes = [1], strides = [1]} : vector<16xi32> to vector<1xi32>
      %squeeze3A_123 = vector.extract %slice3A_122[0] : i32 from vector<1xi32>
      %shift_right_arithmetic3A = arith.constant 7 : i32
      %shift_right_arithmetic3A_124 = arith.shrsi %squeeze3A_123, %shift_right_arithmetic3A : i32
      %sub3A_125 = arith.subi %shift_right_arithmetic3A_124, %mul3A_2 : i32
      %broadcast_in_dim3A_126 = vector.broadcast %sub3A_125 : i32 to vector<16xi32>
      %gather3A = tpu.vector_load_idx %arg10[%broadcast_in_dim3A_126] : memref<272xi32, #tpu.memory_space<vmem>>[vector<16xi32>], vector<16xi32>,
      %slice3A_127 = vector.extract_strided_slice %gather3A {offsets = [0], sizes = [1], strides = [1]} : vector<16xi32> to vector<1xi32>
      %squeeze3A_128 = vector.extract %slice3A_127[0] : i32 from vector<1xi32>
      %broadcast_in_dim3A_129 = vector.broadcast %squeeze3A_128 : i32 to vector<16xi32>
      %broadcast_in_dim3A_130 = vector.broadcast %squeeze3A : i32 to vector<16xi32>
      tpu.vector_store_idx %arg7[%broadcast_in_dim3A_129], %broadcast_in_dim3A_130 masked %eq3A_40 : memref<16400xi32, #tpu.memory_space<vmem>>[vector<16xi32>], vector<16xi32>, vector<16xi1>
      tpu.vector_store_idx %arg10[%broadcast_in_dim3A_126], %broadcast_in_dim3A_41 masked %eq3A_40 {add = true} : memref<272xi32, #tpu.memory_space<vmem>>[vector<16xi32>], vector<16xi32>, vector<16xi1>
      %while3A_131 = arith.constant 0 : i32
      scf.yield %while3A_131 : i32
    }
    %while3A_83 = arith.constant 1 : i32
    %while3A_84 = scf.for %while3A_117 = %while3A_80 to %while3A_76 step %while3A_83 iter_args(%while3A_118 = %while3A_82) -> (i32)  : i32 {
      %get3A = arith.index_cast %while3A_117 : i32 to index
      %get3A_119 = tpu.vector_load %arg6[%get3A] {strides = array<i32>} : memref<16400xi32, #tpu.memory_space<vmem>>, vector<16xi32>,
      %slice3A = vector.extract_strided_slice %get3A_119 {offsets = [0], sizes = [1], strides = [1]} : vector<16xi32> to vector<1xi32>
      %squeeze3A = vector.extract %slice3A[0] : i32 from vector<1xi32>
      %get3A_120 = arith.index_cast %squeeze3A : i32 to index
      %get3A_121 = tpu.vector_load %arg5[%get3A_120] {strides = array<i32>} : memref<16400xi32, #tpu.memory_space<vmem>>, vector<16xi32>,
      %slice3A_122 = vector.extract_strided_slice %get3A_121 {offsets = [0], sizes = [1], strides = [1]} : vector<16xi32> to vector<1xi32>
      %squeeze3A_123 = vector.extract %slice3A_122[0] : i32 from vector<1xi32>
      %shift_right_arithmetic3A = arith.constant 7 : i32
      %shift_right_arithmetic3A_124 = arith.shrsi %squeeze3A_123, %shift_right_arithmetic3A : i32
      %sub3A_125 = arith.subi %shift_right_arithmetic3A_124, %mul3A_2 : i32
      %broadcast_in_dim3A_126 = vector.broadcast %sub3A_125 : i32 to vector<16xi32>
      %gather3A = tpu.vector_load_idx %arg10[%broadcast_in_dim3A_126] : memref<272xi32, #tpu.memory_space<vmem>>[vector<16xi32>], vector<16xi32>,
      %slice3A_127 = vector.extract_strided_slice %gather3A {offsets = [0], sizes = [1], strides = [1]} : vector<16xi32> to vector<1xi32>
      %squeeze3A_128 = vector.extract %slice3A_127[0] : i32 from vector<1xi32>
      %broadcast_in_dim3A_129 = vector.broadcast %squeeze3A_128 : i32 to vector<16xi32>
      %broadcast_in_dim3A_130 = vector.broadcast %squeeze3A : i32 to vector<16xi32>
      tpu.vector_store_idx %arg7[%broadcast_in_dim3A_129], %broadcast_in_dim3A_130 masked %eq3A_40 : memref<16400xi32, #tpu.memory_space<vmem>>[vector<16xi32>], vector<16xi32>, vector<16xi1>
      tpu.vector_store_idx %arg10[%broadcast_in_dim3A_126], %broadcast_in_dim3A_41 masked %eq3A_40 {add = true} : memref<272xi32, #tpu.memory_space<vmem>>[vector<16xi32>], vector<16xi32>, vector<16xi1>
      %while3A_131 = arith.constant 0 : i32
      scf.yield %while3A_131 : i32
    }
    %while3A_85 = arith.constant 0 : i32
    %while3A_86 = arith.constant 0 : i32
    %while3A_87 = arith.subi %min3A, %while3A_85 : i32
    %while3A_88 = arith.addi %while3A_85, %while3A_87 : i32
    %while3A_89 = arith.constant 1 : i32
    %while3A_90 = arith.divsi %while3A_87, %while3A_89 : i32
    %while3A_91 = arith.muli %while3A_90, %while3A_89 : i32
    %while3A_92 = arith.addi %while3A_85, %while3A_91 : i32
    %while3A_93 = arith.constant 1 : i32
    %while3A_94 = scf.for %while3A_117 = %while3A_85 to %while3A_92 step %while3A_93 iter_args(%while3A_118 = %while3A_86) -> (i32)  : i32 {
      %and3A = arith.constant 7 : i32
      %and3A_119 = arith.andi %while3A_117, %and3A : i32
      %add3A_120 = arith.constant 7 : i32
      %add3A_121 = arith.addi %while3A_117, %add3A_120 : i32
      %lt3A = arith.cmpi slt, %add3A_121, %min3A : i32
      %convert_element_type3A_122 = arith.extui %lt3A : i1 to i32
      %cond3A_123 = arith.constant 0 : i32
      %cond3A_124 = arith.cmpi ne, %convert_element_type3A_122, %cond3A_123 : i32
      scf.if %cond3A_124 {
        %add3A_156 = arith.constant 7 : i32
        %add3A_157 = arith.addi %while3A_117, %add3A_156 : i32
        %add3A_158 = arith.constant 7 : i32
        %add3A_159 = arith.addi %while3A_117, %add3A_158 : i32
        %and3A_160 = arith.constant 7 : i32
        %and3A_161 = arith.andi %add3A_159, %and3A_160 : i32
        %add3A_162 = arith.addi %mul3A_2, %add3A_157 : i32
        %mul3A_163 = arith.constant 128 : i32
        %mul3A_164 = arith.muli %add3A_162, %mul3A_163 : i32
        %multiple_of3A = tpu.assume_multiple %mul3A_164, 128 : i32
        %dma_start3A = arith.constant 0 : i32
        %dma_start3A_165 = arith.constant 0 : i32
        %dma_start3A_166 = tpu.memref_slice %arg11[%and3A_161, %dma_start3A, %dma_start3A_165] : memref<8x64x128xf32, #tpu.memory_space<vmem>> -> memref<1x64x128xf32, #tpu.memory_space<vmem>>
        %dma_start3A_167 = tpu.memref_squeeze %dma_start3A_166 : memref<1x64x128xf32, #tpu.memory_space<vmem>> -> memref<64x128xf32, #tpu.memory_space<vmem>>
        %dma_start3A_168 = arith.constant 0 : i32
        %dma_start3A_169 = tpu.memref_slice %arg3[%dma_start3A_168, %multiple_of3A] : memref<64x1000000xf32, #tpu.memory_space<hbm>> -> memref<64x128xf32, #tpu.memory_space<hbm>>
        %dma_start3A_170 = tpu.memref_slice %arg16[%and3A_161] : memref<8x!tpu.dma_semaphore, #tpu.memory_space<semaphore_mem>> -> memref<1x!tpu.dma_semaphore, #tpu.memory_space<semaphore_mem>>
        %dma_start3A_171 = tpu.memref_squeeze %dma_start3A_170 : memref<1x!tpu.dma_semaphore, #tpu.memory_space<semaphore_mem>> -> memref<!tpu.dma_semaphore, #tpu.memory_space<semaphore_mem>>
        %dma_start3A_172 = arith.constant 0 : i32
        %dma_start3A_173 = arith.constant 0 : i32
        %dma_start3A_174 = tpu.memref_slice %arg11[%and3A_161, %dma_start3A_172, %dma_start3A_173] : memref<8x64x128xf32, #tpu.memory_space<vmem>> -> memref<1x64x128xf32, #tpu.memory_space<vmem>>
        %dma_start3A_175 = tpu.memref_squeeze %dma_start3A_174 : memref<1x64x128xf32, #tpu.memory_space<vmem>> -> memref<64x128xf32, #tpu.memory_space<vmem>>
        %dma_start3A_176 = arith.constant 0 : i32
        %dma_start3A_177 = tpu.memref_slice %arg3[%dma_start3A_176, %multiple_of3A] : memref<64x1000000xf32, #tpu.memory_space<hbm>> -> memref<64x128xf32, #tpu.memory_space<hbm>>
        tpu.enqueue_dma source(%dma_start3A_177 : memref<64x128xf32, #tpu.memory_space<hbm>>) target(%dma_start3A_175 : memref<64x128xf32, #tpu.memory_space<vmem>>) target_semaphore(%dma_start3A_171 : memref<!tpu.dma_semaphore, #tpu.memory_space<semaphore_mem>>)
      } else {
      }
      %dma_wait3A = arith.constant 0 : i32
      %dma_wait3A_125 = arith.constant 0 : i32
      %dma_wait3A_126 = tpu.memref_slice %arg11[%and3A_119, %dma_wait3A, %dma_wait3A_125] : memref<8x64x128xf32, #tpu.memory_space<vmem>> -> memref<1x64x128xf32, #tpu.memory_space<vmem>>
      %dma_wait3A_127 = tpu.memref_squeeze %dma_wait3A_126 : memref<1x64x128xf32, #tpu.memory_space<vmem>> -> memref<64x128xf32, #tpu.memory_space<vmem>>
      %dma_wait3A_128 = arith.constant 0 : i32
      %dma_wait3A_129 = arith.constant 0 : i32
      %dma_wait3A_130 = tpu.memref_slice %arg3[%dma_wait3A_128, %dma_wait3A_129] : memref<64x1000000xf32, #tpu.memory_space<hbm>> -> memref<64x128xf32, #tpu.memory_space<hbm>>
      %dma_wait3A_131 = tpu.memref_slice %arg16[%and3A_119] : memref<8x!tpu.dma_semaphore, #tpu.memory_space<semaphore_mem>> -> memref<1x!tpu.dma_semaphore, #tpu.memory_space<semaphore_mem>>
      %dma_wait3A_132 = tpu.memref_squeeze %dma_wait3A_131 : memref<1x!tpu.dma_semaphore, #tpu.memory_space<semaphore_mem>> -> memref<!tpu.dma_semaphore, #tpu.memory_space<semaphore_mem>>
      %dma_wait3A_133 = arith.constant 0 : i32
      %dma_wait3A_134 = arith.constant 0 : i32
      %dma_wait3A_135 = tpu.memref_slice %arg11[%and3A_119, %dma_wait3A_133, %dma_wait3A_134] : memref<8x64x128xf32, #tpu.memory_space<vmem>> -> memref<1x64x128xf32, #tpu.memory_space<vmem>>
      %dma_wait3A_136 = tpu.memref_squeeze %dma_wait3A_135 : memref<1x64x128xf32, #tpu.memory_space<vmem>> -> memref<64x128xf32, #tpu.memory_space<vmem>>
      %dma_wait3A_137 = arith.constant 0 : i32
      %dma_wait3A_138 = arith.constant 0 : i32
      %dma_wait3A_139 = tpu.memref_slice %arg3[%dma_wait3A_137, %dma_wait3A_138] : memref<64x1000000xf32, #tpu.memory_space<hbm>> -> memref<64x128xf32, #tpu.memory_space<hbm>>
      tpu.wait_dma2 semaphore(%dma_wait3A_132 : memref<!tpu.dma_semaphore, #tpu.memory_space<semaphore_mem>>) src(%dma_wait3A_139 : memref<64x128xf32, #tpu.memory_space<hbm>>) dst(%dma_wait3A_136 : memref<64x128xf32, #tpu.memory_space<vmem>>)
      %broadcast_in_dim3A_140 = vector.broadcast %while3A_117 : i32 to vector<16xi32>
      %gather3A = tpu.vector_load_idx %arg9[%broadcast_in_dim3A_140] : memref<272xi32, #tpu.memory_space<vmem>>[vector<16xi32>], vector<16xi32>,
      %slice3A = vector.extract_strided_slice %gather3A {offsets = [0], sizes = [1], strides = [1]} : vector<16xi32> to vector<1xi32>
      %squeeze3A = vector.extract %slice3A[0] : i32 from vector<1xi32>
      %broadcast_in_dim3A_141 = vector.broadcast %while3A_117 : i32 to vector<16xi32>
      %gather3A_142 = tpu.vector_load_idx %arg8[%broadcast_in_dim3A_141] : memref<272xi32, #tpu.memory_space<vmem>>[vector<16xi32>], vector<16xi32>,
      %slice3A_143 = vector.extract_strided_slice %gather3A_142 {offsets = [0], sizes = [1], strides = [1]} : vector<16xi32> to vector<1xi32>
      %squeeze3A_144 = vector.extract %slice3A_143[0] : i32 from vector<1xi32>
      %while3A_145 = arith.constant 0 : i32
      %while3A_146 = arith.subi %squeeze3A_144, %while3A_145 : i32
      %while3A_147 = arith.addi %while3A_145, %while3A_146 : i32
      %while3A_148 = arith.constant 1 : i32
      %while3A_149 = arith.divsi %while3A_146, %while3A_148 : i32
      %while3A_150 = arith.muli %while3A_149, %while3A_148 : i32
      %while3A_151 = arith.addi %while3A_145, %while3A_150 : i32
      %while3A_152 = arith.constant 1 : i32
      %while3A_153 = scf.for %while3A_156 = %while3A_145 to %while3A_151 step %while3A_152 iter_args(%while3A_157 = %while3A_118) -> (i32)  : i32 {
        %add3A_158 = arith.addi %squeeze3A, %while3A_156 : i32
        %and3A_159 = arith.constant 3 : i32
        %and3A_160 = arith.andi %while3A_157, %and3A_159 : i32
        %ge3A = arith.constant 4 : i32
        %ge3A_161 = arith.cmpi sge, %while3A_157, %ge3A : i32
        %convert_element_type3A_162 = arith.extui %ge3A_161 : i1 to i32
        %cond3A_163 = arith.constant 0 : i32
        %cond3A_164 = arith.cmpi ne, %convert_element_type3A_162, %cond3A_163 : i32
        scf.if %cond3A_164 {
          %dma_wait3A_243 = arith.constant 0 : i32
          %dma_wait3A_244 = arith.constant 0 : i32
          %dma_wait3A_245 = arith.constant 0 : i32
          %dma_wait3A_246 = tpu.memref_slice %arg13[%dma_wait3A_243, %dma_wait3A_244, %dma_wait3A_245] : memref<4x1x128xf32, #tpu.memory_space<vmem>> -> memref<1x1x128xf32, #tpu.memory_space<vmem>>
          %dma_wait3A_247 = tpu.memref_squeeze %dma_wait3A_246 : memref<1x1x128xf32, #tpu.memory_space<vmem>> -> memref<1x128xf32, #tpu.memory_space<vmem>>
          %dma_wait3A_248 = arith.constant 0 : i32
          %dma_wait3A_249 = arith.constant 0 : i32
          %dma_wait3A_250 = tpu.memref_slice %arg4[%dma_wait3A_248, %dma_wait3A_249] : memref<16384x128xf32, #tpu.memory_space<hbm>> -> memref<1x128xf32, #tpu.memory_space<hbm>>
          %dma_wait3A_251 = tpu.memref_slice %arg17[%and3A_160] : memref<4x!tpu.dma_semaphore, #tpu.memory_space<semaphore_mem>> -> memref<1x!tpu.dma_semaphore, #tpu.memory_space<semaphore_mem>>
          %dma_wait3A_252 = tpu.memref_squeeze %dma_wait3A_251 : memref<1x!tpu.dma_semaphore, #tpu.memory_space<semaphore_mem>> -> memref<!tpu.dma_semaphore, #tpu.memory_space<semaphore_mem>>
          %dma_wait3A_253 = arith.constant 0 : i32
          %dma_wait3A_254 = arith.constant 0 : i32
          %dma_wait3A_255 = tpu.memref_slice %arg4[%dma_wait3A_253, %dma_wait3A_254] : memref<16384x128xf32, #tpu.memory_space<hbm>> -> memref<1x128xf32, #tpu.memory_space<hbm>>
          %dma_wait3A_256 = arith.constant 0 : i32
          %dma_wait3A_257 = arith.constant 0 : i32
          %dma_wait3A_258 = tpu.memref_slice %arg13[%dma_wait3A_243, %dma_wait3A_256, %dma_wait3A_257] : memref<4x1x128xf32, #tpu.memory_space<vmem>> -> memref<1x1x128xf32, #tpu.memory_space<vmem>>
          %dma_wait3A_259 = tpu.memref_squeeze %dma_wait3A_258 : memref<1x1x128xf32, #tpu.memory_space<vmem>> -> memref<1x128xf32, #tpu.memory_space<vmem>>
          tpu.wait_dma2 semaphore(%dma_wait3A_252 : memref<!tpu.dma_semaphore, #tpu.memory_space<semaphore_mem>>) src(%dma_wait3A_259 : memref<1x128xf32, #tpu.memory_space<vmem>>) dst(%dma_wait3A_255 : memref<1x128xf32, #tpu.memory_space<hbm>>)
        } else {
        }
        %get3A = arith.index_cast %add3A_158 : i32 to index
        %get3A_165 = tpu.vector_load %arg7[%get3A] {strides = array<i32>} : memref<16400xi32, #tpu.memory_space<vmem>>, vector<16xi32>,
        %slice3A_166 = vector.extract_strided_slice %get3A_165 {offsets = [0], sizes = [1], strides = [1]} : vector<16xi32> to vector<1xi32>
        %squeeze3A_167 = vector.extract %slice3A_166[0] : i32 from vector<1xi32>
        %get3A_168 = arith.index_cast %squeeze3A_167 : i32 to index
        %get3A_169 = tpu.vector_load %arg5[%get3A_168] {strides = array<i32>} : memref<16400xi32, #tpu.memory_space<vmem>>, vector<16xi32>,
        %slice3A_170 = vector.extract_strided_slice %get3A_169 {offsets = [0], sizes = [1], strides = [1]} : vector<16xi32> to vector<1xi32>
        %squeeze3A_171 = vector.extract %slice3A_170[0] : i32 from vector<1xi32>
        %and3A_172 = arith.constant 127 : i32
        %and3A_173 = arith.andi %squeeze3A_171, %and3A_172 : i32
        %broadcast_in_dim3A_174 = vector.broadcast %and3A_173 : i32 to vector<16xi32>
        %add3A_175 = arith.constant 0 : i32
        %add3A_176 = vector.broadcast %add3A_175 : i32 to vector<16xi32>
        %add3A_177 = arith.addi %iota3A, %add3A_176 : vector<16xi32>
        %gather3A_178 = arith.constant 0 : i32
        %gather3A_179 = arith.constant 0 : i32
        %gather3A_180 = tpu.memref_slice %arg11[%and3A_119, %gather3A_178, %gather3A_179] : memref<8x64x128xf32, #tpu.memory_space<vmem>> -> memref<1x64x128xf32, #tpu.memory_space<vmem>>
        %gather3A_181 = tpu.memref_squeeze %gather3A_180 : memref<1x64x128xf32, #tpu.memory_space<vmem>> -> memref<64x128xf32, #tpu.memory_space<vmem>>
        %gather3A_182 = tpu.vector_load_idx %gather3A_181[%add3A_177, %broadcast_in_dim3A_174] : memref<64x128xf32, #tpu.memory_space<vmem>>[vector<16xi32>, vector<16xi32>], vector<16xf32>,
        %swap3A = arith.constant 0 : i32
        %swap3A_183 = arith.index_cast %and3A_160 : i32 to index
        %swap3A_184 = arith.index_cast %swap3A : i32 to index
        %swap3A_185 = arith.constant 0 : index
        %swap3A_186 = tpu.vector_load %arg13[%swap3A_183, %swap3A_184, %swap3A_185] {strides = array<i32>} : memref<4x1x128xf32, #tpu.memory_space<vmem>>, vector<16xf32>,
        tpu.vector_store %arg13[%swap3A_183, %swap3A_184, %swap3A_185], %gather3A_182 {strides = array<i32>} : memref<4x1x128xf32, #tpu.memory_space<vmem>>, vector<16xf32>,
        %add3A_187 = arith.constant 16 : i32
        %add3A_188 = vector.broadcast %add3A_187 : i32 to vector<16xi32>
        %add3A_189 = arith.addi %iota3A, %add3A_188 : vector<16xi32>
        %gather3A_190 = arith.constant 0 : i32
        %gather3A_191 = arith.constant 0 : i32
        %gather3A_192 = tpu.memref_slice %arg11[%and3A_119, %gather3A_190, %gather3A_191] : memref<8x64x128xf32, #tpu.memory_space<vmem>> -> memref<1x64x128xf32, #tpu.memory_space<vmem>>
        %gather3A_193 = tpu.memref_squeeze %gather3A_192 : memref<1x64x128xf32, #tpu.memory_space<vmem>> -> memref<64x128xf32, #tpu.memory_space<vmem>>
        %gather3A_194 = tpu.vector_load_idx %gather3A_193[%add3A_189, %broadcast_in_dim3A_174] : memref<64x128xf32, #tpu.memory_space<vmem>>[vector<16xi32>, vector<16xi32>], vector<16xf32>,
        %swap3A_195 = arith.constant 0 : i32
        %swap3A_196 = arith.index_cast %and3A_160 : i32 to index
        %swap3A_197 = arith.index_cast %swap3A_195 : i32 to index
        %swap3A_198 = arith.constant 16 : index
        %swap3A_199 = tpu.vector_load %arg13[%swap3A_196, %swap3A_197, %swap3A_198] {strides = array<i32>} : memref<4x1x128xf32, #tpu.memory_space<vmem>>, vector<16xf32>,
        tpu.vector_store %arg13[%swap3A_196, %swap3A_197, %swap3A_198], %gather3A_194 {strides = array<i32>} : memref<4x1x128xf32, #tpu.memory_space<vmem>>, vector<16xf32>,
        %add3A_200 = arith.constant 32 : i32
        %add3A_201 = vector.broadcast %add3A_200 : i32 to vector<16xi32>
        %add3A_202 = arith.addi %iota3A, %add3A_201 : vector<16xi32>
        %gather3A_203 = arith.constant 0 : i32
        %gather3A_204 = arith.constant 0 : i32
        %gather3A_205 = tpu.memref_slice %arg11[%and3A_119, %gather3A_203, %gather3A_204] : memref<8x64x128xf32, #tpu.memory_space<vmem>> -> memref<1x64x128xf32, #tpu.memory_space<vmem>>
        %gather3A_206 = tpu.memref_squeeze %gather3A_205 : memref<1x64x128xf32, #tpu.memory_space<vmem>> -> memref<64x128xf32, #tpu.memory_space<vmem>>
        %gather3A_207 = tpu.vector_load_idx %gather3A_206[%add3A_202, %broadcast_in_dim3A_174] : memref<64x128xf32, #tpu.memory_space<vmem>>[vector<16xi32>, vector<16xi32>], vector<16xf32>,
        %swap3A_208 = arith.constant 0 : i32
        %swap3A_209 = arith.index_cast %and3A_160 : i32 to index
        %swap3A_210 = arith.index_cast %swap3A_208 : i32 to index
        %swap3A_211 = arith.constant 32 : index
        %swap3A_212 = tpu.vector_load %arg13[%swap3A_209, %swap3A_210, %swap3A_211] {strides = array<i32>} : memref<4x1x128xf32, #tpu.memory_space<vmem>>, vector<16xf32>,
        tpu.vector_store %arg13[%swap3A_209, %swap3A_210, %swap3A_211], %gather3A_207 {strides = array<i32>} : memref<4x1x128xf32, #tpu.memory_space<vmem>>, vector<16xf32>,
        %add3A_213 = arith.constant 48 : i32
        %add3A_214 = vector.broadcast %add3A_213 : i32 to vector<16xi32>
        %add3A_215 = arith.addi %iota3A, %add3A_214 : vector<16xi32>
        %gather3A_216 = arith.constant 0 : i32
        %gather3A_217 = arith.constant 0 : i32
        %gather3A_218 = tpu.memref_slice %arg11[%and3A_119, %gather3A_216, %gather3A_217] : memref<8x64x128xf32, #tpu.memory_space<vmem>> -> memref<1x64x128xf32, #tpu.memory_space<vmem>>
        %gather3A_219 = tpu.memref_squeeze %gather3A_218 : memref<1x64x128xf32, #tpu.memory_space<vmem>> -> memref<64x128xf32, #tpu.memory_space<vmem>>
        %gather3A_220 = tpu.vector_load_idx %gather3A_219[%add3A_215, %broadcast_in_dim3A_174] : memref<64x128xf32, #tpu.memory_space<vmem>>[vector<16xi32>, vector<16xi32>], vector<16xf32>,
        %swap3A_221 = arith.constant 0 : i32
        %swap3A_222 = arith.index_cast %and3A_160 : i32 to index
        %swap3A_223 = arith.index_cast %swap3A_221 : i32 to index
        %swap3A_224 = arith.constant 48 : index
        %swap3A_225 = tpu.vector_load %arg13[%swap3A_222, %swap3A_223, %swap3A_224] {strides = array<i32>} : memref<4x1x128xf32, #tpu.memory_space<vmem>>, vector<16xf32>,
        tpu.vector_store %arg13[%swap3A_222, %swap3A_223, %swap3A_224], %gather3A_220 {strides = array<i32>} : memref<4x1x128xf32, #tpu.memory_space<vmem>>, vector<16xf32>,
        %broadcast_in_dim3A_226 = vector.broadcast %and3A_160 : i32 to vector<16xi32>
        %broadcast_in_dim3A_227 = arith.constant 0 : i32
        %broadcast_in_dim3A_228 = vector.broadcast %broadcast_in_dim3A_227 : i32 to vector<16xi32>
        %broadcast_in_dim3A_229 = vector.broadcast %squeeze3A_167 : i32 to vector<16xi32>
        tpu.vector_store_idx %arg14[%broadcast_in_dim3A_226, %broadcast_in_dim3A_228], %broadcast_in_dim3A_229 masked %eq3A_40 : memref<4x1xi32, #tpu.memory_space<vmem>>[vector<16xi32>, vector<16xi32>], vector<16xi32>, vector<16xi1>
        %dma_start3A = arith.constant 0 : i32
        %dma_start3A_230 = arith.constant 0 : i32
        %dma_start3A_231 = tpu.memref_slice %arg13[%and3A_160, %dma_start3A, %dma_start3A_230] : memref<4x1x128xf32, #tpu.memory_space<vmem>> -> memref<1x1x128xf32, #tpu.memory_space<vmem>>
        %dma_start3A_232 = tpu.memref_squeeze %dma_start3A_231 : memref<1x1x128xf32, #tpu.memory_space<vmem>> -> memref<1x128xf32, #tpu.memory_space<vmem>>
        %dma_start3A_233 = arith.constant 0 : i32
        %dma_start3A_234 = tpu.memref_slice %arg14[%and3A_160, %dma_start3A_233] : memref<4x1xi32, #tpu.memory_space<vmem>> -> memref<1x1xi32, #tpu.memory_space<vmem>>
        %dma_start3A_235 = tpu.memref_squeeze %dma_start3A_234 : memref<1x1xi32, #tpu.memory_space<vmem>> -> memref<1xi32, #tpu.memory_space<vmem>>
        %dma_start3A_236 = arith.constant 0 : i32
        %dma_start3A_237 = arith.constant 0 : i32
        %dma_start3A_238 = tpu.memref_slice %arg4[%dma_start3A_236, %dma_start3A_237] : memref<16384x128xf32, #tpu.memory_space<hbm>> -> memref<16384x128xf32, #tpu.memory_space<hbm>>
        %dma_start3A_239 = tpu.memref_slice %arg17[%and3A_160] : memref<4x!tpu.dma_semaphore, #tpu.memory_space<semaphore_mem>> -> memref<1x!tpu.dma_semaphore, #tpu.memory_space<semaphore_mem>>
        %dma_start3A_240 = tpu.memref_squeeze %dma_start3A_239 : memref<1x!tpu.dma_semaphore, #tpu.memory_space<semaphore_mem>> -> memref<!tpu.dma_semaphore, #tpu.memory_space<semaphore_mem>>
        tpu.enqueue_indirect_dma source(%dma_start3A_232 : memref<1x128xf32, #tpu.memory_space<vmem>>) target(%dma_start3A_238 : memref<16384x128xf32, #tpu.memory_space<hbm>>) offsets(%dma_start3A_235 : memref<1xi32, #tpu.memory_space<vmem>>) semaphore(%dma_start3A_240 : memref<!tpu.dma_semaphore, #tpu.memory_space<semaphore_mem>>)
        %add3A_241 = arith.constant 1 : i32
        %add3A_242 = arith.addi %while3A_157, %add3A_241 : i32
        scf.yield %add3A_242 : i32
      }
      %while3A_154 = arith.constant 1 : i32
      %while3A_155 = scf.for %while3A_156 = %while3A_151 to %while3A_147 step %while3A_154 iter_args(%while3A_157 = %while3A_153) -> (i32)  : i32 {
        %add3A_158 = arith.addi %squeeze3A, %while3A_156 : i32
        %and3A_159 = arith.constant 3 : i32
        %and3A_160 = arith.andi %while3A_157, %and3A_159 : i32
        %ge3A = arith.constant 4 : i32
        %ge3A_161 = arith.cmpi sge, %while3A_157, %ge3A : i32
        %convert_element_type3A_162 = arith.extui %ge3A_161 : i1 to i32
        %cond3A_163 = arith.constant 0 : i32
        %cond3A_164 = arith.cmpi ne, %convert_element_type3A_162, %cond3A_163 : i32
        scf.if %cond3A_164 {
          %dma_wait3A_243 = arith.constant 0 : i32
          %dma_wait3A_244 = arith.constant 0 : i32
          %dma_wait3A_245 = arith.constant 0 : i32
          %dma_wait3A_246 = tpu.memref_slice %arg13[%dma_wait3A_243, %dma_wait3A_244, %dma_wait3A_245] : memref<4x1x128xf32, #tpu.memory_space<vmem>> -> memref<1x1x128xf32, #tpu.memory_space<vmem>>
          %dma_wait3A_247 = tpu.memref_squeeze %dma_wait3A_246 : memref<1x1x128xf32, #tpu.memory_space<vmem>> -> memref<1x128xf32, #tpu.memory_space<vmem>>
          %dma_wait3A_248 = arith.constant 0 : i32
          %dma_wait3A_249 = arith.constant 0 : i32
          %dma_wait3A_250 = tpu.memref_slice %arg4[%dma_wait3A_248, %dma_wait3A_249] : memref<16384x128xf32, #tpu.memory_space<hbm>> -> memref<1x128xf32, #tpu.memory_space<hbm>>
          %dma_wait3A_251 = tpu.memref_slice %arg17[%and3A_160] : memref<4x!tpu.dma_semaphore, #tpu.memory_space<semaphore_mem>> -> memref<1x!tpu.dma_semaphore, #tpu.memory_space<semaphore_mem>>
          %dma_wait3A_252 = tpu.memref_squeeze %dma_wait3A_251 : memref<1x!tpu.dma_semaphore, #tpu.memory_space<semaphore_mem>> -> memref<!tpu.dma_semaphore, #tpu.memory_space<semaphore_mem>>
          %dma_wait3A_253 = arith.constant 0 : i32
          %dma_wait3A_254 = arith.constant 0 : i32
          %dma_wait3A_255 = tpu.memref_slice %arg4[%dma_wait3A_253, %dma_wait3A_254] : memref<16384x128xf32, #tpu.memory_space<hbm>> -> memref<1x128xf32, #tpu.memory_space<hbm>>
          %dma_wait3A_256 = arith.constant 0 : i32
          %dma_wait3A_257 = arith.constant 0 : i32
          %dma_wait3A_258 = tpu.memref_slice %arg13[%dma_wait3A_243, %dma_wait3A_256, %dma_wait3A_257] : memref<4x1x128xf32, #tpu.memory_space<vmem>> -> memref<1x1x128xf32, #tpu.memory_space<vmem>>
          %dma_wait3A_259 = tpu.memref_squeeze %dma_wait3A_258 : memref<1x1x128xf32, #tpu.memory_space<vmem>> -> memref<1x128xf32, #tpu.memory_space<vmem>>
          tpu.wait_dma2 semaphore(%dma_wait3A_252 : memref<!tpu.dma_semaphore, #tpu.memory_space<semaphore_mem>>) src(%dma_wait3A_259 : memref<1x128xf32, #tpu.memory_space<vmem>>) dst(%dma_wait3A_255 : memref<1x128xf32, #tpu.memory_space<hbm>>)
        } else {
        }
        %get3A = arith.index_cast %add3A_158 : i32 to index
        %get3A_165 = tpu.vector_load %arg7[%get3A] {strides = array<i32>} : memref<16400xi32, #tpu.memory_space<vmem>>, vector<16xi32>,
        %slice3A_166 = vector.extract_strided_slice %get3A_165 {offsets = [0], sizes = [1], strides = [1]} : vector<16xi32> to vector<1xi32>
        %squeeze3A_167 = vector.extract %slice3A_166[0] : i32 from vector<1xi32>
        %get3A_168 = arith.index_cast %squeeze3A_167 : i32 to index
        %get3A_169 = tpu.vector_load %arg5[%get3A_168] {strides = array<i32>} : memref<16400xi32, #tpu.memory_space<vmem>>, vector<16xi32>,
        %slice3A_170 = vector.extract_strided_slice %get3A_169 {offsets = [0], sizes = [1], strides = [1]} : vector<16xi32> to vector<1xi32>
        %squeeze3A_171 = vector.extract %slice3A_170[0] : i32 from vector<1xi32>
        %and3A_172 = arith.constant 127 : i32
        %and3A_173 = arith.andi %squeeze3A_171, %and3A_172 : i32
        %broadcast_in_dim3A_174 = vector.broadcast %and3A_173 : i32 to vector<16xi32>
        %add3A_175 = arith.constant 0 : i32
        %add3A_176 = vector.broadcast %add3A_175 : i32 to vector<16xi32>
        %add3A_177 = arith.addi %iota3A, %add3A_176 : vector<16xi32>
        %gather3A_178 = arith.constant 0 : i32
        %gather3A_179 = arith.constant 0 : i32
        %gather3A_180 = tpu.memref_slice %arg11[%and3A_119, %gather3A_178, %gather3A_179] : memref<8x64x128xf32, #tpu.memory_space<vmem>> -> memref<1x64x128xf32, #tpu.memory_space<vmem>>
        %gather3A_181 = tpu.memref_squeeze %gather3A_180 : memref<1x64x128xf32, #tpu.memory_space<vmem>> -> memref<64x128xf32, #tpu.memory_space<vmem>>
        %gather3A_182 = tpu.vector_load_idx %gather3A_181[%add3A_177, %broadcast_in_dim3A_174] : memref<64x128xf32, #tpu.memory_space<vmem>>[vector<16xi32>, vector<16xi32>], vector<16xf32>,
        %swap3A = arith.constant 0 : i32
        %swap3A_183 = arith.index_cast %and3A_160 : i32 to index
        %swap3A_184 = arith.index_cast %swap3A : i32 to index
        %swap3A_185 = arith.constant 0 : index
        %swap3A_186 = tpu.vector_load %arg13[%swap3A_183, %swap3A_184, %swap3A_185] {strides = array<i32>} : memref<4x1x128xf32, #tpu.memory_space<vmem>>, vector<16xf32>,
        tpu.vector_store %arg13[%swap3A_183, %swap3A_184, %swap3A_185], %gather3A_182 {strides = array<i32>} : memref<4x1x128xf32, #tpu.memory_space<vmem>>, vector<16xf32>,
        %add3A_187 = arith.constant 16 : i32
        %add3A_188 = vector.broadcast %add3A_187 : i32 to vector<16xi32>
        %add3A_189 = arith.addi %iota3A, %add3A_188 : vector<16xi32>
        %gather3A_190 = arith.constant 0 : i32
        %gather3A_191 = arith.constant 0 : i32
        %gather3A_192 = tpu.memref_slice %arg11[%and3A_119, %gather3A_190, %gather3A_191] : memref<8x64x128xf32, #tpu.memory_space<vmem>> -> memref<1x64x128xf32, #tpu.memory_space<vmem>>
        %gather3A_193 = tpu.memref_squeeze %gather3A_192 : memref<1x64x128xf32, #tpu.memory_space<vmem>> -> memref<64x128xf32, #tpu.memory_space<vmem>>
        %gather3A_194 = tpu.vector_load_idx %gather3A_193[%add3A_189, %broadcast_in_dim3A_174] : memref<64x128xf32, #tpu.memory_space<vmem>>[vector<16xi32>, vector<16xi32>], vector<16xf32>,
        %swap3A_195 = arith.constant 0 : i32
        %swap3A_196 = arith.index_cast %and3A_160 : i32 to index
        %swap3A_197 = arith.index_cast %swap3A_195 : i32 to index
        %swap3A_198 = arith.constant 16 : index
        %swap3A_199 = tpu.vector_load %arg13[%swap3A_196, %swap3A_197, %swap3A_198] {strides = array<i32>} : memref<4x1x128xf32, #tpu.memory_space<vmem>>, vector<16xf32>,
        tpu.vector_store %arg13[%swap3A_196, %swap3A_197, %swap3A_198], %gather3A_194 {strides = array<i32>} : memref<4x1x128xf32, #tpu.memory_space<vmem>>, vector<16xf32>,
        %add3A_200 = arith.constant 32 : i32
        %add3A_201 = vector.broadcast %add3A_200 : i32 to vector<16xi32>
        %add3A_202 = arith.addi %iota3A, %add3A_201 : vector<16xi32>
        %gather3A_203 = arith.constant 0 : i32
        %gather3A_204 = arith.constant 0 : i32
        %gather3A_205 = tpu.memref_slice %arg11[%and3A_119, %gather3A_203, %gather3A_204] : memref<8x64x128xf32, #tpu.memory_space<vmem>> -> memref<1x64x128xf32, #tpu.memory_space<vmem>>
        %gather3A_206 = tpu.memref_squeeze %gather3A_205 : memref<1x64x128xf32, #tpu.memory_space<vmem>> -> memref<64x128xf32, #tpu.memory_space<vmem>>
        %gather3A_207 = tpu.vector_load_idx %gather3A_206[%add3A_202, %broadcast_in_dim3A_174] : memref<64x128xf32, #tpu.memory_space<vmem>>[vector<16xi32>, vector<16xi32>], vector<16xf32>,
        %swap3A_208 = arith.constant 0 : i32
        %swap3A_209 = arith.index_cast %and3A_160 : i32 to index
        %swap3A_210 = arith.index_cast %swap3A_208 : i32 to index
        %swap3A_211 = arith.constant 32 : index
        %swap3A_212 = tpu.vector_load %arg13[%swap3A_209, %swap3A_210, %swap3A_211] {strides = array<i32>} : memref<4x1x128xf32, #tpu.memory_space<vmem>>, vector<16xf32>,
        tpu.vector_store %arg13[%swap3A_209, %swap3A_210, %swap3A_211], %gather3A_207 {strides = array<i32>} : memref<4x1x128xf32, #tpu.memory_space<vmem>>, vector<16xf32>,
        %add3A_213 = arith.constant 48 : i32
        %add3A_214 = vector.broadcast %add3A_213 : i32 to vector<16xi32>
        %add3A_215 = arith.addi %iota3A, %add3A_214 : vector<16xi32>
        %gather3A_216 = arith.constant 0 : i32
        %gather3A_217 = arith.constant 0 : i32
        %gather3A_218 = tpu.memref_slice %arg11[%and3A_119, %gather3A_216, %gather3A_217] : memref<8x64x128xf32, #tpu.memory_space<vmem>> -> memref<1x64x128xf32, #tpu.memory_space<vmem>>
        %gather3A_219 = tpu.memref_squeeze %gather3A_218 : memref<1x64x128xf32, #tpu.memory_space<vmem>> -> memref<64x128xf32, #tpu.memory_space<vmem>>
        %gather3A_220 = tpu.vector_load_idx %gather3A_219[%add3A_215, %broadcast_in_dim3A_174] : memref<64x128xf32, #tpu.memory_space<vmem>>[vector<16xi32>, vector<16xi32>], vector<16xf32>,
        %swap3A_221 = arith.constant 0 : i32
        %swap3A_222 = arith.index_cast %and3A_160 : i32 to index
        %swap3A_223 = arith.index_cast %swap3A_221 : i32 to index
        %swap3A_224 = arith.constant 48 : index
        %swap3A_225 = tpu.vector_load %arg13[%swap3A_222, %swap3A_223, %swap3A_224] {strides = array<i32>} : memref<4x1x128xf32, #tpu.memory_space<vmem>>, vector<16xf32>,
        tpu.vector_store %arg13[%swap3A_222, %swap3A_223, %swap3A_224], %gather3A_220 {strides = array<i32>} : memref<4x1x128xf32, #tpu.memory_space<vmem>>, vector<16xf32>,
        %broadcast_in_dim3A_226 = vector.broadcast %and3A_160 : i32 to vector<16xi32>
        %broadcast_in_dim3A_227 = arith.constant 0 : i32
        %broadcast_in_dim3A_228 = vector.broadcast %broadcast_in_dim3A_227 : i32 to vector<16xi32>
        %broadcast_in_dim3A_229 = vector.broadcast %squeeze3A_167 : i32 to vector<16xi32>
        tpu.vector_store_idx %arg14[%broadcast_in_dim3A_226, %broadcast_in_dim3A_228], %broadcast_in_dim3A_229 masked %eq3A_40 : memref<4x1xi32, #tpu.memory_space<vmem>>[vector<16xi32>, vector<16xi32>], vector<16xi32>, vector<16xi1>
        %dma_start3A = arith.constant 0 : i32
        %dma_start3A_230 = arith.constant 0 : i32
        %dma_start3A_231 = tpu.memref_slice %arg13[%and3A_160, %dma_start3A, %dma_start3A_230] : memref<4x1x128xf32, #tpu.memory_space<vmem>> -> memref<1x1x128xf32, #tpu.memory_space<vmem>>
        %dma_start3A_232 = tpu.memref_squeeze %dma_start3A_231 : memref<1x1x128xf32, #tpu.memory_space<vmem>> -> memref<1x128xf32, #tpu.memory_space<vmem>>
        %dma_start3A_233 = arith.constant 0 : i32
        %dma_start3A_234 = tpu.memref_slice %arg14[%and3A_160, %dma_start3A_233] : memref<4x1xi32, #tpu.memory_space<vmem>> -> memref<1x1xi32, #tpu.memory_space<vmem>>
        %dma_start3A_235 = tpu.memref_squeeze %dma_start3A_234 : memref<1x1xi32, #tpu.memory_space<vmem>> -> memref<1xi32, #tpu.memory_space<vmem>>
        %dma_start3A_236 = arith.constant 0 : i32
        %dma_start3A_237 = arith.constant 0 : i32
        %dma_start3A_238 = tpu.memref_slice %arg4[%dma_start3A_236, %dma_start3A_237] : memref<16384x128xf32, #tpu.memory_space<hbm>> -> memref<16384x128xf32, #tpu.memory_space<hbm>>
        %dma_start3A_239 = tpu.memref_slice %arg17[%and3A_160] : memref<4x!tpu.dma_semaphore, #tpu.memory_space<semaphore_mem>> -> memref<1x!tpu.dma_semaphore, #tpu.memory_space<semaphore_mem>>
        %dma_start3A_240 = tpu.memref_squeeze %dma_start3A_239 : memref<1x!tpu.dma_semaphore, #tpu.memory_space<semaphore_mem>> -> memref<!tpu.dma_semaphore, #tpu.memory_space<semaphore_mem>>
        tpu.enqueue_indirect_dma source(%dma_start3A_232 : memref<1x128xf32, #tpu.memory_space<vmem>>) target(%dma_start3A_238 : memref<16384x128xf32, #tpu.memory_space<hbm>>) offsets(%dma_start3A_235 : memref<1xi32, #tpu.memory_space<vmem>>) semaphore(%dma_start3A_240 : memref<!tpu.dma_semaphore, #tpu.memory_space<semaphore_mem>>)
        %add3A_241 = arith.constant 1 : i32
        %add3A_242 = arith.addi %while3A_157, %add3A_241 : i32
        scf.yield %add3A_242 : i32
      }
      scf.yield %while3A_155 : i32
    }
    %while3A_95 = arith.constant 1 : i32
    %while3A_96 = scf.for %while3A_117 = %while3A_92 to %while3A_88 step %while3A_95 iter_args(%while3A_118 = %while3A_94) -> (i32)  : i32 {
      %and3A = arith.constant 7 : i32
      %and3A_119 = arith.andi %while3A_117, %and3A : i32
      %add3A_120 = arith.constant 7 : i32
      %add3A_121 = arith.addi %while3A_117, %add3A_120 : i32
      %lt3A = arith.cmpi slt, %add3A_121, %min3A : i32
      %convert_element_type3A_122 = arith.extui %lt3A : i1 to i32
      %cond3A_123 = arith.constant 0 : i32
      %cond3A_124 = arith.cmpi ne, %convert_element_type3A_122, %cond3A_123 : i32
      scf.if %cond3A_124 {
        %add3A_156 = arith.constant 7 : i32
        %add3A_157 = arith.addi %while3A_117, %add3A_156 : i32
        %add3A_158 = arith.constant 7 : i32
        %add3A_159 = arith.addi %while3A_117, %add3A_158 : i32
        %and3A_160 = arith.constant 7 : i32
        %and3A_161 = arith.andi %add3A_159, %and3A_160 : i32
        %add3A_162 = arith.addi %mul3A_2, %add3A_157 : i32
        %mul3A_163 = arith.constant 128 : i32
        %mul3A_164 = arith.muli %add3A_162, %mul3A_163 : i32
        %multiple_of3A = tpu.assume_multiple %mul3A_164, 128 : i32
        %dma_start3A = arith.constant 0 : i32
        %dma_start3A_165 = arith.constant 0 : i32
        %dma_start3A_166 = tpu.memref_slice %arg11[%and3A_161, %dma_start3A, %dma_start3A_165] : memref<8x64x128xf32, #tpu.memory_space<vmem>> -> memref<1x64x128xf32, #tpu.memory_space<vmem>>
        %dma_start3A_167 = tpu.memref_squeeze %dma_start3A_166 : memref<1x64x128xf32, #tpu.memory_space<vmem>> -> memref<64x128xf32, #tpu.memory_space<vmem>>
        %dma_start3A_168 = arith.constant 0 : i32
        %dma_start3A_169 = tpu.memref_slice %arg3[%dma_start3A_168, %multiple_of3A] : memref<64x1000000xf32, #tpu.memory_space<hbm>> -> memref<64x128xf32, #tpu.memory_space<hbm>>
        %dma_start3A_170 = tpu.memref_slice %arg16[%and3A_161] : memref<8x!tpu.dma_semaphore, #tpu.memory_space<semaphore_mem>> -> memref<1x!tpu.dma_semaphore, #tpu.memory_space<semaphore_mem>>
        %dma_start3A_171 = tpu.memref_squeeze %dma_start3A_170 : memref<1x!tpu.dma_semaphore, #tpu.memory_space<semaphore_mem>> -> memref<!tpu.dma_semaphore, #tpu.memory_space<semaphore_mem>>
        %dma_start3A_172 = arith.constant 0 : i32
        %dma_start3A_173 = arith.constant 0 : i32
        %dma_start3A_174 = tpu.memref_slice %arg11[%and3A_161, %dma_start3A_172, %dma_start3A_173] : memref<8x64x128xf32, #tpu.memory_space<vmem>> -> memref<1x64x128xf32, #tpu.memory_space<vmem>>
        %dma_start3A_175 = tpu.memref_squeeze %dma_start3A_174 : memref<1x64x128xf32, #tpu.memory_space<vmem>> -> memref<64x128xf32, #tpu.memory_space<vmem>>
        %dma_start3A_176 = arith.constant 0 : i32
        %dma_start3A_177 = tpu.memref_slice %arg3[%dma_start3A_176, %multiple_of3A] : memref<64x1000000xf32, #tpu.memory_space<hbm>> -> memref<64x128xf32, #tpu.memory_space<hbm>>
        tpu.enqueue_dma source(%dma_start3A_177 : memref<64x128xf32, #tpu.memory_space<hbm>>) target(%dma_start3A_175 : memref<64x128xf32, #tpu.memory_space<vmem>>) target_semaphore(%dma_start3A_171 : memref<!tpu.dma_semaphore, #tpu.memory_space<semaphore_mem>>)
      } else {
      }
      %dma_wait3A = arith.constant 0 : i32
      %dma_wait3A_125 = arith.constant 0 : i32
      %dma_wait3A_126 = tpu.memref_slice %arg11[%and3A_119, %dma_wait3A, %dma_wait3A_125] : memref<8x64x128xf32, #tpu.memory_space<vmem>> -> memref<1x64x128xf32, #tpu.memory_space<vmem>>
      %dma_wait3A_127 = tpu.memref_squeeze %dma_wait3A_126 : memref<1x64x128xf32, #tpu.memory_space<vmem>> -> memref<64x128xf32, #tpu.memory_space<vmem>>
      %dma_wait3A_128 = arith.constant 0 : i32
      %dma_wait3A_129 = arith.constant 0 : i32
      %dma_wait3A_130 = tpu.memref_slice %arg3[%dma_wait3A_128, %dma_wait3A_129] : memref<64x1000000xf32, #tpu.memory_space<hbm>> -> memref<64x128xf32, #tpu.memory_space<hbm>>
      %dma_wait3A_131 = tpu.memref_slice %arg16[%and3A_119] : memref<8x!tpu.dma_semaphore, #tpu.memory_space<semaphore_mem>> -> memref<1x!tpu.dma_semaphore, #tpu.memory_space<semaphore_mem>>
      %dma_wait3A_132 = tpu.memref_squeeze %dma_wait3A_131 : memref<1x!tpu.dma_semaphore, #tpu.memory_space<semaphore_mem>> -> memref<!tpu.dma_semaphore, #tpu.memory_space<semaphore_mem>>
      %dma_wait3A_133 = arith.constant 0 : i32
      %dma_wait3A_134 = arith.constant 0 : i32
      %dma_wait3A_135 = tpu.memref_slice %arg11[%and3A_119, %dma_wait3A_133, %dma_wait3A_134] : memref<8x64x128xf32, #tpu.memory_space<vmem>> -> memref<1x64x128xf32, #tpu.memory_space<vmem>>
      %dma_wait3A_136 = tpu.memref_squeeze %dma_wait3A_135 : memref<1x64x128xf32, #tpu.memory_space<vmem>> -> memref<64x128xf32, #tpu.memory_space<vmem>>
      %dma_wait3A_137 = arith.constant 0 : i32
      %dma_wait3A_138 = arith.constant 0 : i32
      %dma_wait3A_139 = tpu.memref_slice %arg3[%dma_wait3A_137, %dma_wait3A_138] : memref<64x1000000xf32, #tpu.memory_space<hbm>> -> memref<64x128xf32, #tpu.memory_space<hbm>>
      tpu.wait_dma2 semaphore(%dma_wait3A_132 : memref<!tpu.dma_semaphore, #tpu.memory_space<semaphore_mem>>) src(%dma_wait3A_139 : memref<64x128xf32, #tpu.memory_space<hbm>>) dst(%dma_wait3A_136 : memref<64x128xf32, #tpu.memory_space<vmem>>)
      %broadcast_in_dim3A_140 = vector.broadcast %while3A_117 : i32 to vector<16xi32>
      %gather3A = tpu.vector_load_idx %arg9[%broadcast_in_dim3A_140] : memref<272xi32, #tpu.memory_space<vmem>>[vector<16xi32>], vector<16xi32>,
      %slice3A = vector.extract_strided_slice %gather3A {offsets = [0], sizes = [1], strides = [1]} : vector<16xi32> to vector<1xi32>
      %squeeze3A = vector.extract %slice3A[0] : i32 from vector<1xi32>
      %broadcast_in_dim3A_141 = vector.broadcast %while3A_117 : i32 to vector<16xi32>
      %gather3A_142 = tpu.vector_load_idx %arg8[%broadcast_in_dim3A_141] : memref<272xi32, #tpu.memory_space<vmem>>[vector<16xi32>], vector<16xi32>,
      %slice3A_143 = vector.extract_strided_slice %gather3A_142 {offsets = [0], sizes = [1], strides = [1]} : vector<16xi32> to vector<1xi32>
      %squeeze3A_144 = vector.extract %slice3A_143[0] : i32 from vector<1xi32>
      %while3A_145 = arith.constant 0 : i32
      %while3A_146 = arith.subi %squeeze3A_144, %while3A_145 : i32
      %while3A_147 = arith.addi %while3A_145, %while3A_146 : i32
      %while3A_148 = arith.constant 1 : i32
      %while3A_149 = arith.divsi %while3A_146, %while3A_148 : i32
      %while3A_150 = arith.muli %while3A_149, %while3A_148 : i32
      %while3A_151 = arith.addi %while3A_145, %while3A_150 : i32
      %while3A_152 = arith.constant 1 : i32
      %while3A_153 = scf.for %while3A_156 = %while3A_145 to %while3A_151 step %while3A_152 iter_args(%while3A_157 = %while3A_118) -> (i32)  : i32 {
        %add3A_158 = arith.addi %squeeze3A, %while3A_156 : i32
        %and3A_159 = arith.constant 3 : i32
        %and3A_160 = arith.andi %while3A_157, %and3A_159 : i32
        %ge3A = arith.constant 4 : i32
        %ge3A_161 = arith.cmpi sge, %while3A_157, %ge3A : i32
        %convert_element_type3A_162 = arith.extui %ge3A_161 : i1 to i32
        %cond3A_163 = arith.constant 0 : i32
        %cond3A_164 = arith.cmpi ne, %convert_element_type3A_162, %cond3A_163 : i32
        scf.if %cond3A_164 {
          %dma_wait3A_243 = arith.constant 0 : i32
          %dma_wait3A_244 = arith.constant 0 : i32
          %dma_wait3A_245 = arith.constant 0 : i32
          %dma_wait3A_246 = tpu.memref_slice %arg13[%dma_wait3A_243, %dma_wait3A_244, %dma_wait3A_245] : memref<4x1x128xf32, #tpu.memory_space<vmem>> -> memref<1x1x128xf32, #tpu.memory_space<vmem>>
          %dma_wait3A_247 = tpu.memref_squeeze %dma_wait3A_246 : memref<1x1x128xf32, #tpu.memory_space<vmem>> -> memref<1x128xf32, #tpu.memory_space<vmem>>
          %dma_wait3A_248 = arith.constant 0 : i32
          %dma_wait3A_249 = arith.constant 0 : i32
          %dma_wait3A_250 = tpu.memref_slice %arg4[%dma_wait3A_248, %dma_wait3A_249] : memref<16384x128xf32, #tpu.memory_space<hbm>> -> memref<1x128xf32, #tpu.memory_space<hbm>>
          %dma_wait3A_251 = tpu.memref_slice %arg17[%and3A_160] : memref<4x!tpu.dma_semaphore, #tpu.memory_space<semaphore_mem>> -> memref<1x!tpu.dma_semaphore, #tpu.memory_space<semaphore_mem>>
          %dma_wait3A_252 = tpu.memref_squeeze %dma_wait3A_251 : memref<1x!tpu.dma_semaphore, #tpu.memory_space<semaphore_mem>> -> memref<!tpu.dma_semaphore, #tpu.memory_space<semaphore_mem>>
          %dma_wait3A_253 = arith.constant 0 : i32
          %dma_wait3A_254 = arith.constant 0 : i32
          %dma_wait3A_255 = tpu.memref_slice %arg4[%dma_wait3A_253, %dma_wait3A_254] : memref<16384x128xf32, #tpu.memory_space<hbm>> -> memref<1x128xf32, #tpu.memory_space<hbm>>
          %dma_wait3A_256 = arith.constant 0 : i32
          %dma_wait3A_257 = arith.constant 0 : i32
          %dma_wait3A_258 = tpu.memref_slice %arg13[%dma_wait3A_243, %dma_wait3A_256, %dma_wait3A_257] : memref<4x1x128xf32, #tpu.memory_space<vmem>> -> memref<1x1x128xf32, #tpu.memory_space<vmem>>
          %dma_wait3A_259 = tpu.memref_squeeze %dma_wait3A_258 : memref<1x1x128xf32, #tpu.memory_space<vmem>> -> memref<1x128xf32, #tpu.memory_space<vmem>>
          tpu.wait_dma2 semaphore(%dma_wait3A_252 : memref<!tpu.dma_semaphore, #tpu.memory_space<semaphore_mem>>) src(%dma_wait3A_259 : memref<1x128xf32, #tpu.memory_space<vmem>>) dst(%dma_wait3A_255 : memref<1x128xf32, #tpu.memory_space<hbm>>)
        } else {
        }
        %get3A = arith.index_cast %add3A_158 : i32 to index
        %get3A_165 = tpu.vector_load %arg7[%get3A] {strides = array<i32>} : memref<16400xi32, #tpu.memory_space<vmem>>, vector<16xi32>,
        %slice3A_166 = vector.extract_strided_slice %get3A_165 {offsets = [0], sizes = [1], strides = [1]} : vector<16xi32> to vector<1xi32>
        %squeeze3A_167 = vector.extract %slice3A_166[0] : i32 from vector<1xi32>
        %get3A_168 = arith.index_cast %squeeze3A_167 : i32 to index
        %get3A_169 = tpu.vector_load %arg5[%get3A_168] {strides = array<i32>} : memref<16400xi32, #tpu.memory_space<vmem>>, vector<16xi32>,
        %slice3A_170 = vector.extract_strided_slice %get3A_169 {offsets = [0], sizes = [1], strides = [1]} : vector<16xi32> to vector<1xi32>
        %squeeze3A_171 = vector.extract %slice3A_170[0] : i32 from vector<1xi32>
        %and3A_172 = arith.constant 127 : i32
        %and3A_173 = arith.andi %squeeze3A_171, %and3A_172 : i32
        %broadcast_in_dim3A_174 = vector.broadcast %and3A_173 : i32 to vector<16xi32>
        %add3A_175 = arith.constant 0 : i32
        %add3A_176 = vector.broadcast %add3A_175 : i32 to vector<16xi32>
        %add3A_177 = arith.addi %iota3A, %add3A_176 : vector<16xi32>
        %gather3A_178 = arith.constant 0 : i32
        %gather3A_179 = arith.constant 0 : i32
        %gather3A_180 = tpu.memref_slice %arg11[%and3A_119, %gather3A_178, %gather3A_179] : memref<8x64x128xf32, #tpu.memory_space<vmem>> -> memref<1x64x128xf32, #tpu.memory_space<vmem>>
        %gather3A_181 = tpu.memref_squeeze %gather3A_180 : memref<1x64x128xf32, #tpu.memory_space<vmem>> -> memref<64x128xf32, #tpu.memory_space<vmem>>
        %gather3A_182 = tpu.vector_load_idx %gather3A_181[%add3A_177, %broadcast_in_dim3A_174] : memref<64x128xf32, #tpu.memory_space<vmem>>[vector<16xi32>, vector<16xi32>], vector<16xf32>,
        %swap3A = arith.constant 0 : i32
        %swap3A_183 = arith.index_cast %and3A_160 : i32 to index
        %swap3A_184 = arith.index_cast %swap3A : i32 to index
        %swap3A_185 = arith.constant 0 : index
        %swap3A_186 = tpu.vector_load %arg13[%swap3A_183, %swap3A_184, %swap3A_185] {strides = array<i32>} : memref<4x1x128xf32, #tpu.memory_space<vmem>>, vector<16xf32>,
        tpu.vector_store %arg13[%swap3A_183, %swap3A_184, %swap3A_185], %gather3A_182 {strides = array<i32>} : memref<4x1x128xf32, #tpu.memory_space<vmem>>, vector<16xf32>,
        %add3A_187 = arith.constant 16 : i32
        %add3A_188 = vector.broadcast %add3A_187 : i32 to vector<16xi32>
        %add3A_189 = arith.addi %iota3A, %add3A_188 : vector<16xi32>
        %gather3A_190 = arith.constant 0 : i32
        %gather3A_191 = arith.constant 0 : i32
        %gather3A_192 = tpu.memref_slice %arg11[%and3A_119, %gather3A_190, %gather3A_191] : memref<8x64x128xf32, #tpu.memory_space<vmem>> -> memref<1x64x128xf32, #tpu.memory_space<vmem>>
        %gather3A_193 = tpu.memref_squeeze %gather3A_192 : memref<1x64x128xf32, #tpu.memory_space<vmem>> -> memref<64x128xf32, #tpu.memory_space<vmem>>
        %gather3A_194 = tpu.vector_load_idx %gather3A_193[%add3A_189, %broadcast_in_dim3A_174] : memref<64x128xf32, #tpu.memory_space<vmem>>[vector<16xi32>, vector<16xi32>], vector<16xf32>,
        %swap3A_195 = arith.constant 0 : i32
        %swap3A_196 = arith.index_cast %and3A_160 : i32 to index
        %swap3A_197 = arith.index_cast %swap3A_195 : i32 to index
        %swap3A_198 = arith.constant 16 : index
        %swap3A_199 = tpu.vector_load %arg13[%swap3A_196, %swap3A_197, %swap3A_198] {strides = array<i32>} : memref<4x1x128xf32, #tpu.memory_space<vmem>>, vector<16xf32>,
        tpu.vector_store %arg13[%swap3A_196, %swap3A_197, %swap3A_198], %gather3A_194 {strides = array<i32>} : memref<4x1x128xf32, #tpu.memory_space<vmem>>, vector<16xf32>,
        %add3A_200 = arith.constant 32 : i32
        %add3A_201 = vector.broadcast %add3A_200 : i32 to vector<16xi32>
        %add3A_202 = arith.addi %iota3A, %add3A_201 : vector<16xi32>
        %gather3A_203 = arith.constant 0 : i32
        %gather3A_204 = arith.constant 0 : i32
        %gather3A_205 = tpu.memref_slice %arg11[%and3A_119, %gather3A_203, %gather3A_204] : memref<8x64x128xf32, #tpu.memory_space<vmem>> -> memref<1x64x128xf32, #tpu.memory_space<vmem>>
        %gather3A_206 = tpu.memref_squeeze %gather3A_205 : memref<1x64x128xf32, #tpu.memory_space<vmem>> -> memref<64x128xf32, #tpu.memory_space<vmem>>
        %gather3A_207 = tpu.vector_load_idx %gather3A_206[%add3A_202, %broadcast_in_dim3A_174] : memref<64x128xf32, #tpu.memory_space<vmem>>[vector<16xi32>, vector<16xi32>], vector<16xf32>,
        %swap3A_208 = arith.constant 0 : i32
        %swap3A_209 = arith.index_cast %and3A_160 : i32 to index
        %swap3A_210 = arith.index_cast %swap3A_208 : i32 to index
        %swap3A_211 = arith.constant 32 : index
        %swap3A_212 = tpu.vector_load %arg13[%swap3A_209, %swap3A_210, %swap3A_211] {strides = array<i32>} : memref<4x1x128xf32, #tpu.memory_space<vmem>>, vector<16xf32>,
        tpu.vector_store %arg13[%swap3A_209, %swap3A_210, %swap3A_211], %gather3A_207 {strides = array<i32>} : memref<4x1x128xf32, #tpu.memory_space<vmem>>, vector<16xf32>,
        %add3A_213 = arith.constant 48 : i32
        %add3A_214 = vector.broadcast %add3A_213 : i32 to vector<16xi32>
        %add3A_215 = arith.addi %iota3A, %add3A_214 : vector<16xi32>
        %gather3A_216 = arith.constant 0 : i32
        %gather3A_217 = arith.constant 0 : i32
        %gather3A_218 = tpu.memref_slice %arg11[%and3A_119, %gather3A_216, %gather3A_217] : memref<8x64x128xf32, #tpu.memory_space<vmem>> -> memref<1x64x128xf32, #tpu.memory_space<vmem>>
        %gather3A_219 = tpu.memref_squeeze %gather3A_218 : memref<1x64x128xf32, #tpu.memory_space<vmem>> -> memref<64x128xf32, #tpu.memory_space<vmem>>
        %gather3A_220 = tpu.vector_load_idx %gather3A_219[%add3A_215, %broadcast_in_dim3A_174] : memref<64x128xf32, #tpu.memory_space<vmem>>[vector<16xi32>, vector<16xi32>], vector<16xf32>,
        %swap3A_221 = arith.constant 0 : i32
        %swap3A_222 = arith.index_cast %and3A_160 : i32 to index
        %swap3A_223 = arith.index_cast %swap3A_221 : i32 to index
        %swap3A_224 = arith.constant 48 : index
        %swap3A_225 = tpu.vector_load %arg13[%swap3A_222, %swap3A_223, %swap3A_224] {strides = array<i32>} : memref<4x1x128xf32, #tpu.memory_space<vmem>>, vector<16xf32>,
        tpu.vector_store %arg13[%swap3A_222, %swap3A_223, %swap3A_224], %gather3A_220 {strides = array<i32>} : memref<4x1x128xf32, #tpu.memory_space<vmem>>, vector<16xf32>,
        %broadcast_in_dim3A_226 = vector.broadcast %and3A_160 : i32 to vector<16xi32>
        %broadcast_in_dim3A_227 = arith.constant 0 : i32
        %broadcast_in_dim3A_228 = vector.broadcast %broadcast_in_dim3A_227 : i32 to vector<16xi32>
        %broadcast_in_dim3A_229 = vector.broadcast %squeeze3A_167 : i32 to vector<16xi32>
        tpu.vector_store_idx %arg14[%broadcast_in_dim3A_226, %broadcast_in_dim3A_228], %broadcast_in_dim3A_229 masked %eq3A_40 : memref<4x1xi32, #tpu.memory_space<vmem>>[vector<16xi32>, vector<16xi32>], vector<16xi32>, vector<16xi1>
        %dma_start3A = arith.constant 0 : i32
        %dma_start3A_230 = arith.constant 0 : i32
        %dma_start3A_231 = tpu.memref_slice %arg13[%and3A_160, %dma_start3A, %dma_start3A_230] : memref<4x1x128xf32, #tpu.memory_space<vmem>> -> memref<1x1x128xf32, #tpu.memory_space<vmem>>
        %dma_start3A_232 = tpu.memref_squeeze %dma_start3A_231 : memref<1x1x128xf32, #tpu.memory_space<vmem>> -> memref<1x128xf32, #tpu.memory_space<vmem>>
        %dma_start3A_233 = arith.constant 0 : i32
        %dma_start3A_234 = tpu.memref_slice %arg14[%and3A_160, %dma_start3A_233] : memref<4x1xi32, #tpu.memory_space<vmem>> -> memref<1x1xi32, #tpu.memory_space<vmem>>
        %dma_start3A_235 = tpu.memref_squeeze %dma_start3A_234 : memref<1x1xi32, #tpu.memory_space<vmem>> -> memref<1xi32, #tpu.memory_space<vmem>>
        %dma_start3A_236 = arith.constant 0 : i32
        %dma_start3A_237 = arith.constant 0 : i32
        %dma_start3A_238 = tpu.memref_slice %arg4[%dma_start3A_236, %dma_start3A_237] : memref<16384x128xf32, #tpu.memory_space<hbm>> -> memref<16384x128xf32, #tpu.memory_space<hbm>>
        %dma_start3A_239 = tpu.memref_slice %arg17[%and3A_160] : memref<4x!tpu.dma_semaphore, #tpu.memory_space<semaphore_mem>> -> memref<1x!tpu.dma_semaphore, #tpu.memory_space<semaphore_mem>>
        %dma_start3A_240 = tpu.memref_squeeze %dma_start3A_239 : memref<1x!tpu.dma_semaphore, #tpu.memory_space<semaphore_mem>> -> memref<!tpu.dma_semaphore, #tpu.memory_space<semaphore_mem>>
        tpu.enqueue_indirect_dma source(%dma_start3A_232 : memref<1x128xf32, #tpu.memory_space<vmem>>) target(%dma_start3A_238 : memref<16384x128xf32, #tpu.memory_space<hbm>>) offsets(%dma_start3A_235 : memref<1xi32, #tpu.memory_space<vmem>>) semaphore(%dma_start3A_240 : memref<!tpu.dma_semaphore, #tpu.memory_space<semaphore_mem>>)
        %add3A_241 = arith.constant 1 : i32
        %add3A_242 = arith.addi %while3A_157, %add3A_241 : i32
        scf.yield %add3A_242 : i32
      }
      %while3A_154 = arith.constant 1 : i32
      %while3A_155 = scf.for %while3A_156 = %while3A_151 to %while3A_147 step %while3A_154 iter_args(%while3A_157 = %while3A_153) -> (i32)  : i32 {
        %add3A_158 = arith.addi %squeeze3A, %while3A_156 : i32
        %and3A_159 = arith.constant 3 : i32
        %and3A_160 = arith.andi %while3A_157, %and3A_159 : i32
        %ge3A = arith.constant 4 : i32
        %ge3A_161 = arith.cmpi sge, %while3A_157, %ge3A : i32
        %convert_element_type3A_162 = arith.extui %ge3A_161 : i1 to i32
        %cond3A_163 = arith.constant 0 : i32
        %cond3A_164 = arith.cmpi ne, %convert_element_type3A_162, %cond3A_163 : i32
        scf.if %cond3A_164 {
          %dma_wait3A_243 = arith.constant 0 : i32
          %dma_wait3A_244 = arith.constant 0 : i32
          %dma_wait3A_245 = arith.constant 0 : i32
          %dma_wait3A_246 = tpu.memref_slice %arg13[%dma_wait3A_243, %dma_wait3A_244, %dma_wait3A_245] : memref<4x1x128xf32, #tpu.memory_space<vmem>> -> memref<1x1x128xf32, #tpu.memory_space<vmem>>
          %dma_wait3A_247 = tpu.memref_squeeze %dma_wait3A_246 : memref<1x1x128xf32, #tpu.memory_space<vmem>> -> memref<1x128xf32, #tpu.memory_space<vmem>>
          %dma_wait3A_248 = arith.constant 0 : i32
          %dma_wait3A_249 = arith.constant 0 : i32
          %dma_wait3A_250 = tpu.memref_slice %arg4[%dma_wait3A_248, %dma_wait3A_249] : memref<16384x128xf32, #tpu.memory_space<hbm>> -> memref<1x128xf32, #tpu.memory_space<hbm>>
          %dma_wait3A_251 = tpu.memref_slice %arg17[%and3A_160] : memref<4x!tpu.dma_semaphore, #tpu.memory_space<semaphore_mem>> -> memref<1x!tpu.dma_semaphore, #tpu.memory_space<semaphore_mem>>
          %dma_wait3A_252 = tpu.memref_squeeze %dma_wait3A_251 : memref<1x!tpu.dma_semaphore, #tpu.memory_space<semaphore_mem>> -> memref<!tpu.dma_semaphore, #tpu.memory_space<semaphore_mem>>
          %dma_wait3A_253 = arith.constant 0 : i32
          %dma_wait3A_254 = arith.constant 0 : i32
          %dma_wait3A_255 = tpu.memref_slice %arg4[%dma_wait3A_253, %dma_wait3A_254] : memref<16384x128xf32, #tpu.memory_space<hbm>> -> memref<1x128xf32, #tpu.memory_space<hbm>>
          %dma_wait3A_256 = arith.constant 0 : i32
          %dma_wait3A_257 = arith.constant 0 : i32
          %dma_wait3A_258 = tpu.memref_slice %arg13[%dma_wait3A_243, %dma_wait3A_256, %dma_wait3A_257] : memref<4x1x128xf32, #tpu.memory_space<vmem>> -> memref<1x1x128xf32, #tpu.memory_space<vmem>>
          %dma_wait3A_259 = tpu.memref_squeeze %dma_wait3A_258 : memref<1x1x128xf32, #tpu.memory_space<vmem>> -> memref<1x128xf32, #tpu.memory_space<vmem>>
          tpu.wait_dma2 semaphore(%dma_wait3A_252 : memref<!tpu.dma_semaphore, #tpu.memory_space<semaphore_mem>>) src(%dma_wait3A_259 : memref<1x128xf32, #tpu.memory_space<vmem>>) dst(%dma_wait3A_255 : memref<1x128xf32, #tpu.memory_space<hbm>>)
        } else {
        }
        %get3A = arith.index_cast %add3A_158 : i32 to index
        %get3A_165 = tpu.vector_load %arg7[%get3A] {strides = array<i32>} : memref<16400xi32, #tpu.memory_space<vmem>>, vector<16xi32>,
        %slice3A_166 = vector.extract_strided_slice %get3A_165 {offsets = [0], sizes = [1], strides = [1]} : vector<16xi32> to vector<1xi32>
        %squeeze3A_167 = vector.extract %slice3A_166[0] : i32 from vector<1xi32>
        %get3A_168 = arith.index_cast %squeeze3A_167 : i32 to index
        %get3A_169 = tpu.vector_load %arg5[%get3A_168] {strides = array<i32>} : memref<16400xi32, #tpu.memory_space<vmem>>, vector<16xi32>,
        %slice3A_170 = vector.extract_strided_slice %get3A_169 {offsets = [0], sizes = [1], strides = [1]} : vector<16xi32> to vector<1xi32>
        %squeeze3A_171 = vector.extract %slice3A_170[0] : i32 from vector<1xi32>
        %and3A_172 = arith.constant 127 : i32
        %and3A_173 = arith.andi %squeeze3A_171, %and3A_172 : i32
        %broadcast_in_dim3A_174 = vector.broadcast %and3A_173 : i32 to vector<16xi32>
        %add3A_175 = arith.constant 0 : i32
        %add3A_176 = vector.broadcast %add3A_175 : i32 to vector<16xi32>
        %add3A_177 = arith.addi %iota3A, %add3A_176 : vector<16xi32>
        %gather3A_178 = arith.constant 0 : i32
        %gather3A_179 = arith.constant 0 : i32
        %gather3A_180 = tpu.memref_slice %arg11[%and3A_119, %gather3A_178, %gather3A_179] : memref<8x64x128xf32, #tpu.memory_space<vmem>> -> memref<1x64x128xf32, #tpu.memory_space<vmem>>
        %gather3A_181 = tpu.memref_squeeze %gather3A_180 : memref<1x64x128xf32, #tpu.memory_space<vmem>> -> memref<64x128xf32, #tpu.memory_space<vmem>>
        %gather3A_182 = tpu.vector_load_idx %gather3A_181[%add3A_177, %broadcast_in_dim3A_174] : memref<64x128xf32, #tpu.memory_space<vmem>>[vector<16xi32>, vector<16xi32>], vector<16xf32>,
        %swap3A = arith.constant 0 : i32
        %swap3A_183 = arith.index_cast %and3A_160 : i32 to index
        %swap3A_184 = arith.index_cast %swap3A : i32 to index
        %swap3A_185 = arith.constant 0 : index
        %swap3A_186 = tpu.vector_load %arg13[%swap3A_183, %swap3A_184, %swap3A_185] {strides = array<i32>} : memref<4x1x128xf32, #tpu.memory_space<vmem>>, vector<16xf32>,
        tpu.vector_store %arg13[%swap3A_183, %swap3A_184, %swap3A_185], %gather3A_182 {strides = array<i32>} : memref<4x1x128xf32, #tpu.memory_space<vmem>>, vector<16xf32>,
        %add3A_187 = arith.constant 16 : i32
        %add3A_188 = vector.broadcast %add3A_187 : i32 to vector<16xi32>
        %add3A_189 = arith.addi %iota3A, %add3A_188 : vector<16xi32>
        %gather3A_190 = arith.constant 0 : i32
        %gather3A_191 = arith.constant 0 : i32
        %gather3A_192 = tpu.memref_slice %arg11[%and3A_119, %gather3A_190, %gather3A_191] : memref<8x64x128xf32, #tpu.memory_space<vmem>> -> memref<1x64x128xf32, #tpu.memory_space<vmem>>
        %gather3A_193 = tpu.memref_squeeze %gather3A_192 : memref<1x64x128xf32, #tpu.memory_space<vmem>> -> memref<64x128xf32, #tpu.memory_space<vmem>>
        %gather3A_194 = tpu.vector_load_idx %gather3A_193[%add3A_189, %broadcast_in_dim3A_174] : memref<64x128xf32, #tpu.memory_space<vmem>>[vector<16xi32>, vector<16xi32>], vector<16xf32>,
        %swap3A_195 = arith.constant 0 : i32
        %swap3A_196 = arith.index_cast %and3A_160 : i32 to index
        %swap3A_197 = arith.index_cast %swap3A_195 : i32 to index
        %swap3A_198 = arith.constant 16 : index
        %swap3A_199 = tpu.vector_load %arg13[%swap3A_196, %swap3A_197, %swap3A_198] {strides = array<i32>} : memref<4x1x128xf32, #tpu.memory_space<vmem>>, vector<16xf32>,
        tpu.vector_store %arg13[%swap3A_196, %swap3A_197, %swap3A_198], %gather3A_194 {strides = array<i32>} : memref<4x1x128xf32, #tpu.memory_space<vmem>>, vector<16xf32>,
        %add3A_200 = arith.constant 32 : i32
        %add3A_201 = vector.broadcast %add3A_200 : i32 to vector<16xi32>
        %add3A_202 = arith.addi %iota3A, %add3A_201 : vector<16xi32>
        %gather3A_203 = arith.constant 0 : i32
        %gather3A_204 = arith.constant 0 : i32
        %gather3A_205 = tpu.memref_slice %arg11[%and3A_119, %gather3A_203, %gather3A_204] : memref<8x64x128xf32, #tpu.memory_space<vmem>> -> memref<1x64x128xf32, #tpu.memory_space<vmem>>
        %gather3A_206 = tpu.memref_squeeze %gather3A_205 : memref<1x64x128xf32, #tpu.memory_space<vmem>> -> memref<64x128xf32, #tpu.memory_space<vmem>>
        %gather3A_207 = tpu.vector_load_idx %gather3A_206[%add3A_202, %broadcast_in_dim3A_174] : memref<64x128xf32, #tpu.memory_space<vmem>>[vector<16xi32>, vector<16xi32>], vector<16xf32>,
        %swap3A_208 = arith.constant 0 : i32
        %swap3A_209 = arith.index_cast %and3A_160 : i32 to index
        %swap3A_210 = arith.index_cast %swap3A_208 : i32 to index
        %swap3A_211 = arith.constant 32 : index
        %swap3A_212 = tpu.vector_load %arg13[%swap3A_209, %swap3A_210, %swap3A_211] {strides = array<i32>} : memref<4x1x128xf32, #tpu.memory_space<vmem>>, vector<16xf32>,
        tpu.vector_store %arg13[%swap3A_209, %swap3A_210, %swap3A_211], %gather3A_207 {strides = array<i32>} : memref<4x1x128xf32, #tpu.memory_space<vmem>>, vector<16xf32>,
        %add3A_213 = arith.constant 48 : i32
        %add3A_214 = vector.broadcast %add3A_213 : i32 to vector<16xi32>
        %add3A_215 = arith.addi %iota3A, %add3A_214 : vector<16xi32>
        %gather3A_216 = arith.constant 0 : i32
        %gather3A_217 = arith.constant 0 : i32
        %gather3A_218 = tpu.memref_slice %arg11[%and3A_119, %gather3A_216, %gather3A_217] : memref<8x64x128xf32, #tpu.memory_space<vmem>> -> memref<1x64x128xf32, #tpu.memory_space<vmem>>
        %gather3A_219 = tpu.memref_squeeze %gather3A_218 : memref<1x64x128xf32, #tpu.memory_space<vmem>> -> memref<64x128xf32, #tpu.memory_space<vmem>>
        %gather3A_220 = tpu.vector_load_idx %gather3A_219[%add3A_215, %broadcast_in_dim3A_174] : memref<64x128xf32, #tpu.memory_space<vmem>>[vector<16xi32>, vector<16xi32>], vector<16xf32>,
        %swap3A_221 = arith.constant 0 : i32
        %swap3A_222 = arith.index_cast %and3A_160 : i32 to index
        %swap3A_223 = arith.index_cast %swap3A_221 : i32 to index
        %swap3A_224 = arith.constant 48 : index
        %swap3A_225 = tpu.vector_load %arg13[%swap3A_222, %swap3A_223, %swap3A_224] {strides = array<i32>} : memref<4x1x128xf32, #tpu.memory_space<vmem>>, vector<16xf32>,
        tpu.vector_store %arg13[%swap3A_222, %swap3A_223, %swap3A_224], %gather3A_220 {strides = array<i32>} : memref<4x1x128xf32, #tpu.memory_space<vmem>>, vector<16xf32>,
        %broadcast_in_dim3A_226 = vector.broadcast %and3A_160 : i32 to vector<16xi32>
        %broadcast_in_dim3A_227 = arith.constant 0 : i32
        %broadcast_in_dim3A_228 = vector.broadcast %broadcast_in_dim3A_227 : i32 to vector<16xi32>
        %broadcast_in_dim3A_229 = vector.broadcast %squeeze3A_167 : i32 to vector<16xi32>
        tpu.vector_store_idx %arg14[%broadcast_in_dim3A_226, %broadcast_in_dim3A_228], %broadcast_in_dim3A_229 masked %eq3A_40 : memref<4x1xi32, #tpu.memory_space<vmem>>[vector<16xi32>, vector<16xi32>], vector<16xi32>, vector<16xi1>
        %dma_start3A = arith.constant 0 : i32
        %dma_start3A_230 = arith.constant 0 : i32
        %dma_start3A_231 = tpu.memref_slice %arg13[%and3A_160, %dma_start3A, %dma_start3A_230] : memref<4x1x128xf32, #tpu.memory_space<vmem>> -> memref<1x1x128xf32, #tpu.memory_space<vmem>>
        %dma_start3A_232 = tpu.memref_squeeze %dma_start3A_231 : memref<1x1x128xf32, #tpu.memory_space<vmem>> -> memref<1x128xf32, #tpu.memory_space<vmem>>
        %dma_start3A_233 = arith.constant 0 : i32
        %dma_start3A_234 = tpu.memref_slice %arg14[%and3A_160, %dma_start3A_233] : memref<4x1xi32, #tpu.memory_space<vmem>> -> memref<1x1xi32, #tpu.memory_space<vmem>>
        %dma_start3A_235 = tpu.memref_squeeze %dma_start3A_234 : memref<1x1xi32, #tpu.memory_space<vmem>> -> memref<1xi32, #tpu.memory_space<vmem>>
        %dma_start3A_236 = arith.constant 0 : i32
        %dma_start3A_237 = arith.constant 0 : i32
        %dma_start3A_238 = tpu.memref_slice %arg4[%dma_start3A_236, %dma_start3A_237] : memref<16384x128xf32, #tpu.memory_space<hbm>> -> memref<16384x128xf32, #tpu.memory_space<hbm>>
        %dma_start3A_239 = tpu.memref_slice %arg17[%and3A_160] : memref<4x!tpu.dma_semaphore, #tpu.memory_space<semaphore_mem>> -> memref<1x!tpu.dma_semaphore, #tpu.memory_space<semaphore_mem>>
        %dma_start3A_240 = tpu.memref_squeeze %dma_start3A_239 : memref<1x!tpu.dma_semaphore, #tpu.memory_space<semaphore_mem>> -> memref<!tpu.dma_semaphore, #tpu.memory_space<semaphore_mem>>
        tpu.enqueue_indirect_dma source(%dma_start3A_232 : memref<1x128xf32, #tpu.memory_space<vmem>>) target(%dma_start3A_238 : memref<16384x128xf32, #tpu.memory_space<hbm>>) offsets(%dma_start3A_235 : memref<1xi32, #tpu.memory_space<vmem>>) semaphore(%dma_start3A_240 : memref<!tpu.dma_semaphore, #tpu.memory_space<semaphore_mem>>)
        %add3A_241 = arith.constant 1 : i32
        %add3A_242 = arith.addi %while3A_157, %add3A_241 : i32
        scf.yield %add3A_242 : i32
      }
      scf.yield %while3A_155 : i32
    }
    %eq3A_97 = arith.constant 31 : i32
    %eq3A_98 = arith.cmpi eq, %add3A, %eq3A_97 : i32
    %convert_element_type3A_99 = arith.extui %eq3A_98 : i1 to i32
    %cond3A_100 = arith.constant 0 : i32
    %cond3A_101 = arith.cmpi ne, %convert_element_type3A_99, %cond3A_100 : i32
    %cond3A_102 = scf.if %cond3A_101 -> (i32) {
      "tpu.region"() ({
        %run_scoped3A = tpu.sem_alloc : memref<!tpu.dma_semaphore, #tpu.memory_space<semaphore_mem>>
        %dma_start3A = arith.constant 0 : i32
        %dma_start3A_135 = arith.constant 999936 : i32
        %dma_start3A_136 = tpu.memref_slice %arg3[%dma_start3A, %dma_start3A_135] : memref<64x1000000xf32, #tpu.memory_space<hbm>> -> memref<64x64xf32, #tpu.memory_space<hbm>>
        %dma_start3A_137 = arith.constant 0 : i32
        %dma_start3A_138 = arith.constant 999936 : i32
        %dma_start3A_139 = tpu.memref_slice %arg3[%dma_start3A_137, %dma_start3A_138] : memref<64x1000000xf32, #tpu.memory_space<hbm>> -> memref<64x64xf32, #tpu.memory_space<hbm>>
        tpu.enqueue_dma source(%dma_start3A_139 : memref<64x64xf32, #tpu.memory_space<hbm>>) target(%arg12 : memref<64x64xf32, #tpu.memory_space<vmem>>) target_semaphore(%run_scoped3A : memref<!tpu.dma_semaphore, #tpu.memory_space<semaphore_mem>>)
        %dma_wait3A = arith.constant 0 : i32
        %dma_wait3A_140 = arith.constant 999936 : i32
        %dma_wait3A_141 = tpu.memref_slice %arg3[%dma_wait3A, %dma_wait3A_140] : memref<64x1000000xf32, #tpu.memory_space<hbm>> -> memref<64x64xf32, #tpu.memory_space<hbm>>
        %dma_wait3A_142 = arith.constant 0 : i32
        %dma_wait3A_143 = arith.constant 999936 : i32
        %dma_wait3A_144 = tpu.memref_slice %arg3[%dma_wait3A_142, %dma_wait3A_143] : memref<64x1000000xf32, #tpu.memory_space<hbm>> -> memref<64x64xf32, #tpu.memory_space<hbm>>
        tpu.wait_dma2 semaphore(%run_scoped3A : memref<!tpu.dma_semaphore, #tpu.memory_space<semaphore_mem>>) src(%dma_wait3A_144 : memref<64x64xf32, #tpu.memory_space<hbm>>) dst(%arg12 : memref<64x64xf32, #tpu.memory_space<vmem>>)
        tpu.yield
      }) : () -> ()
      %broadcast_in_dim3A_117 = arith.constant 217 : i32
      %broadcast_in_dim3A_118 = vector.broadcast %broadcast_in_dim3A_117 : i32 to vector<16xi32>
      %gather3A = tpu.vector_load_idx %arg9[%broadcast_in_dim3A_118] : memref<272xi32, #tpu.memory_space<vmem>>[vector<16xi32>], vector<16xi32>,
      %slice3A = vector.extract_strided_slice %gather3A {offsets = [0], sizes = [1], strides = [1]} : vector<16xi32> to vector<1xi32>
      %squeeze3A = vector.extract %slice3A[0] : i32 from vector<1xi32>
      %broadcast_in_dim3A_119 = arith.constant 217 : i32
      %broadcast_in_dim3A_120 = vector.broadcast %broadcast_in_dim3A_119 : i32 to vector<16xi32>
      %gather3A_121 = tpu.vector_load_idx %arg8[%broadcast_in_dim3A_120] : memref<272xi32, #tpu.memory_space<vmem>>[vector<16xi32>], vector<16xi32>,
      %slice3A_122 = vector.extract_strided_slice %gather3A_121 {offsets = [0], sizes = [1], strides = [1]} : vector<16xi32> to vector<1xi32>
      %squeeze3A_123 = vector.extract %slice3A_122[0] : i32 from vector<1xi32>
      %while3A_124 = arith.constant 0 : i32
      %while3A_125 = arith.subi %squeeze3A_123, %while3A_124 : i32
      %while3A_126 = arith.addi %while3A_124, %while3A_125 : i32
      %while3A_127 = arith.constant 1 : i32
      %while3A_128 = arith.divsi %while3A_125, %while3A_127 : i32
      %while3A_129 = arith.muli %while3A_128, %while3A_127 : i32
      %while3A_130 = arith.addi %while3A_124, %while3A_129 : i32
      %while3A_131 = arith.constant 1 : i32
      %while3A_132 = scf.for %while3A_135 = %while3A_124 to %while3A_130 step %while3A_131 iter_args(%while3A_136 = %while3A_96) -> (i32)  : i32 {
        %add3A_137 = arith.addi %squeeze3A, %while3A_135 : i32
        %and3A = arith.constant 3 : i32
        %and3A_138 = arith.andi %while3A_136, %and3A : i32
        %ge3A = arith.constant 4 : i32
        %ge3A_139 = arith.cmpi sge, %while3A_136, %ge3A : i32
        %convert_element_type3A_140 = arith.extui %ge3A_139 : i1 to i32
        %cond3A_141 = arith.constant 0 : i32
        %cond3A_142 = arith.cmpi ne, %convert_element_type3A_140, %cond3A_141 : i32
        scf.if %cond3A_142 {
          %dma_wait3A = arith.constant 0 : i32
          %dma_wait3A_205 = arith.constant 0 : i32
          %dma_wait3A_206 = arith.constant 0 : i32
          %dma_wait3A_207 = tpu.memref_slice %arg13[%dma_wait3A, %dma_wait3A_205, %dma_wait3A_206] : memref<4x1x128xf32, #tpu.memory_space<vmem>> -> memref<1x1x128xf32, #tpu.memory_space<vmem>>
          %dma_wait3A_208 = tpu.memref_squeeze %dma_wait3A_207 : memref<1x1x128xf32, #tpu.memory_space<vmem>> -> memref<1x128xf32, #tpu.memory_space<vmem>>
          %dma_wait3A_209 = arith.constant 0 : i32
          %dma_wait3A_210 = arith.constant 0 : i32
          %dma_wait3A_211 = tpu.memref_slice %arg4[%dma_wait3A_209, %dma_wait3A_210] : memref<16384x128xf32, #tpu.memory_space<hbm>> -> memref<1x128xf32, #tpu.memory_space<hbm>>
          %dma_wait3A_212 = tpu.memref_slice %arg17[%and3A_138] : memref<4x!tpu.dma_semaphore, #tpu.memory_space<semaphore_mem>> -> memref<1x!tpu.dma_semaphore, #tpu.memory_space<semaphore_mem>>
          %dma_wait3A_213 = tpu.memref_squeeze %dma_wait3A_212 : memref<1x!tpu.dma_semaphore, #tpu.memory_space<semaphore_mem>> -> memref<!tpu.dma_semaphore, #tpu.memory_space<semaphore_mem>>
          %dma_wait3A_214 = arith.constant 0 : i32
          %dma_wait3A_215 = arith.constant 0 : i32
          %dma_wait3A_216 = tpu.memref_slice %arg4[%dma_wait3A_214, %dma_wait3A_215] : memref<16384x128xf32, #tpu.memory_space<hbm>> -> memref<1x128xf32, #tpu.memory_space<hbm>>
          %dma_wait3A_217 = arith.constant 0 : i32
          %dma_wait3A_218 = arith.constant 0 : i32
          %dma_wait3A_219 = tpu.memref_slice %arg13[%dma_wait3A, %dma_wait3A_217, %dma_wait3A_218] : memref<4x1x128xf32, #tpu.memory_space<vmem>> -> memref<1x1x128xf32, #tpu.memory_space<vmem>>
          %dma_wait3A_220 = tpu.memref_squeeze %dma_wait3A_219 : memref<1x1x128xf32, #tpu.memory_space<vmem>> -> memref<1x128xf32, #tpu.memory_space<vmem>>
          tpu.wait_dma2 semaphore(%dma_wait3A_213 : memref<!tpu.dma_semaphore, #tpu.memory_space<semaphore_mem>>) src(%dma_wait3A_220 : memref<1x128xf32, #tpu.memory_space<vmem>>) dst(%dma_wait3A_216 : memref<1x128xf32, #tpu.memory_space<hbm>>)
        } else {
        }
        %get3A = arith.index_cast %add3A_137 : i32 to index
        %get3A_143 = tpu.vector_load %arg7[%get3A] {strides = array<i32>} : memref<16400xi32, #tpu.memory_space<vmem>>, vector<16xi32>,
        %slice3A_144 = vector.extract_strided_slice %get3A_143 {offsets = [0], sizes = [1], strides = [1]} : vector<16xi32> to vector<1xi32>
        %squeeze3A_145 = vector.extract %slice3A_144[0] : i32 from vector<1xi32>
        %get3A_146 = arith.index_cast %squeeze3A_145 : i32 to index
        %get3A_147 = tpu.vector_load %arg5[%get3A_146] {strides = array<i32>} : memref<16400xi32, #tpu.memory_space<vmem>>, vector<16xi32>,
        %slice3A_148 = vector.extract_strided_slice %get3A_147 {offsets = [0], sizes = [1], strides = [1]} : vector<16xi32> to vector<1xi32>
        %squeeze3A_149 = vector.extract %slice3A_148[0] : i32 from vector<1xi32>
        %and3A_150 = arith.constant 127 : i32
        %and3A_151 = arith.andi %squeeze3A_149, %and3A_150 : i32
        %broadcast_in_dim3A_152 = vector.broadcast %and3A_151 : i32 to vector<16xi32>
        %add3A_153 = arith.constant 0 : i32
        %add3A_154 = vector.broadcast %add3A_153 : i32 to vector<16xi32>
        %add3A_155 = arith.addi %iota3A, %add3A_154 : vector<16xi32>
        %gather3A_156 = tpu.vector_load_idx %arg12[%add3A_155, %broadcast_in_dim3A_152] : memref<64x64xf32, #tpu.memory_space<vmem>>[vector<16xi32>, vector<16xi32>], vector<16xf32>,
        %swap3A = arith.constant 0 : i32
        %swap3A_157 = arith.index_cast %and3A_138 : i32 to index
        %swap3A_158 = arith.index_cast %swap3A : i32 to index
        %swap3A_159 = arith.constant 0 : index
        %swap3A_160 = tpu.vector_load %arg13[%swap3A_157, %swap3A_158, %swap3A_159] {strides = array<i32>} : memref<4x1x128xf32, #tpu.memory_space<vmem>>, vector<16xf32>,
        tpu.vector_store %arg13[%swap3A_157, %swap3A_158, %swap3A_159], %gather3A_156 {strides = array<i32>} : memref<4x1x128xf32, #tpu.memory_space<vmem>>, vector<16xf32>,
        %add3A_161 = arith.constant 16 : i32
        %add3A_162 = vector.broadcast %add3A_161 : i32 to vector<16xi32>
        %add3A_163 = arith.addi %iota3A, %add3A_162 : vector<16xi32>
        %gather3A_164 = tpu.vector_load_idx %arg12[%add3A_163, %broadcast_in_dim3A_152] : memref<64x64xf32, #tpu.memory_space<vmem>>[vector<16xi32>, vector<16xi32>], vector<16xf32>,
        %swap3A_165 = arith.constant 0 : i32
        %swap3A_166 = arith.index_cast %and3A_138 : i32 to index
        %swap3A_167 = arith.index_cast %swap3A_165 : i32 to index
        %swap3A_168 = arith.constant 16 : index
        %swap3A_169 = tpu.vector_load %arg13[%swap3A_166, %swap3A_167, %swap3A_168] {strides = array<i32>} : memref<4x1x128xf32, #tpu.memory_space<vmem>>, vector<16xf32>,
        tpu.vector_store %arg13[%swap3A_166, %swap3A_167, %swap3A_168], %gather3A_164 {strides = array<i32>} : memref<4x1x128xf32, #tpu.memory_space<vmem>>, vector<16xf32>,
        %add3A_170 = arith.constant 32 : i32
        %add3A_171 = vector.broadcast %add3A_170 : i32 to vector<16xi32>
        %add3A_172 = arith.addi %iota3A, %add3A_171 : vector<16xi32>
        %gather3A_173 = tpu.vector_load_idx %arg12[%add3A_172, %broadcast_in_dim3A_152] : memref<64x64xf32, #tpu.memory_space<vmem>>[vector<16xi32>, vector<16xi32>], vector<16xf32>,
        %swap3A_174 = arith.constant 0 : i32
        %swap3A_175 = arith.index_cast %and3A_138 : i32 to index
        %swap3A_176 = arith.index_cast %swap3A_174 : i32 to index
        %swap3A_177 = arith.constant 32 : index
        %swap3A_178 = tpu.vector_load %arg13[%swap3A_175, %swap3A_176, %swap3A_177] {strides = array<i32>} : memref<4x1x128xf32, #tpu.memory_space<vmem>>, vector<16xf32>,
        tpu.vector_store %arg13[%swap3A_175, %swap3A_176, %swap3A_177], %gather3A_173 {strides = array<i32>} : memref<4x1x128xf32, #tpu.memory_space<vmem>>, vector<16xf32>,
        %add3A_179 = arith.constant 48 : i32
        %add3A_180 = vector.broadcast %add3A_179 : i32 to vector<16xi32>
        %add3A_181 = arith.addi %iota3A, %add3A_180 : vector<16xi32>
        %gather3A_182 = tpu.vector_load_idx %arg12[%add3A_181, %broadcast_in_dim3A_152] : memref<64x64xf32, #tpu.memory_space<vmem>>[vector<16xi32>, vector<16xi32>], vector<16xf32>,
        %swap3A_183 = arith.constant 0 : i32
        %swap3A_184 = arith.index_cast %and3A_138 : i32 to index
        %swap3A_185 = arith.index_cast %swap3A_183 : i32 to index
        %swap3A_186 = arith.constant 48 : index
        %swap3A_187 = tpu.vector_load %arg13[%swap3A_184, %swap3A_185, %swap3A_186] {strides = array<i32>} : memref<4x1x128xf32, #tpu.memory_space<vmem>>, vector<16xf32>,
        tpu.vector_store %arg13[%swap3A_184, %swap3A_185, %swap3A_186], %gather3A_182 {strides = array<i32>} : memref<4x1x128xf32, #tpu.memory_space<vmem>>, vector<16xf32>,
        %broadcast_in_dim3A_188 = vector.broadcast %and3A_138 : i32 to vector<16xi32>
        %broadcast_in_dim3A_189 = arith.constant 0 : i32
        %broadcast_in_dim3A_190 = vector.broadcast %broadcast_in_dim3A_189 : i32 to vector<16xi32>
        %broadcast_in_dim3A_191 = vector.broadcast %squeeze3A_145 : i32 to vector<16xi32>
        tpu.vector_store_idx %arg14[%broadcast_in_dim3A_188, %broadcast_in_dim3A_190], %broadcast_in_dim3A_191 masked %eq3A_40 : memref<4x1xi32, #tpu.memory_space<vmem>>[vector<16xi32>, vector<16xi32>], vector<16xi32>, vector<16xi1>
        %dma_start3A = arith.constant 0 : i32
        %dma_start3A_192 = arith.constant 0 : i32
        %dma_start3A_193 = tpu.memref_slice %arg13[%and3A_138, %dma_start3A, %dma_start3A_192] : memref<4x1x128xf32, #tpu.memory_space<vmem>> -> memref<1x1x128xf32, #tpu.memory_space<vmem>>
        %dma_start3A_194 = tpu.memref_squeeze %dma_start3A_193 : memref<1x1x128xf32, #tpu.memory_space<vmem>> -> memref<1x128xf32, #tpu.memory_space<vmem>>
        %dma_start3A_195 = arith.constant 0 : i32
        %dma_start3A_196 = tpu.memref_slice %arg14[%and3A_138, %dma_start3A_195] : memref<4x1xi32, #tpu.memory_space<vmem>> -> memref<1x1xi32, #tpu.memory_space<vmem>>
        %dma_start3A_197 = tpu.memref_squeeze %dma_start3A_196 : memref<1x1xi32, #tpu.memory_space<vmem>> -> memref<1xi32, #tpu.memory_space<vmem>>
        %dma_start3A_198 = arith.constant 0 : i32
        %dma_start3A_199 = arith.constant 0 : i32
        %dma_start3A_200 = tpu.memref_slice %arg4[%dma_start3A_198, %dma_start3A_199] : memref<16384x128xf32, #tpu.memory_space<hbm>> -> memref<16384x128xf32, #tpu.memory_space<hbm>>
        %dma_start3A_201 = tpu.memref_slice %arg17[%and3A_138] : memref<4x!tpu.dma_semaphore, #tpu.memory_space<semaphore_mem>> -> memref<1x!tpu.dma_semaphore, #tpu.memory_space<semaphore_mem>>
        %dma_start3A_202 = tpu.memref_squeeze %dma_start3A_201 : memref<1x!tpu.dma_semaphore, #tpu.memory_space<semaphore_mem>> -> memref<!tpu.dma_semaphore, #tpu.memory_space<semaphore_mem>>
        tpu.enqueue_indirect_dma source(%dma_start3A_194 : memref<1x128xf32, #tpu.memory_space<vmem>>) target(%dma_start3A_200 : memref<16384x128xf32, #tpu.memory_space<hbm>>) offsets(%dma_start3A_197 : memref<1xi32, #tpu.memory_space<vmem>>) semaphore(%dma_start3A_202 : memref<!tpu.dma_semaphore, #tpu.memory_space<semaphore_mem>>)
        %add3A_203 = arith.constant 1 : i32
        %add3A_204 = arith.addi %while3A_136, %add3A_203 : i32
        scf.yield %add3A_204 : i32
      }
      %while3A_133 = arith.constant 1 : i32
      %while3A_134 = scf.for %while3A_135 = %while3A_130 to %while3A_126 step %while3A_133 iter_args(%while3A_136 = %while3A_132) -> (i32)  : i32 {
        %add3A_137 = arith.addi %squeeze3A, %while3A_135 : i32
        %and3A = arith.constant 3 : i32
        %and3A_138 = arith.andi %while3A_136, %and3A : i32
        %ge3A = arith.constant 4 : i32
        %ge3A_139 = arith.cmpi sge, %while3A_136, %ge3A : i32
        %convert_element_type3A_140 = arith.extui %ge3A_139 : i1 to i32
        %cond3A_141 = arith.constant 0 : i32
        %cond3A_142 = arith.cmpi ne, %convert_element_type3A_140, %cond3A_141 : i32
        scf.if %cond3A_142 {
          %dma_wait3A = arith.constant 0 : i32
          %dma_wait3A_205 = arith.constant 0 : i32
          %dma_wait3A_206 = arith.constant 0 : i32
          %dma_wait3A_207 = tpu.memref_slice %arg13[%dma_wait3A, %dma_wait3A_205, %dma_wait3A_206] : memref<4x1x128xf32, #tpu.memory_space<vmem>> -> memref<1x1x128xf32, #tpu.memory_space<vmem>>
          %dma_wait3A_208 = tpu.memref_squeeze %dma_wait3A_207 : memref<1x1x128xf32, #tpu.memory_space<vmem>> -> memref<1x128xf32, #tpu.memory_space<vmem>>
          %dma_wait3A_209 = arith.constant 0 : i32
          %dma_wait3A_210 = arith.constant 0 : i32
          %dma_wait3A_211 = tpu.memref_slice %arg4[%dma_wait3A_209, %dma_wait3A_210] : memref<16384x128xf32, #tpu.memory_space<hbm>> -> memref<1x128xf32, #tpu.memory_space<hbm>>
          %dma_wait3A_212 = tpu.memref_slice %arg17[%and3A_138] : memref<4x!tpu.dma_semaphore, #tpu.memory_space<semaphore_mem>> -> memref<1x!tpu.dma_semaphore, #tpu.memory_space<semaphore_mem>>
          %dma_wait3A_213 = tpu.memref_squeeze %dma_wait3A_212 : memref<1x!tpu.dma_semaphore, #tpu.memory_space<semaphore_mem>> -> memref<!tpu.dma_semaphore, #tpu.memory_space<semaphore_mem>>
          %dma_wait3A_214 = arith.constant 0 : i32
          %dma_wait3A_215 = arith.constant 0 : i32
          %dma_wait3A_216 = tpu.memref_slice %arg4[%dma_wait3A_214, %dma_wait3A_215] : memref<16384x128xf32, #tpu.memory_space<hbm>> -> memref<1x128xf32, #tpu.memory_space<hbm>>
          %dma_wait3A_217 = arith.constant 0 : i32
          %dma_wait3A_218 = arith.constant 0 : i32
          %dma_wait3A_219 = tpu.memref_slice %arg13[%dma_wait3A, %dma_wait3A_217, %dma_wait3A_218] : memref<4x1x128xf32, #tpu.memory_space<vmem>> -> memref<1x1x128xf32, #tpu.memory_space<vmem>>
          %dma_wait3A_220 = tpu.memref_squeeze %dma_wait3A_219 : memref<1x1x128xf32, #tpu.memory_space<vmem>> -> memref<1x128xf32, #tpu.memory_space<vmem>>
          tpu.wait_dma2 semaphore(%dma_wait3A_213 : memref<!tpu.dma_semaphore, #tpu.memory_space<semaphore_mem>>) src(%dma_wait3A_220 : memref<1x128xf32, #tpu.memory_space<vmem>>) dst(%dma_wait3A_216 : memref<1x128xf32, #tpu.memory_space<hbm>>)
        } else {
        }
        %get3A = arith.index_cast %add3A_137 : i32 to index
        %get3A_143 = tpu.vector_load %arg7[%get3A] {strides = array<i32>} : memref<16400xi32, #tpu.memory_space<vmem>>, vector<16xi32>,
        %slice3A_144 = vector.extract_strided_slice %get3A_143 {offsets = [0], sizes = [1], strides = [1]} : vector<16xi32> to vector<1xi32>
        %squeeze3A_145 = vector.extract %slice3A_144[0] : i32 from vector<1xi32>
        %get3A_146 = arith.index_cast %squeeze3A_145 : i32 to index
        %get3A_147 = tpu.vector_load %arg5[%get3A_146] {strides = array<i32>} : memref<16400xi32, #tpu.memory_space<vmem>>, vector<16xi32>,
        %slice3A_148 = vector.extract_strided_slice %get3A_147 {offsets = [0], sizes = [1], strides = [1]} : vector<16xi32> to vector<1xi32>
        %squeeze3A_149 = vector.extract %slice3A_148[0] : i32 from vector<1xi32>
        %and3A_150 = arith.constant 127 : i32
        %and3A_151 = arith.andi %squeeze3A_149, %and3A_150 : i32
        %broadcast_in_dim3A_152 = vector.broadcast %and3A_151 : i32 to vector<16xi32>
        %add3A_153 = arith.constant 0 : i32
        %add3A_154 = vector.broadcast %add3A_153 : i32 to vector<16xi32>
        %add3A_155 = arith.addi %iota3A, %add3A_154 : vector<16xi32>
        %gather3A_156 = tpu.vector_load_idx %arg12[%add3A_155, %broadcast_in_dim3A_152] : memref<64x64xf32, #tpu.memory_space<vmem>>[vector<16xi32>, vector<16xi32>], vector<16xf32>,
        %swap3A = arith.constant 0 : i32
        %swap3A_157 = arith.index_cast %and3A_138 : i32 to index
        %swap3A_158 = arith.index_cast %swap3A : i32 to index
        %swap3A_159 = arith.constant 0 : index
        %swap3A_160 = tpu.vector_load %arg13[%swap3A_157, %swap3A_158, %swap3A_159] {strides = array<i32>} : memref<4x1x128xf32, #tpu.memory_space<vmem>>, vector<16xf32>,
        tpu.vector_store %arg13[%swap3A_157, %swap3A_158, %swap3A_159], %gather3A_156 {strides = array<i32>} : memref<4x1x128xf32, #tpu.memory_space<vmem>>, vector<16xf32>,
        %add3A_161 = arith.constant 16 : i32
        %add3A_162 = vector.broadcast %add3A_161 : i32 to vector<16xi32>
        %add3A_163 = arith.addi %iota3A, %add3A_162 : vector<16xi32>
        %gather3A_164 = tpu.vector_load_idx %arg12[%add3A_163, %broadcast_in_dim3A_152] : memref<64x64xf32, #tpu.memory_space<vmem>>[vector<16xi32>, vector<16xi32>], vector<16xf32>,
        %swap3A_165 = arith.constant 0 : i32
        %swap3A_166 = arith.index_cast %and3A_138 : i32 to index
        %swap3A_167 = arith.index_cast %swap3A_165 : i32 to index
        %swap3A_168 = arith.constant 16 : index
        %swap3A_169 = tpu.vector_load %arg13[%swap3A_166, %swap3A_167, %swap3A_168] {strides = array<i32>} : memref<4x1x128xf32, #tpu.memory_space<vmem>>, vector<16xf32>,
        tpu.vector_store %arg13[%swap3A_166, %swap3A_167, %swap3A_168], %gather3A_164 {strides = array<i32>} : memref<4x1x128xf32, #tpu.memory_space<vmem>>, vector<16xf32>,
        %add3A_170 = arith.constant 32 : i32
        %add3A_171 = vector.broadcast %add3A_170 : i32 to vector<16xi32>
        %add3A_172 = arith.addi %iota3A, %add3A_171 : vector<16xi32>
        %gather3A_173 = tpu.vector_load_idx %arg12[%add3A_172, %broadcast_in_dim3A_152] : memref<64x64xf32, #tpu.memory_space<vmem>>[vector<16xi32>, vector<16xi32>], vector<16xf32>,
        %swap3A_174 = arith.constant 0 : i32
        %swap3A_175 = arith.index_cast %and3A_138 : i32 to index
        %swap3A_176 = arith.index_cast %swap3A_174 : i32 to index
        %swap3A_177 = arith.constant 32 : index
        %swap3A_178 = tpu.vector_load %arg13[%swap3A_175, %swap3A_176, %swap3A_177] {strides = array<i32>} : memref<4x1x128xf32, #tpu.memory_space<vmem>>, vector<16xf32>,
        tpu.vector_store %arg13[%swap3A_175, %swap3A_176, %swap3A_177], %gather3A_173 {strides = array<i32>} : memref<4x1x128xf32, #tpu.memory_space<vmem>>, vector<16xf32>,
        %add3A_179 = arith.constant 48 : i32
        %add3A_180 = vector.broadcast %add3A_179 : i32 to vector<16xi32>
        %add3A_181 = arith.addi %iota3A, %add3A_180 : vector<16xi32>
        %gather3A_182 = tpu.vector_load_idx %arg12[%add3A_181, %broadcast_in_dim3A_152] : memref<64x64xf32, #tpu.memory_space<vmem>>[vector<16xi32>, vector<16xi32>], vector<16xf32>,
        %swap3A_183 = arith.constant 0 : i32
        %swap3A_184 = arith.index_cast %and3A_138 : i32 to index
        %swap3A_185 = arith.index_cast %swap3A_183 : i32 to index
        %swap3A_186 = arith.constant 48 : index
        %swap3A_187 = tpu.vector_load %arg13[%swap3A_184, %swap3A_185, %swap3A_186] {strides = array<i32>} : memref<4x1x128xf32, #tpu.memory_space<vmem>>, vector<16xf32>,
        tpu.vector_store %arg13[%swap3A_184, %swap3A_185, %swap3A_186], %gather3A_182 {strides = array<i32>} : memref<4x1x128xf32, #tpu.memory_space<vmem>>, vector<16xf32>,
        %broadcast_in_dim3A_188 = vector.broadcast %and3A_138 : i32 to vector<16xi32>
        %broadcast_in_dim3A_189 = arith.constant 0 : i32
        %broadcast_in_dim3A_190 = vector.broadcast %broadcast_in_dim3A_189 : i32 to vector<16xi32>
        %broadcast_in_dim3A_191 = vector.broadcast %squeeze3A_145 : i32 to vector<16xi32>
        tpu.vector_store_idx %arg14[%broadcast_in_dim3A_188, %broadcast_in_dim3A_190], %broadcast_in_dim3A_191 masked %eq3A_40 : memref<4x1xi32, #tpu.memory_space<vmem>>[vector<16xi32>, vector<16xi32>], vector<16xi32>, vector<16xi1>
        %dma_start3A = arith.constant 0 : i32
        %dma_start3A_192 = arith.constant 0 : i32
        %dma_start3A_193 = tpu.memref_slice %arg13[%and3A_138, %dma_start3A, %dma_start3A_192] : memref<4x1x128xf32, #tpu.memory_space<vmem>> -> memref<1x1x128xf32, #tpu.memory_space<vmem>>
        %dma_start3A_194 = tpu.memref_squeeze %dma_start3A_193 : memref<1x1x128xf32, #tpu.memory_space<vmem>> -> memref<1x128xf32, #tpu.memory_space<vmem>>
        %dma_start3A_195 = arith.constant 0 : i32
        %dma_start3A_196 = tpu.memref_slice %arg14[%and3A_138, %dma_start3A_195] : memref<4x1xi32, #tpu.memory_space<vmem>> -> memref<1x1xi32, #tpu.memory_space<vmem>>
        %dma_start3A_197 = tpu.memref_squeeze %dma_start3A_196 : memref<1x1xi32, #tpu.memory_space<vmem>> -> memref<1xi32, #tpu.memory_space<vmem>>
        %dma_start3A_198 = arith.constant 0 : i32
        %dma_start3A_199 = arith.constant 0 : i32
        %dma_start3A_200 = tpu.memref_slice %arg4[%dma_start3A_198, %dma_start3A_199] : memref<16384x128xf32, #tpu.memory_space<hbm>> -> memref<16384x128xf32, #tpu.memory_space<hbm>>
        %dma_start3A_201 = tpu.memref_slice %arg17[%and3A_138] : memref<4x!tpu.dma_semaphore, #tpu.memory_space<semaphore_mem>> -> memref<1x!tpu.dma_semaphore, #tpu.memory_space<semaphore_mem>>
        %dma_start3A_202 = tpu.memref_squeeze %dma_start3A_201 : memref<1x!tpu.dma_semaphore, #tpu.memory_space<semaphore_mem>> -> memref<!tpu.dma_semaphore, #tpu.memory_space<semaphore_mem>>
        tpu.enqueue_indirect_dma source(%dma_start3A_194 : memref<1x128xf32, #tpu.memory_space<vmem>>) target(%dma_start3A_200 : memref<16384x128xf32, #tpu.memory_space<hbm>>) offsets(%dma_start3A_197 : memref<1xi32, #tpu.memory_space<vmem>>) semaphore(%dma_start3A_202 : memref<!tpu.dma_semaphore, #tpu.memory_space<semaphore_mem>>)
        %add3A_203 = arith.constant 1 : i32
        %add3A_204 = arith.addi %while3A_136, %add3A_203 : i32
        scf.yield %add3A_204 : i32
      }
      scf.yield %while3A_134 : i32
    } else {
      scf.yield %while3A_96 : i32
    }
    %min3A_103 = arith.constant 4 : i32
    %min3A_104 = arith.minsi %cond3A_102, %min3A_103 : i32
    %while3A_105 = arith.constant 0 : i32
    %while3A_106 = arith.constant 0 : i32
    %while3A_107 = arith.subi %min3A_104, %while3A_105 : i32
    %while3A_108 = arith.addi %while3A_105, %while3A_107 : i32
    %while3A_109 = arith.constant 1 : i32
    %while3A_110 = arith.divsi %while3A_107, %while3A_109 : i32
    %while3A_111 = arith.muli %while3A_110, %while3A_109 : i32
    %while3A_112 = arith.addi %while3A_105, %while3A_111 : i32
    %while3A_113 = arith.constant 1 : i32
    %while3A_114 = scf.for %while3A_117 = %while3A_105 to %while3A_112 step %while3A_113 iter_args(%while3A_118 = %while3A_106) -> (i32)  : i32 {
      %and3A = arith.constant 3 : i32
      %and3A_119 = arith.andi %while3A_117, %and3A : i32
      %dma_wait3A = arith.constant 0 : i32
      %dma_wait3A_120 = arith.constant 0 : i32
      %dma_wait3A_121 = arith.constant 0 : i32
      %dma_wait3A_122 = tpu.memref_slice %arg13[%dma_wait3A, %dma_wait3A_120, %dma_wait3A_121] : memref<4x1x128xf32, #tpu.memory_space<vmem>> -> memref<1x1x128xf32, #tpu.memory_space<vmem>>
      %dma_wait3A_123 = tpu.memref_squeeze %dma_wait3A_122 : memref<1x1x128xf32, #tpu.memory_space<vmem>> -> memref<1x128xf32, #tpu.memory_space<vmem>>
      %dma_wait3A_124 = arith.constant 0 : i32
      %dma_wait3A_125 = arith.constant 0 : i32
      %dma_wait3A_126 = tpu.memref_slice %arg4[%dma_wait3A_124, %dma_wait3A_125] : memref<16384x128xf32, #tpu.memory_space<hbm>> -> memref<1x128xf32, #tpu.memory_space<hbm>>
      %dma_wait3A_127 = tpu.memref_slice %arg17[%and3A_119] : memref<4x!tpu.dma_semaphore, #tpu.memory_space<semaphore_mem>> -> memref<1x!tpu.dma_semaphore, #tpu.memory_space<semaphore_mem>>
      %dma_wait3A_128 = tpu.memref_squeeze %dma_wait3A_127 : memref<1x!tpu.dma_semaphore, #tpu.memory_space<semaphore_mem>> -> memref<!tpu.dma_semaphore, #tpu.memory_space<semaphore_mem>>
      %dma_wait3A_129 = arith.constant 0 : i32
      %dma_wait3A_130 = arith.constant 0 : i32
      %dma_wait3A_131 = tpu.memref_slice %arg4[%dma_wait3A_129, %dma_wait3A_130] : memref<16384x128xf32, #tpu.memory_space<hbm>> -> memref<1x128xf32, #tpu.memory_space<hbm>>
      %dma_wait3A_132 = arith.constant 0 : i32
      %dma_wait3A_133 = arith.constant 0 : i32
      %dma_wait3A_134 = tpu.memref_slice %arg13[%dma_wait3A, %dma_wait3A_132, %dma_wait3A_133] : memref<4x1x128xf32, #tpu.memory_space<vmem>> -> memref<1x1x128xf32, #tpu.memory_space<vmem>>
      %dma_wait3A_135 = tpu.memref_squeeze %dma_wait3A_134 : memref<1x1x128xf32, #tpu.memory_space<vmem>> -> memref<1x128xf32, #tpu.memory_space<vmem>>
      tpu.wait_dma2 semaphore(%dma_wait3A_128 : memref<!tpu.dma_semaphore, #tpu.memory_space<semaphore_mem>>) src(%dma_wait3A_135 : memref<1x128xf32, #tpu.memory_space<vmem>>) dst(%dma_wait3A_131 : memref<1x128xf32, #tpu.memory_space<hbm>>)
      %while3A_136 = arith.constant 0 : i32
      scf.yield %while3A_136 : i32
    }
    %while3A_115 = arith.constant 1 : i32
    %while3A_116 = scf.for %while3A_117 = %while3A_112 to %while3A_108 step %while3A_115 iter_args(%while3A_118 = %while3A_114) -> (i32)  : i32 {
      %and3A = arith.constant 3 : i32
      %and3A_119 = arith.andi %while3A_117, %and3A : i32
      %dma_wait3A = arith.constant 0 : i32
      %dma_wait3A_120 = arith.constant 0 : i32
      %dma_wait3A_121 = arith.constant 0 : i32
      %dma_wait3A_122 = tpu.memref_slice %arg13[%dma_wait3A, %dma_wait3A_120, %dma_wait3A_121] : memref<4x1x128xf32, #tpu.memory_space<vmem>> -> memref<1x1x128xf32, #tpu.memory_space<vmem>>
      %dma_wait3A_123 = tpu.memref_squeeze %dma_wait3A_122 : memref<1x1x128xf32, #tpu.memory_space<vmem>> -> memref<1x128xf32, #tpu.memory_space<vmem>>
      %dma_wait3A_124 = arith.constant 0 : i32
      %dma_wait3A_125 = arith.constant 0 : i32
      %dma_wait3A_126 = tpu.memref_slice %arg4[%dma_wait3A_124, %dma_wait3A_125] : memref<16384x128xf32, #tpu.memory_space<hbm>> -> memref<1x128xf32, #tpu.memory_space<hbm>>
      %dma_wait3A_127 = tpu.memref_slice %arg17[%and3A_119] : memref<4x!tpu.dma_semaphore, #tpu.memory_space<semaphore_mem>> -> memref<1x!tpu.dma_semaphore, #tpu.memory_space<semaphore_mem>>
      %dma_wait3A_128 = tpu.memref_squeeze %dma_wait3A_127 : memref<1x!tpu.dma_semaphore, #tpu.memory_space<semaphore_mem>> -> memref<!tpu.dma_semaphore, #tpu.memory_space<semaphore_mem>>
      %dma_wait3A_129 = arith.constant 0 : i32
      %dma_wait3A_130 = arith.constant 0 : i32
      %dma_wait3A_131 = tpu.memref_slice %arg4[%dma_wait3A_129, %dma_wait3A_130] : memref<16384x128xf32, #tpu.memory_space<hbm>> -> memref<1x128xf32, #tpu.memory_space<hbm>>
      %dma_wait3A_132 = arith.constant 0 : i32
      %dma_wait3A_133 = arith.constant 0 : i32
      %dma_wait3A_134 = tpu.memref_slice %arg13[%dma_wait3A, %dma_wait3A_132, %dma_wait3A_133] : memref<4x1x128xf32, #tpu.memory_space<vmem>> -> memref<1x1x128xf32, #tpu.memory_space<vmem>>
      %dma_wait3A_135 = tpu.memref_squeeze %dma_wait3A_134 : memref<1x1x128xf32, #tpu.memory_space<vmem>> -> memref<1x128xf32, #tpu.memory_space<vmem>>
      tpu.wait_dma2 semaphore(%dma_wait3A_128 : memref<!tpu.dma_semaphore, #tpu.memory_space<semaphore_mem>>) src(%dma_wait3A_135 : memref<1x128xf32, #tpu.memory_space<vmem>>) dst(%dma_wait3A_131 : memref<1x128xf32, #tpu.memory_space<hbm>>)
      %while3A_136 = arith.constant 0 : i32
      scf.yield %while3A_136 : i32
    }
    return
  }
}

#map = affine_map<(d0, d1) -> (0, 0)>
module attributes {stable_mosaic.version = 14 : i64} {
  func.func @_mse_body(%arg0: i32, %arg1: i32, %arg2: memref<64x16384xf32, #tpu.memory_space<hbm>>, %arg3: memref<16384x128xf32, #tpu.memory_space<hbm>>, %arg4: memref<32x16xf32, #tpu.memory_space<hbm>>, %arg5: memref<64x512xf32, #tpu.memory_space<vmem>>, %arg6: memref<512x128xf32, #tpu.memory_space<vmem>>, %arg7: memref<16xf32, #tpu.memory_space<vmem>>, %arg8: memref<!tpu.dma_semaphore, #tpu.memory_space<semaphore_mem>>, %arg9: memref<!tpu.dma_semaphore, #tpu.memory_space<semaphore_mem>>) attributes {dimension_semantics = [#tpu.dimension_semantics<core_parallel>, #tpu.dimension_semantics<subcore_parallel>], iteration_bounds = array<i64: 2, 16>, scalar_prefetch = 0 : i64, scratch_operands = 5 : i64, tpu.core_type = #tpu.core_type<sc_vector_subcore>, window_params = [{transform_indices = #map}, {transform_indices = #map}, {transform_indices = #map}]} {
    %mul3A = arith.constant 2 : i32
    %mul3A_0 = arith.muli %arg1, %mul3A : i32
    %add3A = arith.addi %mul3A_0, %arg0 : i32
    %mul3A_1 = arith.constant 512 : i32
    %mul3A_2 = arith.muli %add3A, %mul3A_1 : i32
    %dma_start3A = arith.constant 0 : i32
    %dma_start3A_3 = tpu.memref_slice %arg2[%dma_start3A, %mul3A_2] : memref<64x16384xf32, #tpu.memory_space<hbm>> -> memref<64x512xf32, #tpu.memory_space<hbm>>
    %dma_start3A_4 = arith.constant 0 : i32
    %dma_start3A_5 = tpu.memref_slice %arg2[%dma_start3A_4, %mul3A_2] : memref<64x16384xf32, #tpu.memory_space<hbm>> -> memref<64x512xf32, #tpu.memory_space<hbm>>
    tpu.enqueue_dma source(%dma_start3A_5 : memref<64x512xf32, #tpu.memory_space<hbm>>) target(%arg5 : memref<64x512xf32, #tpu.memory_space<vmem>>) target_semaphore(%arg8 : memref<!tpu.dma_semaphore, #tpu.memory_space<semaphore_mem>>)
    %dma_start3A_6 = arith.constant 0 : i32
    %dma_start3A_7 = tpu.memref_slice %arg3[%mul3A_2, %dma_start3A_6] : memref<16384x128xf32, #tpu.memory_space<hbm>> -> memref<512x128xf32, #tpu.memory_space<hbm>>
    %dma_start3A_8 = arith.constant 0 : i32
    %dma_start3A_9 = tpu.memref_slice %arg3[%mul3A_2, %dma_start3A_8] : memref<16384x128xf32, #tpu.memory_space<hbm>> -> memref<512x128xf32, #tpu.memory_space<hbm>>
    tpu.enqueue_dma source(%dma_start3A_9 : memref<512x128xf32, #tpu.memory_space<hbm>>) target(%arg6 : memref<512x128xf32, #tpu.memory_space<vmem>>) target_semaphore(%arg9 : memref<!tpu.dma_semaphore, #tpu.memory_space<semaphore_mem>>)
    %dma_wait3A = arith.constant 0 : i32
    %dma_wait3A_10 = tpu.memref_slice %arg3[%mul3A_2, %dma_wait3A] : memref<16384x128xf32, #tpu.memory_space<hbm>> -> memref<512x128xf32, #tpu.memory_space<hbm>>
    %dma_wait3A_11 = arith.constant 0 : i32
    %dma_wait3A_12 = tpu.memref_slice %arg3[%mul3A_2, %dma_wait3A_11] : memref<16384x128xf32, #tpu.memory_space<hbm>> -> memref<512x128xf32, #tpu.memory_space<hbm>>
    tpu.wait_dma2 semaphore(%arg9 : memref<!tpu.dma_semaphore, #tpu.memory_space<semaphore_mem>>) src(%dma_wait3A_12 : memref<512x128xf32, #tpu.memory_space<hbm>>) dst(%arg6 : memref<512x128xf32, #tpu.memory_space<vmem>>)
    %dma_wait3A_13 = arith.constant 0 : i32
    %dma_wait3A_14 = tpu.memref_slice %arg2[%dma_wait3A_13, %mul3A_2] : memref<64x16384xf32, #tpu.memory_space<hbm>> -> memref<64x512xf32, #tpu.memory_space<hbm>>
    %dma_wait3A_15 = arith.constant 0 : i32
    %dma_wait3A_16 = tpu.memref_slice %arg2[%dma_wait3A_15, %mul3A_2] : memref<64x16384xf32, #tpu.memory_space<hbm>> -> memref<64x512xf32, #tpu.memory_space<hbm>>
    tpu.wait_dma2 semaphore(%arg8 : memref<!tpu.dma_semaphore, #tpu.memory_space<semaphore_mem>>) src(%dma_wait3A_16 : memref<64x512xf32, #tpu.memory_space<hbm>>) dst(%arg5 : memref<64x512xf32, #tpu.memory_space<vmem>>)
    %iota3A = tpu.iota {dimensions = array<i32: 0>} : vector<16xi32>
    %broadcast_in_dim3A = arith.constant 0.000000e+00 : f32
    %broadcast_in_dim3A_17 = vector.broadcast %broadcast_in_dim3A : f32 to vector<16xf32>
    %scan3A = arith.constant 0 : i32
    %scan3A_18 = arith.constant 32 : i32
    %scan3A_19 = arith.addi %scan3A, %scan3A_18 : i32
    %scan3A_20 = arith.constant 1 : i32
    %scan3A_21:4 = scf.for %scan3A_27 = %scan3A to %scan3A_19 step %scan3A_20 iter_args(%scan3A_28 = %broadcast_in_dim3A_17, %scan3A_29 = %broadcast_in_dim3A_17, %scan3A_30 = %broadcast_in_dim3A_17, %scan3A_31 = %broadcast_in_dim3A_17) -> (vector<16xf32>, vector<16xf32>, vector<16xf32>, vector<16xf32>)  : i32 {
      %mul3A_32 = arith.constant 16 : i32
      %mul3A_33 = arith.muli %scan3A_27, %mul3A_32 : i32
      %add3A_34 = arith.constant 0 : i32
      %add3A_35 = arith.addi %mul3A_33, %add3A_34 : i32
      %broadcast_in_dim3A_36 = vector.broadcast %add3A_35 : i32 to vector<16xi32>
      %get3A = arith.index_cast %add3A_35 : i32 to index
      %get3A_37 = arith.constant 0 : index
      %get3A_38 = tpu.vector_load %arg6[%get3A, %get3A_37] {strides = array<i32>} : memref<512x128xf32, #tpu.memory_space<vmem>>, vector<16xf32>,
      %gather3A = tpu.vector_load_idx %arg5[%iota3A, %broadcast_in_dim3A_36] : memref<64x512xf32, #tpu.memory_space<vmem>>[vector<16xi32>, vector<16xi32>], vector<16xf32>,
      %get3A_39 = arith.index_cast %add3A_35 : i32 to index
      %get3A_40 = arith.constant 16 : index
      %get3A_41 = tpu.vector_load %arg6[%get3A_39, %get3A_40] {strides = array<i32>} : memref<512x128xf32, #tpu.memory_space<vmem>>, vector<16xf32>,
      %add3A_42 = arith.constant 16 : i32
      %add3A_43 = vector.broadcast %add3A_42 : i32 to vector<16xi32>
      %add3A_44 = arith.addi %iota3A, %add3A_43 : vector<16xi32>
      %gather3A_45 = tpu.vector_load_idx %arg5[%add3A_44, %broadcast_in_dim3A_36] : memref<64x512xf32, #tpu.memory_space<vmem>>[vector<16xi32>, vector<16xi32>], vector<16xf32>,
      %get3A_46 = arith.index_cast %add3A_35 : i32 to index
      %get3A_47 = arith.constant 32 : index
      %get3A_48 = tpu.vector_load %arg6[%get3A_46, %get3A_47] {strides = array<i32>} : memref<512x128xf32, #tpu.memory_space<vmem>>, vector<16xf32>,
      %add3A_49 = arith.constant 32 : i32
      %add3A_50 = vector.broadcast %add3A_49 : i32 to vector<16xi32>
      %add3A_51 = arith.addi %iota3A, %add3A_50 : vector<16xi32>
      %gather3A_52 = tpu.vector_load_idx %arg5[%add3A_51, %broadcast_in_dim3A_36] : memref<64x512xf32, #tpu.memory_space<vmem>>[vector<16xi32>, vector<16xi32>], vector<16xf32>,
      %get3A_53 = arith.index_cast %add3A_35 : i32 to index
      %get3A_54 = arith.constant 48 : index
      %get3A_55 = tpu.vector_load %arg6[%get3A_53, %get3A_54] {strides = array<i32>} : memref<512x128xf32, #tpu.memory_space<vmem>>, vector<16xf32>,
      %add3A_56 = arith.constant 48 : i32
      %add3A_57 = vector.broadcast %add3A_56 : i32 to vector<16xi32>
      %add3A_58 = arith.addi %iota3A, %add3A_57 : vector<16xi32>
      %gather3A_59 = tpu.vector_load_idx %arg5[%add3A_58, %broadcast_in_dim3A_36] : memref<64x512xf32, #tpu.memory_space<vmem>>[vector<16xi32>, vector<16xi32>], vector<16xf32>,
      %sub3A = arith.subf %gather3A, %get3A_38 : vector<16xf32>
      %sub3A_60 = arith.subf %gather3A_45, %get3A_41 : vector<16xf32>
      %sub3A_61 = arith.subf %gather3A_52, %get3A_48 : vector<16xf32>
      %sub3A_62 = arith.subf %gather3A_59, %get3A_55 : vector<16xf32>
      %mul3A_63 = arith.mulf %sub3A, %sub3A : vector<16xf32>
      %add3A_64 = arith.addf %scan3A_28, %mul3A_63 : vector<16xf32>
      %mul3A_65 = arith.mulf %sub3A_60, %sub3A_60 : vector<16xf32>
      %add3A_66 = arith.addf %scan3A_29, %mul3A_65 : vector<16xf32>
      %mul3A_67 = arith.mulf %sub3A_61, %sub3A_61 : vector<16xf32>
      %add3A_68 = arith.addf %scan3A_30, %mul3A_67 : vector<16xf32>
      %mul3A_69 = arith.mulf %sub3A_62, %sub3A_62 : vector<16xf32>
      %add3A_70 = arith.addf %scan3A_31, %mul3A_69 : vector<16xf32>
      %mul3A_71 = arith.constant 16 : i32
      %mul3A_72 = arith.muli %scan3A_27, %mul3A_71 : i32
      %add3A_73 = arith.constant 1 : i32
      %add3A_74 = arith.addi %mul3A_72, %add3A_73 : i32
      %broadcast_in_dim3A_75 = vector.broadcast %add3A_74 : i32 to vector<16xi32>
      %get3A_76 = arith.index_cast %add3A_74 : i32 to index
      %get3A_77 = arith.constant 0 : index
      %get3A_78 = tpu.vector_load %arg6[%get3A_76, %get3A_77] {strides = array<i32>} : memref<512x128xf32, #tpu.memory_space<vmem>>, vector<16xf32>,
      %gather3A_79 = tpu.vector_load_idx %arg5[%iota3A, %broadcast_in_dim3A_75] : memref<64x512xf32, #tpu.memory_space<vmem>>[vector<16xi32>, vector<16xi32>], vector<16xf32>,
      %get3A_80 = arith.index_cast %add3A_74 : i32 to index
      %get3A_81 = arith.constant 16 : index
      %get3A_82 = tpu.vector_load %arg6[%get3A_80, %get3A_81] {strides = array<i32>} : memref<512x128xf32, #tpu.memory_space<vmem>>, vector<16xf32>,
      %add3A_83 = arith.constant 16 : i32
      %add3A_84 = vector.broadcast %add3A_83 : i32 to vector<16xi32>
      %add3A_85 = arith.addi %iota3A, %add3A_84 : vector<16xi32>
      %gather3A_86 = tpu.vector_load_idx %arg5[%add3A_85, %broadcast_in_dim3A_75] : memref<64x512xf32, #tpu.memory_space<vmem>>[vector<16xi32>, vector<16xi32>], vector<16xf32>,
      %get3A_87 = arith.index_cast %add3A_74 : i32 to index
      %get3A_88 = arith.constant 32 : index
      %get3A_89 = tpu.vector_load %arg6[%get3A_87, %get3A_88] {strides = array<i32>} : memref<512x128xf32, #tpu.memory_space<vmem>>, vector<16xf32>,
      %add3A_90 = arith.constant 32 : i32
      %add3A_91 = vector.broadcast %add3A_90 : i32 to vector<16xi32>
      %add3A_92 = arith.addi %iota3A, %add3A_91 : vector<16xi32>
      %gather3A_93 = tpu.vector_load_idx %arg5[%add3A_92, %broadcast_in_dim3A_75] : memref<64x512xf32, #tpu.memory_space<vmem>>[vector<16xi32>, vector<16xi32>], vector<16xf32>,
      %get3A_94 = arith.index_cast %add3A_74 : i32 to index
      %get3A_95 = arith.constant 48 : index
      %get3A_96 = tpu.vector_load %arg6[%get3A_94, %get3A_95] {strides = array<i32>} : memref<512x128xf32, #tpu.memory_space<vmem>>, vector<16xf32>,
      %add3A_97 = arith.constant 48 : i32
      %add3A_98 = vector.broadcast %add3A_97 : i32 to vector<16xi32>
      %add3A_99 = arith.addi %iota3A, %add3A_98 : vector<16xi32>
      %gather3A_100 = tpu.vector_load_idx %arg5[%add3A_99, %broadcast_in_dim3A_75] : memref<64x512xf32, #tpu.memory_space<vmem>>[vector<16xi32>, vector<16xi32>], vector<16xf32>,
      %sub3A_101 = arith.subf %gather3A_79, %get3A_78 : vector<16xf32>
      %sub3A_102 = arith.subf %gather3A_86, %get3A_82 : vector<16xf32>
      %sub3A_103 = arith.subf %gather3A_93, %get3A_89 : vector<16xf32>
      %sub3A_104 = arith.subf %gather3A_100, %get3A_96 : vector<16xf32>
      %mul3A_105 = arith.mulf %sub3A_101, %sub3A_101 : vector<16xf32>
      %add3A_106 = arith.addf %add3A_64, %mul3A_105 : vector<16xf32>
      %mul3A_107 = arith.mulf %sub3A_102, %sub3A_102 : vector<16xf32>
      %add3A_108 = arith.addf %add3A_66, %mul3A_107 : vector<16xf32>
      %mul3A_109 = arith.mulf %sub3A_103, %sub3A_103 : vector<16xf32>
      %add3A_110 = arith.addf %add3A_68, %mul3A_109 : vector<16xf32>
      %mul3A_111 = arith.mulf %sub3A_104, %sub3A_104 : vector<16xf32>
      %add3A_112 = arith.addf %add3A_70, %mul3A_111 : vector<16xf32>
      %mul3A_113 = arith.constant 16 : i32
      %mul3A_114 = arith.muli %scan3A_27, %mul3A_113 : i32
      %add3A_115 = arith.constant 2 : i32
      %add3A_116 = arith.addi %mul3A_114, %add3A_115 : i32
      %broadcast_in_dim3A_117 = vector.broadcast %add3A_116 : i32 to vector<16xi32>
      %get3A_118 = arith.index_cast %add3A_116 : i32 to index
      %get3A_119 = arith.constant 0 : index
      %get3A_120 = tpu.vector_load %arg6[%get3A_118, %get3A_119] {strides = array<i32>} : memref<512x128xf32, #tpu.memory_space<vmem>>, vector<16xf32>,
      %gather3A_121 = tpu.vector_load_idx %arg5[%iota3A, %broadcast_in_dim3A_117] : memref<64x512xf32, #tpu.memory_space<vmem>>[vector<16xi32>, vector<16xi32>], vector<16xf32>,
      %get3A_122 = arith.index_cast %add3A_116 : i32 to index
      %get3A_123 = arith.constant 16 : index
      %get3A_124 = tpu.vector_load %arg6[%get3A_122, %get3A_123] {strides = array<i32>} : memref<512x128xf32, #tpu.memory_space<vmem>>, vector<16xf32>,
      %add3A_125 = arith.constant 16 : i32
      %add3A_126 = vector.broadcast %add3A_125 : i32 to vector<16xi32>
      %add3A_127 = arith.addi %iota3A, %add3A_126 : vector<16xi32>
      %gather3A_128 = tpu.vector_load_idx %arg5[%add3A_127, %broadcast_in_dim3A_117] : memref<64x512xf32, #tpu.memory_space<vmem>>[vector<16xi32>, vector<16xi32>], vector<16xf32>,
      %get3A_129 = arith.index_cast %add3A_116 : i32 to index
      %get3A_130 = arith.constant 32 : index
      %get3A_131 = tpu.vector_load %arg6[%get3A_129, %get3A_130] {strides = array<i32>} : memref<512x128xf32, #tpu.memory_space<vmem>>, vector<16xf32>,
      %add3A_132 = arith.constant 32 : i32
      %add3A_133 = vector.broadcast %add3A_132 : i32 to vector<16xi32>
      %add3A_134 = arith.addi %iota3A, %add3A_133 : vector<16xi32>
      %gather3A_135 = tpu.vector_load_idx %arg5[%add3A_134, %broadcast_in_dim3A_117] : memref<64x512xf32, #tpu.memory_space<vmem>>[vector<16xi32>, vector<16xi32>], vector<16xf32>,
      %get3A_136 = arith.index_cast %add3A_116 : i32 to index
      %get3A_137 = arith.constant 48 : index
      %get3A_138 = tpu.vector_load %arg6[%get3A_136, %get3A_137] {strides = array<i32>} : memref<512x128xf32, #tpu.memory_space<vmem>>, vector<16xf32>,
      %add3A_139 = arith.constant 48 : i32
      %add3A_140 = vector.broadcast %add3A_139 : i32 to vector<16xi32>
      %add3A_141 = arith.addi %iota3A, %add3A_140 : vector<16xi32>
      %gather3A_142 = tpu.vector_load_idx %arg5[%add3A_141, %broadcast_in_dim3A_117] : memref<64x512xf32, #tpu.memory_space<vmem>>[vector<16xi32>, vector<16xi32>], vector<16xf32>,
      %sub3A_143 = arith.subf %gather3A_121, %get3A_120 : vector<16xf32>
      %sub3A_144 = arith.subf %gather3A_128, %get3A_124 : vector<16xf32>
      %sub3A_145 = arith.subf %gather3A_135, %get3A_131 : vector<16xf32>
      %sub3A_146 = arith.subf %gather3A_142, %get3A_138 : vector<16xf32>
      %mul3A_147 = arith.mulf %sub3A_143, %sub3A_143 : vector<16xf32>
      %add3A_148 = arith.addf %add3A_106, %mul3A_147 : vector<16xf32>
      %mul3A_149 = arith.mulf %sub3A_144, %sub3A_144 : vector<16xf32>
      %add3A_150 = arith.addf %add3A_108, %mul3A_149 : vector<16xf32>
      %mul3A_151 = arith.mulf %sub3A_145, %sub3A_145 : vector<16xf32>
      %add3A_152 = arith.addf %add3A_110, %mul3A_151 : vector<16xf32>
      %mul3A_153 = arith.mulf %sub3A_146, %sub3A_146 : vector<16xf32>
      %add3A_154 = arith.addf %add3A_112, %mul3A_153 : vector<16xf32>
      %mul3A_155 = arith.constant 16 : i32
      %mul3A_156 = arith.muli %scan3A_27, %mul3A_155 : i32
      %add3A_157 = arith.constant 3 : i32
      %add3A_158 = arith.addi %mul3A_156, %add3A_157 : i32
      %broadcast_in_dim3A_159 = vector.broadcast %add3A_158 : i32 to vector<16xi32>
      %get3A_160 = arith.index_cast %add3A_158 : i32 to index
      %get3A_161 = arith.constant 0 : index
      %get3A_162 = tpu.vector_load %arg6[%get3A_160, %get3A_161] {strides = array<i32>} : memref<512x128xf32, #tpu.memory_space<vmem>>, vector<16xf32>,
      %gather3A_163 = tpu.vector_load_idx %arg5[%iota3A, %broadcast_in_dim3A_159] : memref<64x512xf32, #tpu.memory_space<vmem>>[vector<16xi32>, vector<16xi32>], vector<16xf32>,
      %get3A_164 = arith.index_cast %add3A_158 : i32 to index
      %get3A_165 = arith.constant 16 : index
      %get3A_166 = tpu.vector_load %arg6[%get3A_164, %get3A_165] {strides = array<i32>} : memref<512x128xf32, #tpu.memory_space<vmem>>, vector<16xf32>,
      %add3A_167 = arith.constant 16 : i32
      %add3A_168 = vector.broadcast %add3A_167 : i32 to vector<16xi32>
      %add3A_169 = arith.addi %iota3A, %add3A_168 : vector<16xi32>
      %gather3A_170 = tpu.vector_load_idx %arg5[%add3A_169, %broadcast_in_dim3A_159] : memref<64x512xf32, #tpu.memory_space<vmem>>[vector<16xi32>, vector<16xi32>], vector<16xf32>,
      %get3A_171 = arith.index_cast %add3A_158 : i32 to index
      %get3A_172 = arith.constant 32 : index
      %get3A_173 = tpu.vector_load %arg6[%get3A_171, %get3A_172] {strides = array<i32>} : memref<512x128xf32, #tpu.memory_space<vmem>>, vector<16xf32>,
      %add3A_174 = arith.constant 32 : i32
      %add3A_175 = vector.broadcast %add3A_174 : i32 to vector<16xi32>
      %add3A_176 = arith.addi %iota3A, %add3A_175 : vector<16xi32>
      %gather3A_177 = tpu.vector_load_idx %arg5[%add3A_176, %broadcast_in_dim3A_159] : memref<64x512xf32, #tpu.memory_space<vmem>>[vector<16xi32>, vector<16xi32>], vector<16xf32>,
      %get3A_178 = arith.index_cast %add3A_158 : i32 to index
      %get3A_179 = arith.constant 48 : index
      %get3A_180 = tpu.vector_load %arg6[%get3A_178, %get3A_179] {strides = array<i32>} : memref<512x128xf32, #tpu.memory_space<vmem>>, vector<16xf32>,
      %add3A_181 = arith.constant 48 : i32
      %add3A_182 = vector.broadcast %add3A_181 : i32 to vector<16xi32>
      %add3A_183 = arith.addi %iota3A, %add3A_182 : vector<16xi32>
      %gather3A_184 = tpu.vector_load_idx %arg5[%add3A_183, %broadcast_in_dim3A_159] : memref<64x512xf32, #tpu.memory_space<vmem>>[vector<16xi32>, vector<16xi32>], vector<16xf32>,
      %sub3A_185 = arith.subf %gather3A_163, %get3A_162 : vector<16xf32>
      %sub3A_186 = arith.subf %gather3A_170, %get3A_166 : vector<16xf32>
      %sub3A_187 = arith.subf %gather3A_177, %get3A_173 : vector<16xf32>
      %sub3A_188 = arith.subf %gather3A_184, %get3A_180 : vector<16xf32>
      %mul3A_189 = arith.mulf %sub3A_185, %sub3A_185 : vector<16xf32>
      %add3A_190 = arith.addf %add3A_148, %mul3A_189 : vector<16xf32>
      %mul3A_191 = arith.mulf %sub3A_186, %sub3A_186 : vector<16xf32>
      %add3A_192 = arith.addf %add3A_150, %mul3A_191 : vector<16xf32>
      %mul3A_193 = arith.mulf %sub3A_187, %sub3A_187 : vector<16xf32>
      %add3A_194 = arith.addf %add3A_152, %mul3A_193 : vector<16xf32>
      %mul3A_195 = arith.mulf %sub3A_188, %sub3A_188 : vector<16xf32>
      %add3A_196 = arith.addf %add3A_154, %mul3A_195 : vector<16xf32>
      %mul3A_197 = arith.constant 16 : i32
      %mul3A_198 = arith.muli %scan3A_27, %mul3A_197 : i32
      %add3A_199 = arith.constant 4 : i32
      %add3A_200 = arith.addi %mul3A_198, %add3A_199 : i32
      %broadcast_in_dim3A_201 = vector.broadcast %add3A_200 : i32 to vector<16xi32>
      %get3A_202 = arith.index_cast %add3A_200 : i32 to index
      %get3A_203 = arith.constant 0 : index
      %get3A_204 = tpu.vector_load %arg6[%get3A_202, %get3A_203] {strides = array<i32>} : memref<512x128xf32, #tpu.memory_space<vmem>>, vector<16xf32>,
      %gather3A_205 = tpu.vector_load_idx %arg5[%iota3A, %broadcast_in_dim3A_201] : memref<64x512xf32, #tpu.memory_space<vmem>>[vector<16xi32>, vector<16xi32>], vector<16xf32>,
      %get3A_206 = arith.index_cast %add3A_200 : i32 to index
      %get3A_207 = arith.constant 16 : index
      %get3A_208 = tpu.vector_load %arg6[%get3A_206, %get3A_207] {strides = array<i32>} : memref<512x128xf32, #tpu.memory_space<vmem>>, vector<16xf32>,
      %add3A_209 = arith.constant 16 : i32
      %add3A_210 = vector.broadcast %add3A_209 : i32 to vector<16xi32>
      %add3A_211 = arith.addi %iota3A, %add3A_210 : vector<16xi32>
      %gather3A_212 = tpu.vector_load_idx %arg5[%add3A_211, %broadcast_in_dim3A_201] : memref<64x512xf32, #tpu.memory_space<vmem>>[vector<16xi32>, vector<16xi32>], vector<16xf32>,
      %get3A_213 = arith.index_cast %add3A_200 : i32 to index
      %get3A_214 = arith.constant 32 : index
      %get3A_215 = tpu.vector_load %arg6[%get3A_213, %get3A_214] {strides = array<i32>} : memref<512x128xf32, #tpu.memory_space<vmem>>, vector<16xf32>,
      %add3A_216 = arith.constant 32 : i32
      %add3A_217 = vector.broadcast %add3A_216 : i32 to vector<16xi32>
      %add3A_218 = arith.addi %iota3A, %add3A_217 : vector<16xi32>
      %gather3A_219 = tpu.vector_load_idx %arg5[%add3A_218, %broadcast_in_dim3A_201] : memref<64x512xf32, #tpu.memory_space<vmem>>[vector<16xi32>, vector<16xi32>], vector<16xf32>,
      %get3A_220 = arith.index_cast %add3A_200 : i32 to index
      %get3A_221 = arith.constant 48 : index
      %get3A_222 = tpu.vector_load %arg6[%get3A_220, %get3A_221] {strides = array<i32>} : memref<512x128xf32, #tpu.memory_space<vmem>>, vector<16xf32>,
      %add3A_223 = arith.constant 48 : i32
      %add3A_224 = vector.broadcast %add3A_223 : i32 to vector<16xi32>
      %add3A_225 = arith.addi %iota3A, %add3A_224 : vector<16xi32>
      %gather3A_226 = tpu.vector_load_idx %arg5[%add3A_225, %broadcast_in_dim3A_201] : memref<64x512xf32, #tpu.memory_space<vmem>>[vector<16xi32>, vector<16xi32>], vector<16xf32>,
      %sub3A_227 = arith.subf %gather3A_205, %get3A_204 : vector<16xf32>
      %sub3A_228 = arith.subf %gather3A_212, %get3A_208 : vector<16xf32>
      %sub3A_229 = arith.subf %gather3A_219, %get3A_215 : vector<16xf32>
      %sub3A_230 = arith.subf %gather3A_226, %get3A_222 : vector<16xf32>
      %mul3A_231 = arith.mulf %sub3A_227, %sub3A_227 : vector<16xf32>
      %add3A_232 = arith.addf %add3A_190, %mul3A_231 : vector<16xf32>
      %mul3A_233 = arith.mulf %sub3A_228, %sub3A_228 : vector<16xf32>
      %add3A_234 = arith.addf %add3A_192, %mul3A_233 : vector<16xf32>
      %mul3A_235 = arith.mulf %sub3A_229, %sub3A_229 : vector<16xf32>
      %add3A_236 = arith.addf %add3A_194, %mul3A_235 : vector<16xf32>
      %mul3A_237 = arith.mulf %sub3A_230, %sub3A_230 : vector<16xf32>
      %add3A_238 = arith.addf %add3A_196, %mul3A_237 : vector<16xf32>
      %mul3A_239 = arith.constant 16 : i32
      %mul3A_240 = arith.muli %scan3A_27, %mul3A_239 : i32
      %add3A_241 = arith.constant 5 : i32
      %add3A_242 = arith.addi %mul3A_240, %add3A_241 : i32
      %broadcast_in_dim3A_243 = vector.broadcast %add3A_242 : i32 to vector<16xi32>
      %get3A_244 = arith.index_cast %add3A_242 : i32 to index
      %get3A_245 = arith.constant 0 : index
      %get3A_246 = tpu.vector_load %arg6[%get3A_244, %get3A_245] {strides = array<i32>} : memref<512x128xf32, #tpu.memory_space<vmem>>, vector<16xf32>,
      %gather3A_247 = tpu.vector_load_idx %arg5[%iota3A, %broadcast_in_dim3A_243] : memref<64x512xf32, #tpu.memory_space<vmem>>[vector<16xi32>, vector<16xi32>], vector<16xf32>,
      %get3A_248 = arith.index_cast %add3A_242 : i32 to index
      %get3A_249 = arith.constant 16 : index
      %get3A_250 = tpu.vector_load %arg6[%get3A_248, %get3A_249] {strides = array<i32>} : memref<512x128xf32, #tpu.memory_space<vmem>>, vector<16xf32>,
      %add3A_251 = arith.constant 16 : i32
      %add3A_252 = vector.broadcast %add3A_251 : i32 to vector<16xi32>
      %add3A_253 = arith.addi %iota3A, %add3A_252 : vector<16xi32>
      %gather3A_254 = tpu.vector_load_idx %arg5[%add3A_253, %broadcast_in_dim3A_243] : memref<64x512xf32, #tpu.memory_space<vmem>>[vector<16xi32>, vector<16xi32>], vector<16xf32>,
      %get3A_255 = arith.index_cast %add3A_242 : i32 to index
      %get3A_256 = arith.constant 32 : index
      %get3A_257 = tpu.vector_load %arg6[%get3A_255, %get3A_256] {strides = array<i32>} : memref<512x128xf32, #tpu.memory_space<vmem>>, vector<16xf32>,
      %add3A_258 = arith.constant 32 : i32
      %add3A_259 = vector.broadcast %add3A_258 : i32 to vector<16xi32>
      %add3A_260 = arith.addi %iota3A, %add3A_259 : vector<16xi32>
      %gather3A_261 = tpu.vector_load_idx %arg5[%add3A_260, %broadcast_in_dim3A_243] : memref<64x512xf32, #tpu.memory_space<vmem>>[vector<16xi32>, vector<16xi32>], vector<16xf32>,
      %get3A_262 = arith.index_cast %add3A_242 : i32 to index
      %get3A_263 = arith.constant 48 : index
      %get3A_264 = tpu.vector_load %arg6[%get3A_262, %get3A_263] {strides = array<i32>} : memref<512x128xf32, #tpu.memory_space<vmem>>, vector<16xf32>,
      %add3A_265 = arith.constant 48 : i32
      %add3A_266 = vector.broadcast %add3A_265 : i32 to vector<16xi32>
      %add3A_267 = arith.addi %iota3A, %add3A_266 : vector<16xi32>
      %gather3A_268 = tpu.vector_load_idx %arg5[%add3A_267, %broadcast_in_dim3A_243] : memref<64x512xf32, #tpu.memory_space<vmem>>[vector<16xi32>, vector<16xi32>], vector<16xf32>,
      %sub3A_269 = arith.subf %gather3A_247, %get3A_246 : vector<16xf32>
      %sub3A_270 = arith.subf %gather3A_254, %get3A_250 : vector<16xf32>
      %sub3A_271 = arith.subf %gather3A_261, %get3A_257 : vector<16xf32>
      %sub3A_272 = arith.subf %gather3A_268, %get3A_264 : vector<16xf32>
      %mul3A_273 = arith.mulf %sub3A_269, %sub3A_269 : vector<16xf32>
      %add3A_274 = arith.addf %add3A_232, %mul3A_273 : vector<16xf32>
      %mul3A_275 = arith.mulf %sub3A_270, %sub3A_270 : vector<16xf32>
      %add3A_276 = arith.addf %add3A_234, %mul3A_275 : vector<16xf32>
      %mul3A_277 = arith.mulf %sub3A_271, %sub3A_271 : vector<16xf32>
      %add3A_278 = arith.addf %add3A_236, %mul3A_277 : vector<16xf32>
      %mul3A_279 = arith.mulf %sub3A_272, %sub3A_272 : vector<16xf32>
      %add3A_280 = arith.addf %add3A_238, %mul3A_279 : vector<16xf32>
      %mul3A_281 = arith.constant 16 : i32
      %mul3A_282 = arith.muli %scan3A_27, %mul3A_281 : i32
      %add3A_283 = arith.constant 6 : i32
      %add3A_284 = arith.addi %mul3A_282, %add3A_283 : i32
      %broadcast_in_dim3A_285 = vector.broadcast %add3A_284 : i32 to vector<16xi32>
      %get3A_286 = arith.index_cast %add3A_284 : i32 to index
      %get3A_287 = arith.constant 0 : index
      %get3A_288 = tpu.vector_load %arg6[%get3A_286, %get3A_287] {strides = array<i32>} : memref<512x128xf32, #tpu.memory_space<vmem>>, vector<16xf32>,
      %gather3A_289 = tpu.vector_load_idx %arg5[%iota3A, %broadcast_in_dim3A_285] : memref<64x512xf32, #tpu.memory_space<vmem>>[vector<16xi32>, vector<16xi32>], vector<16xf32>,
      %get3A_290 = arith.index_cast %add3A_284 : i32 to index
      %get3A_291 = arith.constant 16 : index
      %get3A_292 = tpu.vector_load %arg6[%get3A_290, %get3A_291] {strides = array<i32>} : memref<512x128xf32, #tpu.memory_space<vmem>>, vector<16xf32>,
      %add3A_293 = arith.constant 16 : i32
      %add3A_294 = vector.broadcast %add3A_293 : i32 to vector<16xi32>
      %add3A_295 = arith.addi %iota3A, %add3A_294 : vector<16xi32>
      %gather3A_296 = tpu.vector_load_idx %arg5[%add3A_295, %broadcast_in_dim3A_285] : memref<64x512xf32, #tpu.memory_space<vmem>>[vector<16xi32>, vector<16xi32>], vector<16xf32>,
      %get3A_297 = arith.index_cast %add3A_284 : i32 to index
      %get3A_298 = arith.constant 32 : index
      %get3A_299 = tpu.vector_load %arg6[%get3A_297, %get3A_298] {strides = array<i32>} : memref<512x128xf32, #tpu.memory_space<vmem>>, vector<16xf32>,
      %add3A_300 = arith.constant 32 : i32
      %add3A_301 = vector.broadcast %add3A_300 : i32 to vector<16xi32>
      %add3A_302 = arith.addi %iota3A, %add3A_301 : vector<16xi32>
      %gather3A_303 = tpu.vector_load_idx %arg5[%add3A_302, %broadcast_in_dim3A_285] : memref<64x512xf32, #tpu.memory_space<vmem>>[vector<16xi32>, vector<16xi32>], vector<16xf32>,
      %get3A_304 = arith.index_cast %add3A_284 : i32 to index
      %get3A_305 = arith.constant 48 : index
      %get3A_306 = tpu.vector_load %arg6[%get3A_304, %get3A_305] {strides = array<i32>} : memref<512x128xf32, #tpu.memory_space<vmem>>, vector<16xf32>,
      %add3A_307 = arith.constant 48 : i32
      %add3A_308 = vector.broadcast %add3A_307 : i32 to vector<16xi32>
      %add3A_309 = arith.addi %iota3A, %add3A_308 : vector<16xi32>
      %gather3A_310 = tpu.vector_load_idx %arg5[%add3A_309, %broadcast_in_dim3A_285] : memref<64x512xf32, #tpu.memory_space<vmem>>[vector<16xi32>, vector<16xi32>], vector<16xf32>,
      %sub3A_311 = arith.subf %gather3A_289, %get3A_288 : vector<16xf32>
      %sub3A_312 = arith.subf %gather3A_296, %get3A_292 : vector<16xf32>
      %sub3A_313 = arith.subf %gather3A_303, %get3A_299 : vector<16xf32>
      %sub3A_314 = arith.subf %gather3A_310, %get3A_306 : vector<16xf32>
      %mul3A_315 = arith.mulf %sub3A_311, %sub3A_311 : vector<16xf32>
      %add3A_316 = arith.addf %add3A_274, %mul3A_315 : vector<16xf32>
      %mul3A_317 = arith.mulf %sub3A_312, %sub3A_312 : vector<16xf32>
      %add3A_318 = arith.addf %add3A_276, %mul3A_317 : vector<16xf32>
      %mul3A_319 = arith.mulf %sub3A_313, %sub3A_313 : vector<16xf32>
      %add3A_320 = arith.addf %add3A_278, %mul3A_319 : vector<16xf32>
      %mul3A_321 = arith.mulf %sub3A_314, %sub3A_314 : vector<16xf32>
      %add3A_322 = arith.addf %add3A_280, %mul3A_321 : vector<16xf32>
      %mul3A_323 = arith.constant 16 : i32
      %mul3A_324 = arith.muli %scan3A_27, %mul3A_323 : i32
      %add3A_325 = arith.constant 7 : i32
      %add3A_326 = arith.addi %mul3A_324, %add3A_325 : i32
      %broadcast_in_dim3A_327 = vector.broadcast %add3A_326 : i32 to vector<16xi32>
      %get3A_328 = arith.index_cast %add3A_326 : i32 to index
      %get3A_329 = arith.constant 0 : index
      %get3A_330 = tpu.vector_load %arg6[%get3A_328, %get3A_329] {strides = array<i32>} : memref<512x128xf32, #tpu.memory_space<vmem>>, vector<16xf32>,
      %gather3A_331 = tpu.vector_load_idx %arg5[%iota3A, %broadcast_in_dim3A_327] : memref<64x512xf32, #tpu.memory_space<vmem>>[vector<16xi32>, vector<16xi32>], vector<16xf32>,
      %get3A_332 = arith.index_cast %add3A_326 : i32 to index
      %get3A_333 = arith.constant 16 : index
      %get3A_334 = tpu.vector_load %arg6[%get3A_332, %get3A_333] {strides = array<i32>} : memref<512x128xf32, #tpu.memory_space<vmem>>, vector<16xf32>,
      %add3A_335 = arith.constant 16 : i32
      %add3A_336 = vector.broadcast %add3A_335 : i32 to vector<16xi32>
      %add3A_337 = arith.addi %iota3A, %add3A_336 : vector<16xi32>
      %gather3A_338 = tpu.vector_load_idx %arg5[%add3A_337, %broadcast_in_dim3A_327] : memref<64x512xf32, #tpu.memory_space<vmem>>[vector<16xi32>, vector<16xi32>], vector<16xf32>,
      %get3A_339 = arith.index_cast %add3A_326 : i32 to index
      %get3A_340 = arith.constant 32 : index
      %get3A_341 = tpu.vector_load %arg6[%get3A_339, %get3A_340] {strides = array<i32>} : memref<512x128xf32, #tpu.memory_space<vmem>>, vector<16xf32>,
      %add3A_342 = arith.constant 32 : i32
      %add3A_343 = vector.broadcast %add3A_342 : i32 to vector<16xi32>
      %add3A_344 = arith.addi %iota3A, %add3A_343 : vector<16xi32>
      %gather3A_345 = tpu.vector_load_idx %arg5[%add3A_344, %broadcast_in_dim3A_327] : memref<64x512xf32, #tpu.memory_space<vmem>>[vector<16xi32>, vector<16xi32>], vector<16xf32>,
      %get3A_346 = arith.index_cast %add3A_326 : i32 to index
      %get3A_347 = arith.constant 48 : index
      %get3A_348 = tpu.vector_load %arg6[%get3A_346, %get3A_347] {strides = array<i32>} : memref<512x128xf32, #tpu.memory_space<vmem>>, vector<16xf32>,
      %add3A_349 = arith.constant 48 : i32
      %add3A_350 = vector.broadcast %add3A_349 : i32 to vector<16xi32>
      %add3A_351 = arith.addi %iota3A, %add3A_350 : vector<16xi32>
      %gather3A_352 = tpu.vector_load_idx %arg5[%add3A_351, %broadcast_in_dim3A_327] : memref<64x512xf32, #tpu.memory_space<vmem>>[vector<16xi32>, vector<16xi32>], vector<16xf32>,
      %sub3A_353 = arith.subf %gather3A_331, %get3A_330 : vector<16xf32>
      %sub3A_354 = arith.subf %gather3A_338, %get3A_334 : vector<16xf32>
      %sub3A_355 = arith.subf %gather3A_345, %get3A_341 : vector<16xf32>
      %sub3A_356 = arith.subf %gather3A_352, %get3A_348 : vector<16xf32>
      %mul3A_357 = arith.mulf %sub3A_353, %sub3A_353 : vector<16xf32>
      %add3A_358 = arith.addf %add3A_316, %mul3A_357 : vector<16xf32>
      %mul3A_359 = arith.mulf %sub3A_354, %sub3A_354 : vector<16xf32>
      %add3A_360 = arith.addf %add3A_318, %mul3A_359 : vector<16xf32>
      %mul3A_361 = arith.mulf %sub3A_355, %sub3A_355 : vector<16xf32>
      %add3A_362 = arith.addf %add3A_320, %mul3A_361 : vector<16xf32>
      %mul3A_363 = arith.mulf %sub3A_356, %sub3A_356 : vector<16xf32>
      %add3A_364 = arith.addf %add3A_322, %mul3A_363 : vector<16xf32>
      %mul3A_365 = arith.constant 16 : i32
      %mul3A_366 = arith.muli %scan3A_27, %mul3A_365 : i32
      %add3A_367 = arith.constant 8 : i32
      %add3A_368 = arith.addi %mul3A_366, %add3A_367 : i32
      %broadcast_in_dim3A_369 = vector.broadcast %add3A_368 : i32 to vector<16xi32>
      %get3A_370 = arith.index_cast %add3A_368 : i32 to index
      %get3A_371 = arith.constant 0 : index
      %get3A_372 = tpu.vector_load %arg6[%get3A_370, %get3A_371] {strides = array<i32>} : memref<512x128xf32, #tpu.memory_space<vmem>>, vector<16xf32>,
      %gather3A_373 = tpu.vector_load_idx %arg5[%iota3A, %broadcast_in_dim3A_369] : memref<64x512xf32, #tpu.memory_space<vmem>>[vector<16xi32>, vector<16xi32>], vector<16xf32>,
      %get3A_374 = arith.index_cast %add3A_368 : i32 to index
      %get3A_375 = arith.constant 16 : index
      %get3A_376 = tpu.vector_load %arg6[%get3A_374, %get3A_375] {strides = array<i32>} : memref<512x128xf32, #tpu.memory_space<vmem>>, vector<16xf32>,
      %add3A_377 = arith.constant 16 : i32
      %add3A_378 = vector.broadcast %add3A_377 : i32 to vector<16xi32>
      %add3A_379 = arith.addi %iota3A, %add3A_378 : vector<16xi32>
      %gather3A_380 = tpu.vector_load_idx %arg5[%add3A_379, %broadcast_in_dim3A_369] : memref<64x512xf32, #tpu.memory_space<vmem>>[vector<16xi32>, vector<16xi32>], vector<16xf32>,
      %get3A_381 = arith.index_cast %add3A_368 : i32 to index
      %get3A_382 = arith.constant 32 : index
      %get3A_383 = tpu.vector_load %arg6[%get3A_381, %get3A_382] {strides = array<i32>} : memref<512x128xf32, #tpu.memory_space<vmem>>, vector<16xf32>,
      %add3A_384 = arith.constant 32 : i32
      %add3A_385 = vector.broadcast %add3A_384 : i32 to vector<16xi32>
      %add3A_386 = arith.addi %iota3A, %add3A_385 : vector<16xi32>
      %gather3A_387 = tpu.vector_load_idx %arg5[%add3A_386, %broadcast_in_dim3A_369] : memref<64x512xf32, #tpu.memory_space<vmem>>[vector<16xi32>, vector<16xi32>], vector<16xf32>,
      %get3A_388 = arith.index_cast %add3A_368 : i32 to index
      %get3A_389 = arith.constant 48 : index
      %get3A_390 = tpu.vector_load %arg6[%get3A_388, %get3A_389] {strides = array<i32>} : memref<512x128xf32, #tpu.memory_space<vmem>>, vector<16xf32>,
      %add3A_391 = arith.constant 48 : i32
      %add3A_392 = vector.broadcast %add3A_391 : i32 to vector<16xi32>
      %add3A_393 = arith.addi %iota3A, %add3A_392 : vector<16xi32>
      %gather3A_394 = tpu.vector_load_idx %arg5[%add3A_393, %broadcast_in_dim3A_369] : memref<64x512xf32, #tpu.memory_space<vmem>>[vector<16xi32>, vector<16xi32>], vector<16xf32>,
      %sub3A_395 = arith.subf %gather3A_373, %get3A_372 : vector<16xf32>
      %sub3A_396 = arith.subf %gather3A_380, %get3A_376 : vector<16xf32>
      %sub3A_397 = arith.subf %gather3A_387, %get3A_383 : vector<16xf32>
      %sub3A_398 = arith.subf %gather3A_394, %get3A_390 : vector<16xf32>
      %mul3A_399 = arith.mulf %sub3A_395, %sub3A_395 : vector<16xf32>
      %add3A_400 = arith.addf %add3A_358, %mul3A_399 : vector<16xf32>
      %mul3A_401 = arith.mulf %sub3A_396, %sub3A_396 : vector<16xf32>
      %add3A_402 = arith.addf %add3A_360, %mul3A_401 : vector<16xf32>
      %mul3A_403 = arith.mulf %sub3A_397, %sub3A_397 : vector<16xf32>
      %add3A_404 = arith.addf %add3A_362, %mul3A_403 : vector<16xf32>
      %mul3A_405 = arith.mulf %sub3A_398, %sub3A_398 : vector<16xf32>
      %add3A_406 = arith.addf %add3A_364, %mul3A_405 : vector<16xf32>
      %mul3A_407 = arith.constant 16 : i32
      %mul3A_408 = arith.muli %scan3A_27, %mul3A_407 : i32
      %add3A_409 = arith.constant 9 : i32
      %add3A_410 = arith.addi %mul3A_408, %add3A_409 : i32
      %broadcast_in_dim3A_411 = vector.broadcast %add3A_410 : i32 to vector<16xi32>
      %get3A_412 = arith.index_cast %add3A_410 : i32 to index
      %get3A_413 = arith.constant 0 : index
      %get3A_414 = tpu.vector_load %arg6[%get3A_412, %get3A_413] {strides = array<i32>} : memref<512x128xf32, #tpu.memory_space<vmem>>, vector<16xf32>,
      %gather3A_415 = tpu.vector_load_idx %arg5[%iota3A, %broadcast_in_dim3A_411] : memref<64x512xf32, #tpu.memory_space<vmem>>[vector<16xi32>, vector<16xi32>], vector<16xf32>,
      %get3A_416 = arith.index_cast %add3A_410 : i32 to index
      %get3A_417 = arith.constant 16 : index
      %get3A_418 = tpu.vector_load %arg6[%get3A_416, %get3A_417] {strides = array<i32>} : memref<512x128xf32, #tpu.memory_space<vmem>>, vector<16xf32>,
      %add3A_419 = arith.constant 16 : i32
      %add3A_420 = vector.broadcast %add3A_419 : i32 to vector<16xi32>
      %add3A_421 = arith.addi %iota3A, %add3A_420 : vector<16xi32>
      %gather3A_422 = tpu.vector_load_idx %arg5[%add3A_421, %broadcast_in_dim3A_411] : memref<64x512xf32, #tpu.memory_space<vmem>>[vector<16xi32>, vector<16xi32>], vector<16xf32>,
      %get3A_423 = arith.index_cast %add3A_410 : i32 to index
      %get3A_424 = arith.constant 32 : index
      %get3A_425 = tpu.vector_load %arg6[%get3A_423, %get3A_424] {strides = array<i32>} : memref<512x128xf32, #tpu.memory_space<vmem>>, vector<16xf32>,
      %add3A_426 = arith.constant 32 : i32
      %add3A_427 = vector.broadcast %add3A_426 : i32 to vector<16xi32>
      %add3A_428 = arith.addi %iota3A, %add3A_427 : vector<16xi32>
      %gather3A_429 = tpu.vector_load_idx %arg5[%add3A_428, %broadcast_in_dim3A_411] : memref<64x512xf32, #tpu.memory_space<vmem>>[vector<16xi32>, vector<16xi32>], vector<16xf32>,
      %get3A_430 = arith.index_cast %add3A_410 : i32 to index
      %get3A_431 = arith.constant 48 : index
      %get3A_432 = tpu.vector_load %arg6[%get3A_430, %get3A_431] {strides = array<i32>} : memref<512x128xf32, #tpu.memory_space<vmem>>, vector<16xf32>,
      %add3A_433 = arith.constant 48 : i32
      %add3A_434 = vector.broadcast %add3A_433 : i32 to vector<16xi32>
      %add3A_435 = arith.addi %iota3A, %add3A_434 : vector<16xi32>
      %gather3A_436 = tpu.vector_load_idx %arg5[%add3A_435, %broadcast_in_dim3A_411] : memref<64x512xf32, #tpu.memory_space<vmem>>[vector<16xi32>, vector<16xi32>], vector<16xf32>,
      %sub3A_437 = arith.subf %gather3A_415, %get3A_414 : vector<16xf32>
      %sub3A_438 = arith.subf %gather3A_422, %get3A_418 : vector<16xf32>
      %sub3A_439 = arith.subf %gather3A_429, %get3A_425 : vector<16xf32>
      %sub3A_440 = arith.subf %gather3A_436, %get3A_432 : vector<16xf32>
      %mul3A_441 = arith.mulf %sub3A_437, %sub3A_437 : vector<16xf32>
      %add3A_442 = arith.addf %add3A_400, %mul3A_441 : vector<16xf32>
      %mul3A_443 = arith.mulf %sub3A_438, %sub3A_438 : vector<16xf32>
      %add3A_444 = arith.addf %add3A_402, %mul3A_443 : vector<16xf32>
      %mul3A_445 = arith.mulf %sub3A_439, %sub3A_439 : vector<16xf32>
      %add3A_446 = arith.addf %add3A_404, %mul3A_445 : vector<16xf32>
      %mul3A_447 = arith.mulf %sub3A_440, %sub3A_440 : vector<16xf32>
      %add3A_448 = arith.addf %add3A_406, %mul3A_447 : vector<16xf32>
      %mul3A_449 = arith.constant 16 : i32
      %mul3A_450 = arith.muli %scan3A_27, %mul3A_449 : i32
      %add3A_451 = arith.constant 10 : i32
      %add3A_452 = arith.addi %mul3A_450, %add3A_451 : i32
      %broadcast_in_dim3A_453 = vector.broadcast %add3A_452 : i32 to vector<16xi32>
      %get3A_454 = arith.index_cast %add3A_452 : i32 to index
      %get3A_455 = arith.constant 0 : index
      %get3A_456 = tpu.vector_load %arg6[%get3A_454, %get3A_455] {strides = array<i32>} : memref<512x128xf32, #tpu.memory_space<vmem>>, vector<16xf32>,
      %gather3A_457 = tpu.vector_load_idx %arg5[%iota3A, %broadcast_in_dim3A_453] : memref<64x512xf32, #tpu.memory_space<vmem>>[vector<16xi32>, vector<16xi32>], vector<16xf32>,
      %get3A_458 = arith.index_cast %add3A_452 : i32 to index
      %get3A_459 = arith.constant 16 : index
      %get3A_460 = tpu.vector_load %arg6[%get3A_458, %get3A_459] {strides = array<i32>} : memref<512x128xf32, #tpu.memory_space<vmem>>, vector<16xf32>,
      %add3A_461 = arith.constant 16 : i32
      %add3A_462 = vector.broadcast %add3A_461 : i32 to vector<16xi32>
      %add3A_463 = arith.addi %iota3A, %add3A_462 : vector<16xi32>
      %gather3A_464 = tpu.vector_load_idx %arg5[%add3A_463, %broadcast_in_dim3A_453] : memref<64x512xf32, #tpu.memory_space<vmem>>[vector<16xi32>, vector<16xi32>], vector<16xf32>,
      %get3A_465 = arith.index_cast %add3A_452 : i32 to index
      %get3A_466 = arith.constant 32 : index
      %get3A_467 = tpu.vector_load %arg6[%get3A_465, %get3A_466] {strides = array<i32>} : memref<512x128xf32, #tpu.memory_space<vmem>>, vector<16xf32>,
      %add3A_468 = arith.constant 32 : i32
      %add3A_469 = vector.broadcast %add3A_468 : i32 to vector<16xi32>
      %add3A_470 = arith.addi %iota3A, %add3A_469 : vector<16xi32>
      %gather3A_471 = tpu.vector_load_idx %arg5[%add3A_470, %broadcast_in_dim3A_453] : memref<64x512xf32, #tpu.memory_space<vmem>>[vector<16xi32>, vector<16xi32>], vector<16xf32>,
      %get3A_472 = arith.index_cast %add3A_452 : i32 to index
      %get3A_473 = arith.constant 48 : index
      %get3A_474 = tpu.vector_load %arg6[%get3A_472, %get3A_473] {strides = array<i32>} : memref<512x128xf32, #tpu.memory_space<vmem>>, vector<16xf32>,
      %add3A_475 = arith.constant 48 : i32
      %add3A_476 = vector.broadcast %add3A_475 : i32 to vector<16xi32>
      %add3A_477 = arith.addi %iota3A, %add3A_476 : vector<16xi32>
      %gather3A_478 = tpu.vector_load_idx %arg5[%add3A_477, %broadcast_in_dim3A_453] : memref<64x512xf32, #tpu.memory_space<vmem>>[vector<16xi32>, vector<16xi32>], vector<16xf32>,
      %sub3A_479 = arith.subf %gather3A_457, %get3A_456 : vector<16xf32>
      %sub3A_480 = arith.subf %gather3A_464, %get3A_460 : vector<16xf32>
      %sub3A_481 = arith.subf %gather3A_471, %get3A_467 : vector<16xf32>
      %sub3A_482 = arith.subf %gather3A_478, %get3A_474 : vector<16xf32>
      %mul3A_483 = arith.mulf %sub3A_479, %sub3A_479 : vector<16xf32>
      %add3A_484 = arith.addf %add3A_442, %mul3A_483 : vector<16xf32>
      %mul3A_485 = arith.mulf %sub3A_480, %sub3A_480 : vector<16xf32>
      %add3A_486 = arith.addf %add3A_444, %mul3A_485 : vector<16xf32>
      %mul3A_487 = arith.mulf %sub3A_481, %sub3A_481 : vector<16xf32>
      %add3A_488 = arith.addf %add3A_446, %mul3A_487 : vector<16xf32>
      %mul3A_489 = arith.mulf %sub3A_482, %sub3A_482 : vector<16xf32>
      %add3A_490 = arith.addf %add3A_448, %mul3A_489 : vector<16xf32>
      %mul3A_491 = arith.constant 16 : i32
      %mul3A_492 = arith.muli %scan3A_27, %mul3A_491 : i32
      %add3A_493 = arith.constant 11 : i32
      %add3A_494 = arith.addi %mul3A_492, %add3A_493 : i32
      %broadcast_in_dim3A_495 = vector.broadcast %add3A_494 : i32 to vector<16xi32>
      %get3A_496 = arith.index_cast %add3A_494 : i32 to index
      %get3A_497 = arith.constant 0 : index
      %get3A_498 = tpu.vector_load %arg6[%get3A_496, %get3A_497] {strides = array<i32>} : memref<512x128xf32, #tpu.memory_space<vmem>>, vector<16xf32>,
      %gather3A_499 = tpu.vector_load_idx %arg5[%iota3A, %broadcast_in_dim3A_495] : memref<64x512xf32, #tpu.memory_space<vmem>>[vector<16xi32>, vector<16xi32>], vector<16xf32>,
      %get3A_500 = arith.index_cast %add3A_494 : i32 to index
      %get3A_501 = arith.constant 16 : index
      %get3A_502 = tpu.vector_load %arg6[%get3A_500, %get3A_501] {strides = array<i32>} : memref<512x128xf32, #tpu.memory_space<vmem>>, vector<16xf32>,
      %add3A_503 = arith.constant 16 : i32
      %add3A_504 = vector.broadcast %add3A_503 : i32 to vector<16xi32>
      %add3A_505 = arith.addi %iota3A, %add3A_504 : vector<16xi32>
      %gather3A_506 = tpu.vector_load_idx %arg5[%add3A_505, %broadcast_in_dim3A_495] : memref<64x512xf32, #tpu.memory_space<vmem>>[vector<16xi32>, vector<16xi32>], vector<16xf32>,
      %get3A_507 = arith.index_cast %add3A_494 : i32 to index
      %get3A_508 = arith.constant 32 : index
      %get3A_509 = tpu.vector_load %arg6[%get3A_507, %get3A_508] {strides = array<i32>} : memref<512x128xf32, #tpu.memory_space<vmem>>, vector<16xf32>,
      %add3A_510 = arith.constant 32 : i32
      %add3A_511 = vector.broadcast %add3A_510 : i32 to vector<16xi32>
      %add3A_512 = arith.addi %iota3A, %add3A_511 : vector<16xi32>
      %gather3A_513 = tpu.vector_load_idx %arg5[%add3A_512, %broadcast_in_dim3A_495] : memref<64x512xf32, #tpu.memory_space<vmem>>[vector<16xi32>, vector<16xi32>], vector<16xf32>,
      %get3A_514 = arith.index_cast %add3A_494 : i32 to index
      %get3A_515 = arith.constant 48 : index
      %get3A_516 = tpu.vector_load %arg6[%get3A_514, %get3A_515] {strides = array<i32>} : memref<512x128xf32, #tpu.memory_space<vmem>>, vector<16xf32>,
      %add3A_517 = arith.constant 48 : i32
      %add3A_518 = vector.broadcast %add3A_517 : i32 to vector<16xi32>
      %add3A_519 = arith.addi %iota3A, %add3A_518 : vector<16xi32>
      %gather3A_520 = tpu.vector_load_idx %arg5[%add3A_519, %broadcast_in_dim3A_495] : memref<64x512xf32, #tpu.memory_space<vmem>>[vector<16xi32>, vector<16xi32>], vector<16xf32>,
      %sub3A_521 = arith.subf %gather3A_499, %get3A_498 : vector<16xf32>
      %sub3A_522 = arith.subf %gather3A_506, %get3A_502 : vector<16xf32>
      %sub3A_523 = arith.subf %gather3A_513, %get3A_509 : vector<16xf32>
      %sub3A_524 = arith.subf %gather3A_520, %get3A_516 : vector<16xf32>
      %mul3A_525 = arith.mulf %sub3A_521, %sub3A_521 : vector<16xf32>
      %add3A_526 = arith.addf %add3A_484, %mul3A_525 : vector<16xf32>
      %mul3A_527 = arith.mulf %sub3A_522, %sub3A_522 : vector<16xf32>
      %add3A_528 = arith.addf %add3A_486, %mul3A_527 : vector<16xf32>
      %mul3A_529 = arith.mulf %sub3A_523, %sub3A_523 : vector<16xf32>
      %add3A_530 = arith.addf %add3A_488, %mul3A_529 : vector<16xf32>
      %mul3A_531 = arith.mulf %sub3A_524, %sub3A_524 : vector<16xf32>
      %add3A_532 = arith.addf %add3A_490, %mul3A_531 : vector<16xf32>
      %mul3A_533 = arith.constant 16 : i32
      %mul3A_534 = arith.muli %scan3A_27, %mul3A_533 : i32
      %add3A_535 = arith.constant 12 : i32
      %add3A_536 = arith.addi %mul3A_534, %add3A_535 : i32
      %broadcast_in_dim3A_537 = vector.broadcast %add3A_536 : i32 to vector<16xi32>
      %get3A_538 = arith.index_cast %add3A_536 : i32 to index
      %get3A_539 = arith.constant 0 : index
      %get3A_540 = tpu.vector_load %arg6[%get3A_538, %get3A_539] {strides = array<i32>} : memref<512x128xf32, #tpu.memory_space<vmem>>, vector<16xf32>,
      %gather3A_541 = tpu.vector_load_idx %arg5[%iota3A, %broadcast_in_dim3A_537] : memref<64x512xf32, #tpu.memory_space<vmem>>[vector<16xi32>, vector<16xi32>], vector<16xf32>,
      %get3A_542 = arith.index_cast %add3A_536 : i32 to index
      %get3A_543 = arith.constant 16 : index
      %get3A_544 = tpu.vector_load %arg6[%get3A_542, %get3A_543] {strides = array<i32>} : memref<512x128xf32, #tpu.memory_space<vmem>>, vector<16xf32>,
      %add3A_545 = arith.constant 16 : i32
      %add3A_546 = vector.broadcast %add3A_545 : i32 to vector<16xi32>
      %add3A_547 = arith.addi %iota3A, %add3A_546 : vector<16xi32>
      %gather3A_548 = tpu.vector_load_idx %arg5[%add3A_547, %broadcast_in_dim3A_537] : memref<64x512xf32, #tpu.memory_space<vmem>>[vector<16xi32>, vector<16xi32>], vector<16xf32>,
      %get3A_549 = arith.index_cast %add3A_536 : i32 to index
      %get3A_550 = arith.constant 32 : index
      %get3A_551 = tpu.vector_load %arg6[%get3A_549, %get3A_550] {strides = array<i32>} : memref<512x128xf32, #tpu.memory_space<vmem>>, vector<16xf32>,
      %add3A_552 = arith.constant 32 : i32
      %add3A_553 = vector.broadcast %add3A_552 : i32 to vector<16xi32>
      %add3A_554 = arith.addi %iota3A, %add3A_553 : vector<16xi32>
      %gather3A_555 = tpu.vector_load_idx %arg5[%add3A_554, %broadcast_in_dim3A_537] : memref<64x512xf32, #tpu.memory_space<vmem>>[vector<16xi32>, vector<16xi32>], vector<16xf32>,
      %get3A_556 = arith.index_cast %add3A_536 : i32 to index
      %get3A_557 = arith.constant 48 : index
      %get3A_558 = tpu.vector_load %arg6[%get3A_556, %get3A_557] {strides = array<i32>} : memref<512x128xf32, #tpu.memory_space<vmem>>, vector<16xf32>,
      %add3A_559 = arith.constant 48 : i32
      %add3A_560 = vector.broadcast %add3A_559 : i32 to vector<16xi32>
      %add3A_561 = arith.addi %iota3A, %add3A_560 : vector<16xi32>
      %gather3A_562 = tpu.vector_load_idx %arg5[%add3A_561, %broadcast_in_dim3A_537] : memref<64x512xf32, #tpu.memory_space<vmem>>[vector<16xi32>, vector<16xi32>], vector<16xf32>,
      %sub3A_563 = arith.subf %gather3A_541, %get3A_540 : vector<16xf32>
      %sub3A_564 = arith.subf %gather3A_548, %get3A_544 : vector<16xf32>
      %sub3A_565 = arith.subf %gather3A_555, %get3A_551 : vector<16xf32>
      %sub3A_566 = arith.subf %gather3A_562, %get3A_558 : vector<16xf32>
      %mul3A_567 = arith.mulf %sub3A_563, %sub3A_563 : vector<16xf32>
      %add3A_568 = arith.addf %add3A_526, %mul3A_567 : vector<16xf32>
      %mul3A_569 = arith.mulf %sub3A_564, %sub3A_564 : vector<16xf32>
      %add3A_570 = arith.addf %add3A_528, %mul3A_569 : vector<16xf32>
      %mul3A_571 = arith.mulf %sub3A_565, %sub3A_565 : vector<16xf32>
      %add3A_572 = arith.addf %add3A_530, %mul3A_571 : vector<16xf32>
      %mul3A_573 = arith.mulf %sub3A_566, %sub3A_566 : vector<16xf32>
      %add3A_574 = arith.addf %add3A_532, %mul3A_573 : vector<16xf32>
      %mul3A_575 = arith.constant 16 : i32
      %mul3A_576 = arith.muli %scan3A_27, %mul3A_575 : i32
      %add3A_577 = arith.constant 13 : i32
      %add3A_578 = arith.addi %mul3A_576, %add3A_577 : i32
      %broadcast_in_dim3A_579 = vector.broadcast %add3A_578 : i32 to vector<16xi32>
      %get3A_580 = arith.index_cast %add3A_578 : i32 to index
      %get3A_581 = arith.constant 0 : index
      %get3A_582 = tpu.vector_load %arg6[%get3A_580, %get3A_581] {strides = array<i32>} : memref<512x128xf32, #tpu.memory_space<vmem>>, vector<16xf32>,
      %gather3A_583 = tpu.vector_load_idx %arg5[%iota3A, %broadcast_in_dim3A_579] : memref<64x512xf32, #tpu.memory_space<vmem>>[vector<16xi32>, vector<16xi32>], vector<16xf32>,
      %get3A_584 = arith.index_cast %add3A_578 : i32 to index
      %get3A_585 = arith.constant 16 : index
      %get3A_586 = tpu.vector_load %arg6[%get3A_584, %get3A_585] {strides = array<i32>} : memref<512x128xf32, #tpu.memory_space<vmem>>, vector<16xf32>,
      %add3A_587 = arith.constant 16 : i32
      %add3A_588 = vector.broadcast %add3A_587 : i32 to vector<16xi32>
      %add3A_589 = arith.addi %iota3A, %add3A_588 : vector<16xi32>
      %gather3A_590 = tpu.vector_load_idx %arg5[%add3A_589, %broadcast_in_dim3A_579] : memref<64x512xf32, #tpu.memory_space<vmem>>[vector<16xi32>, vector<16xi32>], vector<16xf32>,
      %get3A_591 = arith.index_cast %add3A_578 : i32 to index
      %get3A_592 = arith.constant 32 : index
      %get3A_593 = tpu.vector_load %arg6[%get3A_591, %get3A_592] {strides = array<i32>} : memref<512x128xf32, #tpu.memory_space<vmem>>, vector<16xf32>,
      %add3A_594 = arith.constant 32 : i32
      %add3A_595 = vector.broadcast %add3A_594 : i32 to vector<16xi32>
      %add3A_596 = arith.addi %iota3A, %add3A_595 : vector<16xi32>
      %gather3A_597 = tpu.vector_load_idx %arg5[%add3A_596, %broadcast_in_dim3A_579] : memref<64x512xf32, #tpu.memory_space<vmem>>[vector<16xi32>, vector<16xi32>], vector<16xf32>,
      %get3A_598 = arith.index_cast %add3A_578 : i32 to index
      %get3A_599 = arith.constant 48 : index
      %get3A_600 = tpu.vector_load %arg6[%get3A_598, %get3A_599] {strides = array<i32>} : memref<512x128xf32, #tpu.memory_space<vmem>>, vector<16xf32>,
      %add3A_601 = arith.constant 48 : i32
      %add3A_602 = vector.broadcast %add3A_601 : i32 to vector<16xi32>
      %add3A_603 = arith.addi %iota3A, %add3A_602 : vector<16xi32>
      %gather3A_604 = tpu.vector_load_idx %arg5[%add3A_603, %broadcast_in_dim3A_579] : memref<64x512xf32, #tpu.memory_space<vmem>>[vector<16xi32>, vector<16xi32>], vector<16xf32>,
      %sub3A_605 = arith.subf %gather3A_583, %get3A_582 : vector<16xf32>
      %sub3A_606 = arith.subf %gather3A_590, %get3A_586 : vector<16xf32>
      %sub3A_607 = arith.subf %gather3A_597, %get3A_593 : vector<16xf32>
      %sub3A_608 = arith.subf %gather3A_604, %get3A_600 : vector<16xf32>
      %mul3A_609 = arith.mulf %sub3A_605, %sub3A_605 : vector<16xf32>
      %add3A_610 = arith.addf %add3A_568, %mul3A_609 : vector<16xf32>
      %mul3A_611 = arith.mulf %sub3A_606, %sub3A_606 : vector<16xf32>
      %add3A_612 = arith.addf %add3A_570, %mul3A_611 : vector<16xf32>
      %mul3A_613 = arith.mulf %sub3A_607, %sub3A_607 : vector<16xf32>
      %add3A_614 = arith.addf %add3A_572, %mul3A_613 : vector<16xf32>
      %mul3A_615 = arith.mulf %sub3A_608, %sub3A_608 : vector<16xf32>
      %add3A_616 = arith.addf %add3A_574, %mul3A_615 : vector<16xf32>
      %mul3A_617 = arith.constant 16 : i32
      %mul3A_618 = arith.muli %scan3A_27, %mul3A_617 : i32
      %add3A_619 = arith.constant 14 : i32
      %add3A_620 = arith.addi %mul3A_618, %add3A_619 : i32
      %broadcast_in_dim3A_621 = vector.broadcast %add3A_620 : i32 to vector<16xi32>
      %get3A_622 = arith.index_cast %add3A_620 : i32 to index
      %get3A_623 = arith.constant 0 : index
      %get3A_624 = tpu.vector_load %arg6[%get3A_622, %get3A_623] {strides = array<i32>} : memref<512x128xf32, #tpu.memory_space<vmem>>, vector<16xf32>,
      %gather3A_625 = tpu.vector_load_idx %arg5[%iota3A, %broadcast_in_dim3A_621] : memref<64x512xf32, #tpu.memory_space<vmem>>[vector<16xi32>, vector<16xi32>], vector<16xf32>,
      %get3A_626 = arith.index_cast %add3A_620 : i32 to index
      %get3A_627 = arith.constant 16 : index
      %get3A_628 = tpu.vector_load %arg6[%get3A_626, %get3A_627] {strides = array<i32>} : memref<512x128xf32, #tpu.memory_space<vmem>>, vector<16xf32>,
      %add3A_629 = arith.constant 16 : i32
      %add3A_630 = vector.broadcast %add3A_629 : i32 to vector<16xi32>
      %add3A_631 = arith.addi %iota3A, %add3A_630 : vector<16xi32>
      %gather3A_632 = tpu.vector_load_idx %arg5[%add3A_631, %broadcast_in_dim3A_621] : memref<64x512xf32, #tpu.memory_space<vmem>>[vector<16xi32>, vector<16xi32>], vector<16xf32>,
      %get3A_633 = arith.index_cast %add3A_620 : i32 to index
      %get3A_634 = arith.constant 32 : index
      %get3A_635 = tpu.vector_load %arg6[%get3A_633, %get3A_634] {strides = array<i32>} : memref<512x128xf32, #tpu.memory_space<vmem>>, vector<16xf32>,
      %add3A_636 = arith.constant 32 : i32
      %add3A_637 = vector.broadcast %add3A_636 : i32 to vector<16xi32>
      %add3A_638 = arith.addi %iota3A, %add3A_637 : vector<16xi32>
      %gather3A_639 = tpu.vector_load_idx %arg5[%add3A_638, %broadcast_in_dim3A_621] : memref<64x512xf32, #tpu.memory_space<vmem>>[vector<16xi32>, vector<16xi32>], vector<16xf32>,
      %get3A_640 = arith.index_cast %add3A_620 : i32 to index
      %get3A_641 = arith.constant 48 : index
      %get3A_642 = tpu.vector_load %arg6[%get3A_640, %get3A_641] {strides = array<i32>} : memref<512x128xf32, #tpu.memory_space<vmem>>, vector<16xf32>,
      %add3A_643 = arith.constant 48 : i32
      %add3A_644 = vector.broadcast %add3A_643 : i32 to vector<16xi32>
      %add3A_645 = arith.addi %iota3A, %add3A_644 : vector<16xi32>
      %gather3A_646 = tpu.vector_load_idx %arg5[%add3A_645, %broadcast_in_dim3A_621] : memref<64x512xf32, #tpu.memory_space<vmem>>[vector<16xi32>, vector<16xi32>], vector<16xf32>,
      %sub3A_647 = arith.subf %gather3A_625, %get3A_624 : vector<16xf32>
      %sub3A_648 = arith.subf %gather3A_632, %get3A_628 : vector<16xf32>
      %sub3A_649 = arith.subf %gather3A_639, %get3A_635 : vector<16xf32>
      %sub3A_650 = arith.subf %gather3A_646, %get3A_642 : vector<16xf32>
      %mul3A_651 = arith.mulf %sub3A_647, %sub3A_647 : vector<16xf32>
      %add3A_652 = arith.addf %add3A_610, %mul3A_651 : vector<16xf32>
      %mul3A_653 = arith.mulf %sub3A_648, %sub3A_648 : vector<16xf32>
      %add3A_654 = arith.addf %add3A_612, %mul3A_653 : vector<16xf32>
      %mul3A_655 = arith.mulf %sub3A_649, %sub3A_649 : vector<16xf32>
      %add3A_656 = arith.addf %add3A_614, %mul3A_655 : vector<16xf32>
      %mul3A_657 = arith.mulf %sub3A_650, %sub3A_650 : vector<16xf32>
      %add3A_658 = arith.addf %add3A_616, %mul3A_657 : vector<16xf32>
      %mul3A_659 = arith.constant 16 : i32
      %mul3A_660 = arith.muli %scan3A_27, %mul3A_659 : i32
      %add3A_661 = arith.constant 15 : i32
      %add3A_662 = arith.addi %mul3A_660, %add3A_661 : i32
      %broadcast_in_dim3A_663 = vector.broadcast %add3A_662 : i32 to vector<16xi32>
      %get3A_664 = arith.index_cast %add3A_662 : i32 to index
      %get3A_665 = arith.constant 0 : index
      %get3A_666 = tpu.vector_load %arg6[%get3A_664, %get3A_665] {strides = array<i32>} : memref<512x128xf32, #tpu.memory_space<vmem>>, vector<16xf32>,
      %gather3A_667 = tpu.vector_load_idx %arg5[%iota3A, %broadcast_in_dim3A_663] : memref<64x512xf32, #tpu.memory_space<vmem>>[vector<16xi32>, vector<16xi32>], vector<16xf32>,
      %get3A_668 = arith.index_cast %add3A_662 : i32 to index
      %get3A_669 = arith.constant 16 : index
      %get3A_670 = tpu.vector_load %arg6[%get3A_668, %get3A_669] {strides = array<i32>} : memref<512x128xf32, #tpu.memory_space<vmem>>, vector<16xf32>,
      %add3A_671 = arith.constant 16 : i32
      %add3A_672 = vector.broadcast %add3A_671 : i32 to vector<16xi32>
      %add3A_673 = arith.addi %iota3A, %add3A_672 : vector<16xi32>
      %gather3A_674 = tpu.vector_load_idx %arg5[%add3A_673, %broadcast_in_dim3A_663] : memref<64x512xf32, #tpu.memory_space<vmem>>[vector<16xi32>, vector<16xi32>], vector<16xf32>,
      %get3A_675 = arith.index_cast %add3A_662 : i32 to index
      %get3A_676 = arith.constant 32 : index
      %get3A_677 = tpu.vector_load %arg6[%get3A_675, %get3A_676] {strides = array<i32>} : memref<512x128xf32, #tpu.memory_space<vmem>>, vector<16xf32>,
      %add3A_678 = arith.constant 32 : i32
      %add3A_679 = vector.broadcast %add3A_678 : i32 to vector<16xi32>
      %add3A_680 = arith.addi %iota3A, %add3A_679 : vector<16xi32>
      %gather3A_681 = tpu.vector_load_idx %arg5[%add3A_680, %broadcast_in_dim3A_663] : memref<64x512xf32, #tpu.memory_space<vmem>>[vector<16xi32>, vector<16xi32>], vector<16xf32>,
      %get3A_682 = arith.index_cast %add3A_662 : i32 to index
      %get3A_683 = arith.constant 48 : index
      %get3A_684 = tpu.vector_load %arg6[%get3A_682, %get3A_683] {strides = array<i32>} : memref<512x128xf32, #tpu.memory_space<vmem>>, vector<16xf32>,
      %add3A_685 = arith.constant 48 : i32
      %add3A_686 = vector.broadcast %add3A_685 : i32 to vector<16xi32>
      %add3A_687 = arith.addi %iota3A, %add3A_686 : vector<16xi32>
      %gather3A_688 = tpu.vector_load_idx %arg5[%add3A_687, %broadcast_in_dim3A_663] : memref<64x512xf32, #tpu.memory_space<vmem>>[vector<16xi32>, vector<16xi32>], vector<16xf32>,
      %sub3A_689 = arith.subf %gather3A_667, %get3A_666 : vector<16xf32>
      %sub3A_690 = arith.subf %gather3A_674, %get3A_670 : vector<16xf32>
      %sub3A_691 = arith.subf %gather3A_681, %get3A_677 : vector<16xf32>
      %sub3A_692 = arith.subf %gather3A_688, %get3A_684 : vector<16xf32>
      %mul3A_693 = arith.mulf %sub3A_689, %sub3A_689 : vector<16xf32>
      %add3A_694 = arith.addf %add3A_652, %mul3A_693 : vector<16xf32>
      %mul3A_695 = arith.mulf %sub3A_690, %sub3A_690 : vector<16xf32>
      %add3A_696 = arith.addf %add3A_654, %mul3A_695 : vector<16xf32>
      %mul3A_697 = arith.mulf %sub3A_691, %sub3A_691 : vector<16xf32>
      %add3A_698 = arith.addf %add3A_656, %mul3A_697 : vector<16xf32>
      %mul3A_699 = arith.mulf %sub3A_692, %sub3A_692 : vector<16xf32>
      %add3A_700 = arith.addf %add3A_658, %mul3A_699 : vector<16xf32>
      scf.yield %add3A_694, %add3A_696, %add3A_698, %add3A_700 : vector<16xf32>, vector<16xf32>, vector<16xf32>, vector<16xf32>
    }
    %scan3A_22 = arith.constant 32 : i32
    %add3A_23 = arith.addf %scan3A_21#0, %scan3A_21#1 : vector<16xf32>
    %add3A_24 = arith.addf %scan3A_21#2, %scan3A_21#3 : vector<16xf32>
    %add3A_25 = arith.addf %add3A_23, %add3A_24 : vector<16xf32>
    %swap3A = arith.constant 0 : index
    %swap3A_26 = tpu.vector_load %arg7[%swap3A] {strides = array<i32>} : memref<16xf32, #tpu.memory_space<vmem>>, vector<16xf32>,
    tpu.vector_store %arg7[%swap3A], %add3A_25 {strides = array<i32>} : memref<16xf32, #tpu.memory_space<vmem>>, vector<16xf32>,
    "tpu.region"() ({
      %run_scoped3A = tpu.sem_alloc : memref<!tpu.dma_semaphore, #tpu.memory_space<semaphore_mem>>
      %dma_start3A_27 = arith.constant 0 : i32
      %dma_start3A_28 = tpu.memref_slice %arg4[%add3A, %dma_start3A_27] : memref<32x16xf32, #tpu.memory_space<hbm>> -> memref<1x16xf32, #tpu.memory_space<hbm>>
      %dma_start3A_29 = tpu.memref_squeeze %dma_start3A_28 : memref<1x16xf32, #tpu.memory_space<hbm>> -> memref<16xf32, #tpu.memory_space<hbm>>
      %dma_start3A_30 = arith.constant 0 : i32
      %dma_start3A_31 = tpu.memref_slice %arg4[%add3A, %dma_start3A_30] : memref<32x16xf32, #tpu.memory_space<hbm>> -> memref<1x16xf32, #tpu.memory_space<hbm>>
      %dma_start3A_32 = tpu.memref_squeeze %dma_start3A_31 : memref<1x16xf32, #tpu.memory_space<hbm>> -> memref<16xf32, #tpu.memory_space<hbm>>
      tpu.enqueue_dma source(%arg7 : memref<16xf32, #tpu.memory_space<vmem>>) target(%dma_start3A_32 : memref<16xf32, #tpu.memory_space<hbm>>) target_semaphore(%run_scoped3A : memref<!tpu.dma_semaphore, #tpu.memory_space<semaphore_mem>>)
      %dma_wait3A_33 = arith.constant 0 : i32
      %dma_wait3A_34 = tpu.memref_slice %arg4[%add3A, %dma_wait3A_33] : memref<32x16xf32, #tpu.memory_space<hbm>> -> memref<1x16xf32, #tpu.memory_space<hbm>>
      %dma_wait3A_35 = tpu.memref_squeeze %dma_wait3A_34 : memref<1x16xf32, #tpu.memory_space<hbm>> -> memref<16xf32, #tpu.memory_space<hbm>>
      %dma_wait3A_36 = arith.constant 0 : i32
      %dma_wait3A_37 = tpu.memref_slice %arg4[%add3A, %dma_wait3A_36] : memref<32x16xf32, #tpu.memory_space<hbm>> -> memref<1x16xf32, #tpu.memory_space<hbm>>
      %dma_wait3A_38 = tpu.memref_squeeze %dma_wait3A_37 : memref<1x16xf32, #tpu.memory_space<hbm>> -> memref<16xf32, #tpu.memory_space<hbm>>
      tpu.wait_dma2 semaphore(%run_scoped3A : memref<!tpu.dma_semaphore, #tpu.memory_space<semaphore_mem>>) src(%arg7 : memref<16xf32, #tpu.memory_space<vmem>>) dst(%dma_wait3A_38 : memref<16xf32, #tpu.memory_space<hbm>>)
      tpu.yield
    }) : () -> ()
    return
  }
}

</mosaic_0001>

<sc_bundles>
// kernel: kernel.4.cloned.1.call-start
scs
__scs_entry_jumppad:
0x0: {  	(pc) =	sbr.rel $0x88, $3  }
0x1: {  	(tag) =	ssettag $0x0;
	lr =	simm.s32 $0x1  }
0x2: {  	[smem:$0x3F9E] =	sst lr;
	_ =	strace $0xD0000000  }
0x3: {  	_ = 	snop  }
0x4: {  	_ = 	snop  }
0x5: {  	_ = 	snop  }
0x6: {  	_ = 	snop  }
0x7: {  	_ = 	snop  }
__scs_overlays_trampoline_lowered:
0x8: {  	[smem:$0x3FAD] =	sst s0  }
0x9: {  	[smem:$0x3FAE] =	sst s1  }
0xa: {  	[smem:$0x3FAF] =	sst s2  }
0xb: {  	[smem:$0x3FB0] =	sst s3  }
0xc: {  	[smem:$0x3FB1] =	sst s4  }
0xd: {  	[smem:$0x3FB2] =	sst s5  }
0xe: {  	[smem:$0x3FB3] =	sst s6  }
0xf: {  	[smem:$0x3FB4] =	sst s7  }
0x10: {  	[smem:$0x3FB5] =	sst s8  }
0x11: {  	[smem:$0x3FB6] =	sst s9;
	s0 =	simm.s32 @!p0 $0x0  }
0x12: {  	s1 =	sld [smem:$0x3F9C];
	s0 =	simm.s32 @p0 $0x1  }
0x13: {  	[smem:$0x3FB7] =	sst s0;
	s0 =	simm.s32 @!p1 $0x0  }
0x14: {  	s2 =	sld [smem:$0x3F9B];
	s0 =	simm.s32 @p1 $0x1  }
0x15: {  	[smem:$0x3FB8] =	sst s0;
	s0 =	simm.s32 @!p2 $0x0  }
0x16: {  	s3 =	sld [smem:$0x3FDB];
	s0 =	simm.s32 @p2 $0x1  }
0x17: {  	s4 =	simm.s32 $0x1BF5;
	[smem:$0x3FBA] =	sst s0  }
0x18: {  	s0 =	sld [smem:$0x3F9D];
	_ =	swait.ge [sflag:s4], $0x0  }
0x19: {  	s7 =	sld [smem:$0x3F9E]  }
0x1a: {  	s8 =	sadd.s32 $0xFFFFE003, lr  }
0x1b: {  	s9 =	sadd.s32 $0xFFFFFEF7, lr;
	s5 =	simm.s32 $0xFFFFFFFF;
	p2 =	slt.u32 s8, $0xFFFFF086  }
0x1c: {  	p1 =	slt.u32 s9, $0xF7A;
	s5 =	simm.s32 @!p2 $0x0  }
0x1d: {  	s5 =	simm.s32 @p1 $0x1;
	p0 =	seq.s32 s7, s2  }
0x1e: {  	s7 =	smul.u32 @!p0 $0xF7A, s2;
	p2 =	seq.s32 @!p0 s5, $0x0  }
0x1f: {  	s9 =	smul.u32 $0xF7A, s1;
	s8 =	simm.s32 @!p0 $0x1BF5;
	p2 =	por !p2, p0  }
0x20: {  	[sflag:s8] =	ssyncset.s32 @!p0 $0xFFFFF086;
	s6 =	sadd.s32 @!p0 s3, s7;
	s7 =	simm.s32 @!p0 $0x108  }
0x21: {  	s3 =	sadd.s32 s3, s9;
	s6 =	sadd.s32 @!p0 $0x88, s6;
	s7 =	simm.s32 @p2 $0x1082  }
0x22: {  	[simem:s7], [sflag:s8] =	dma.local @!p0 [hbm:s6], $0xF7A  }
0x23: {  	s9 =	sor.u32 $0xD0000000, s2;
	s6 =	simm.s32 $0x108;
	_ =	swait.ge @!p0 [sflag:s8], $0x0  }
0x24: {  	s3 =	sadd.s32 $0x88, s3;
	s6 =	simm.s32 @!p1 $0x1082;
	[sflag:s4] =	ssyncset.s32 $0xFFFFF086  }
0x25: {  	[simem:s6], [sflag:s4] =	dma.local [hbm:s3], $0xF7A  }
0x26: {  	[smem:$0x3F9E] =	sst s1;
	(tag) =	ssettag s2;
	_ =	strace s9  }
0x27: {  	s1 =	sld [smem:$0x3FAE]  }
0x28: {  	s2 =	sld [smem:$0x3FAF]  }
0x29: {  	s4 =	sld [smem:$0x3FB1]  }
0x2a: {  	p0 =	seq.s32 s5, $0x0;
	s5 =	sld [smem:$0x3FB2]  }
0x2b: {  	s6 =	sld [smem:$0x3FB3]  }
0x2c: {  	s7 =	sld [smem:$0x3FB4]  }
0x2d: {  	s3 =	simm.s32 $0x108;
	s8 =	sld [smem:$0x3FB5]  }
0x2e: {  	s3 =	simm.s32 @!p0 $0x1082;
	s9 =	sld [smem:$0x3FB6]  }
0x2f: {  	lr =	sadd.s32 s0, s3;
	s0 =	sld [smem:$0x3FAD]  }
0x30: {  	s3 =	sld [smem:$0x3FB0]  }
0x31: {  	[smem:$0x3FB9] =	sst s10  }
0x32: {  	s10 =	sld [smem:$0x3FB7];
	_ =	sdelay $0x3  }
0x33: {  	p0 =	seq.s32 s10, $0x1;
	s10 =	sld [smem:$0x3FB9];
	_ =	sdelay $0x3  }
0x34: {  	[smem:$0x3FB9] =	sst s10  }
0x35: {  	s10 =	sld [smem:$0x3FB8];
	_ =	sdelay $0x3  }
0x36: {  	p1 =	seq.s32 s10, $0x1;
	s10 =	sld [smem:$0x3FB9];
	_ =	sdelay $0x3  }
0x37: {  	[smem:$0x3FB9] =	sst s10  }
0x38: {  	s10 =	sld [smem:$0x3FBA]  }
0x39: {  	_ = 	snop;
	(pc) =	sbr.ind lr, $3  }
0x3a: {  	_ = 	snop  }
0x3b: {  	_ = 	snop  }
0x3c: {  	p2 =	seq.s32 s10, $0x1;
	s10 =	sld [smem:$0x3FB9]  }
0x3d: {  	_ =	shalt  }
0x3e: {  	_ =	shalt  }
0x3f: {  	_ =	shalt  }
0x40: {  	_ =	shalt  }
0x41: {  	_ =	shalt  }
0x42: {  	_ =	shalt  }
0x43: {  	_ =	shalt  }
0x44: {  	_ =	shalt  }
0x45: {  	_ =	shalt  }
0x46: {  	_ =	shalt  }
0x47: {  	_ =	shalt  }
0x48: {  	_ =	shalt  }
0x49: {  	_ =	shalt  }
0x4a: {  	_ =	shalt  }
0x4b: {  	_ =	shalt  }
0x4c: {  	_ =	shalt  }
0x4d: {  	_ =	shalt  }
0x4e: {  	_ =	shalt  }
0x4f: {  	_ =	shalt  }
0x50: {  	_ =	shalt  }
0x51: {  	_ =	shalt  }
0x52: {  	_ =	shalt  }
0x53: {  	_ =	shalt  }
0x54: {  	_ =	shalt  }
0x55: {  	_ =	shalt  }
0x56: {  	_ =	shalt  }
0x57: {  	_ =	shalt  }
0x58: {  	_ =	shalt  }
0x59: {  	_ =	shalt  }
0x5a: {  	_ =	shalt  }
0x5b: {  	_ =	shalt  }
0x5c: {  	_ =	shalt  }
0x5d: {  	_ =	shalt  }
0x5e: {  	_ =	shalt  }
0x5f: {  	_ =	shalt  }
0x60: {  	_ =	shalt  }
0x61: {  	_ =	shalt  }
0x62: {  	_ =	shalt  }
0x63: {  	_ =	shalt  }
0x64: {  	_ =	shalt  }
0x65: {  	_ =	shalt  }
0x66: {  	_ =	shalt  }
0x67: {  	_ =	shalt  }
0x68: {  	_ =	shalt  }
0x69: {  	_ =	shalt  }
0x6a: {  	_ =	shalt  }
0x6b: {  	_ =	shalt  }
0x6c: {  	_ =	shalt  }
0x6d: {  	_ =	shalt  }
0x6e: {  	_ =	shalt  }
0x6f: {  	_ =	shalt  }
0x70: {  	_ =	shalt  }
0x71: {  	_ =	shalt  }
0x72: {  	_ =	shalt  }
0x73: {  	_ =	shalt  }
0x74: {  	_ =	shalt  }
0x75: {  	_ =	shalt  }
0x76: {  	_ =	shalt  }
0x77: {  	_ =	shalt  }
0x78: {  	_ =	shalt  }
0x79: {  	_ =	shalt  }
0x7a: {  	_ =	shalt  }
0x7b: {  	_ =	shalt  }
0x7c: {  	_ =	shalt  }
0x7d: {  	_ =	shalt  }
0x7e: {  	_ =	shalt  }
0x7f: {  	_ =	shalt  }
0x80: {  	_ =	shalt  }
0x81: {  	_ =	shalt  }
0x82: {  	_ =	shalt  }
0x83: {  	_ =	shalt  }
0x84: {  	_ =	shalt  }
0x85: {  	_ =	shalt  }
0x86: {  	_ =	shalt  }
0x87: {  	_ =	shalt  }
.Lfunc_end0:
.L_simem_size_0:
called_computation_lowered:
.L_overlay_start_0:
0x88: {  	s2 =	sld [smem:$0x3FD9]  }
0x89: {  	s3 =	sld [smem:$0x3FFE];
	_ =	sdelay $0x1  }
0x8a: {  	s1 =	srdreg.scid  }
0x8b: {  	s0 =	sand.u32 $0x1, s1  }
0x8c: {  	s17 =	sshll.u32 s0, $0xA;
	s2 =	sadd.s32 s3, s2  }
0x8d: {  	s2 =	sadd.s32 s2, s17  }
0x8e: {  	[smem:$0x3FC5] =	sst s2  }
0x8f: {  	_ = 	snop  }
0x90: {  	s2 =	sld [smem:$0x3FC8]  }
0x91: {  	s18 =	sld [smem:$0x3FC7];
	(tm) =	ssettm $0x1  }
0x92: {  	s4 =	sld [smem:$0x3FFB];
	_ =	sdelay $0x3  }
0x93: {  	_ =	strace s4  }
0x94: {  	s4 =	sld [smem:$0x3FFC];
	_ =	sdelay $0x3  }
0x95: {  	_ =	strace s4  }
0x96: {  	s4 =	sld [smem:$0x3FFD];
	_ =	sdelay $0x3  }
0x97: {  	_ =	strace s4  }
0x98: {  	_ =	strace $0x8FFFFFFF  }
0x99: {  	s19 =	sld [smem:$0x3FDB];
	_ =	sdelay $0x1  }
0x9a: {  	s5 =	simm.s32 $_scs_section_size  }
0x9b: {  	s6 =	simm.s32 $_size__tile_overlayer_lowered;
	s7 =	simm.s32 $_tile_overlayer_lowered  }
0x9c: {  	s22 =	simm.s32 $0x1BFF;
	s21 =	sshll.u32 s7, $0x1;
	s4 =	sadd.s32 s5, s19  }
0x9d: {  	s8 =	simm.s32 $0x0;
	s20 =	sshll.u32 s6, $0x1;
	s6 =	sadd.s32 s21, s4  }
0x9e: {  	[timem:s8], [sflag:s22] =	dma.local [hbm:s6], s20  }
0x9f: {  	_ =	swait.ge [sflag:s22], s20  }
0xa0: {  	s5 =	ssub.s32 $0x0, s20;
	[sflag:s22] =	ssyncset.done $0x0  }
0xa1: {  	[sflag:s22] =	ssyncadd.s32 s5;
	_ =	sdelay $0x1  }
0xa2: {  	s23 =	simm.s32 $0x1B8B  }
0xa3: {  	_ =	swait.ge [sflag:s23], $0x1  }
0xa4: {  	[sflag:s23] =	ssyncset.done $0x0  }
0xa5: {  	s25 =	simm.s32 $0x1B8E;
	s24 =	sld [smem:$0x3FFE];
	[sflag:s23] =	ssyncadd.s32 $0xFFFFFFFF  }
0xa6: {  	s26 =	simm.s32 $execute0_lowered;
	[smem:$0x3FD2] =	sst s25  }
0xa7: {  	s6 =	sshll.u32 s26, $0x1;
	_ =	strace $0x80000046;
	[dreg:$0x1] =	wrdreg $0xFFFFFFFF  }
0xa8: {  	s28 =	simm.s32 $_size_execute0_lowered;
	s4 =	sadd.s32 s4, s6;
	[dreg:$0x0] =	wrdreg $0x0  }
0xa9: {  	s6 =	sshll.u32 s28, $0x1;
	[dreg:$0x2] =	wrdreg s4  }
0xaa: {  	[dreg:$0x3] =	wrdreg s6  }
0xab: {  	[dreg:$0x4] =	wrdreg $0xC0  }
0xac: {  	_ =	task [dreg:s8], $0x5FFFF  }
0xad: {  	[dreg:$0x1] =	wrdreg $0xFFFFFFFF  }
0xae: {  	[dreg:$0x0] =	wrdreg $0x60  }
0xaf: {  	[dreg:$0x2] =	wrdreg s2  }
0xb0: {  	[dreg:$0x3] =	wrdreg s18  }
0xb1: {  	[dreg:$0x4] =	wrdreg s24  }
0xb2: {  	[dreg:$0x5] =	wrdreg $0x9  }
0xb3: {  	_ =	task.clear_ibuf [dreg:s8], $0x6FFFF;
	_ =	strace $0x90000046  }
0xb4: {  	s29 =	simm.s32 $0x9;
	_ =	strace $0x80000048  }
0xb5: {  	_ =	swait.ge [sflag:s29], $0x1  }
0xb6: {  	[sflag:s29] =	ssyncadd.s32 $0xFFFFFFFF  }
0xb7: {  	_ =	strace $0x90000048  }
0xb8: {  	_ =	sfence  }
0xb9: {  	s30 =	sld [smem:$0x0];
	_ =	sdelay $0x2  }
0xba: {  	s31 =	sshll.u32 s1, $0xD;
	s1 =	sshrl.u32 s1, $0x2  }
0xbb: {  	s3 =	sand.u32 $0x4000, s31;
	s1 =	sadd.s32 s1, s30  }
0xbc: {  	s0 =	sor.u32 s3, s0;
	s1 =	sshll.u32 s1, $0x11  }
0xbd: {  	s0 =	sor.u32 s1, s0  }
0xbe: {  	s0 =	sadd.s32 $0x8F2B, s0  }
0xbf: {  	[sflag:s0] =	ssyncadd.remote.s32 $0x1  }
0xc0: {  	_ =	sfence.sel $0xFFFF  }
0xc1: {  	[dreg:$0x0] =	wrdreg $0xFFFFFFFF;
	(pc) =	sbr.abs _section_cstart, $3  }
0xc2: {  	[dreg:$0x1] =	wrdreg $0xFFFFFFFF  }
0xc3: {  	_ =	task.clear_ibuf [dreg:s8], $0x2FFFF;
	_ =	strace $0x9FFFFFFF  }
0xc4: {  	(tm) =	ssettm $0x7FFFFFFF  }
0xc5: {  	_ =	shalt  }
tec
execute0_lowered:
.L_overlay_start_1:
0x0: {  	(tag) =	ssettag $0x1  }
0x1: {  	s3 =	rddreg [dreg:$0x1]  }
0x2: {  	s0 =	rddreg [dreg:$0x2]  }
0x3: {  	s1 =	srdreg.scid;
	s11 =	stileid.u32  }
0x4: {  	s4 =	simm.s32 $0x0;
	s28 =	simm.s32 $0xD;
	s29 =	simm.s32 $0xC180  }
0x5: {  	s30 =	simm.s32 $0xC480;
	s31 =	simm.s32 $0x8100;
	s1 =	sand.u32 $0x1, s1  }
0x6: {  	s2 =	sshll.u32 s11, $0x1;
	[smem:$0x7FF] =	sst s4;
	s21 =	smul.u32 $0xFFFFFE16, s11  }
0x7: {  	s7 =	ssub.s32 $0x2, s1;
	s2 =	sor.u32 s1, s2;
	s1 =	smul.u32 $0xFFFFFF0B, s1  }
0x8: {  	s6 =	sadd.s32 $0x400, s0;
	s15 =	sadd.s32 $0xF4200, s3;
	s5 =	smul.u32 $0xF5, s2  }
0x9: {  	s0 =	simm.s32 $0xC300;
	_ =	strace $0x80000047;
	s19 =	smul.u32 $0x3D400, s2  }
0xa: {  	s8 =	sshrl.u32 s7, $0x1;
	s10 =	smul.u32 $0x7A80, s2;
	p0 =	sne.s32 s2, $0x1F  }
0xb: {  	s2 =	simm.s32 $0x1E800;
	s18 =	ssub.s32 s7, s8;
	s1 =	sadd.s32 s21, s1  }
0xc: {  	s21 =	simm.s32 $0x0;
	s9 =	sadd.s32 $0xF5, s5;
	s20 =	ssub.s32 $0x1E84, s5  }
0xd: {  	s8 =	sshrl.u32 s19, $0x3;
	s10 =	sadd.s32 s3, s10;
	s1 =	sadd.s32 $0x1E84, s1  }
0xe: {  	s17 =	smax.u32 s18, $0x1;
	s18 =	simm.s32 $0x400;
	s8 =	sadd.s32 s3, s8  }
0xf: {  	s19 =	simm.s32 $0x7A1400;
	[dreg:$0x4] =	wrdreg s10;
	s22 =	sadd.s32 $0x80, s8  }
.Ltmp0:
0x10: {  	v0 =	vlaneseq.u32;
	s23 =	sadd.s32 $0x100, s8;
	[dreg:$0x5] =	wrdreg s22;
	(pc) =	sbr.rel .LBB2_1-.Ltmp0, $4  }
0x11: {  	v2 =	vmul.u32 $0x80, v0;
	s7 =	smin.u32 s20, $0xF5;
	s24 =	sadd.s32 $0x180, s8;
	[dreg:$0x6] =	wrdreg s23  }
0x12: {  	v4 =	vimm.s32 $0x0;
	s16 =	smin.u32 s1, $0xF5;
	s25 =	sadd.s32 $0x200, s8;
	[dreg:$0x7] =	wrdreg s24  }
0x13: {  	v5 =	vimm.s32 $0x1;
	v6 =	vor.u32 $0x800, v2;
	v7 =	vor.u32 $0x1000, v2;
	s1 =	simm.s32 $0x1;
	s26 =	sadd.s32 $0x280, s8;
	[dreg:$0x8] =	wrdreg s25  }
0x14: {  	v8 =	vor.u32 $0x1800, v2;
	v3 =	vmov s5;
	v1 =	vmov s9;
	s20 =	simm.s32 $0x1C600;
	s14 =	sadd.s32 $0x300, s8;
	[dreg:$0x9] =	wrdreg s26  }
.LBB2_32:
0x15: {  	[sflag:s8] =	ssyncadd.s32 $0xFFFFFF80  }
.LBB2_33:
0x16: {  	s21 =	sadd.s32 $0x1, s21  }
0x17: {  	p1 =	sne.s32 s21, s17  }
.Ltmp1:
0x18: {  	_ = 	snop;
	(pc) =	sbr.rel @!p1 .LBB2_34-.Ltmp1, $1  }
0x19: {  	_ =	sdelay $0x3  }
.LBB2_1:
0x1a: {  	s8 =	rddreg [dreg:$0x4];
	s9 =	simm.s32 $0xC600  }
0x1b: {  	[tilespmem:s9], [sflag:$0x1] =	stream.strided.gather [hbm4b:s8+s18], $0x2000, s19, s18, $0x38;
	[tilespmem:$0x1EA00] =	vst v63  }
0x1c: {  	s25 =	rddreg [dreg:$0x5];
	s26 =	simm.s32 $0xE600  }
0x1d: {  	[tilespmem:s26], [sflag:$0x2] =	stream.strided.gather [hbm4b:s25+s18], $0x2000, s19, s18, $0x38;
	[tilespmem:$0x1EA00] =	vst v63  }
0x1e: {  	s10 =	simm.s32 $0x10600;
	s9 =	rddreg [dreg:$0x6]  }
0x1f: {  	[tilespmem:s10], [sflag:$0x3] =	stream.strided.gather [hbm4b:s9+s18], $0x2000, s19, s18, $0x38;
	[tilespmem:$0x1EA00] =	vst v63  }
0x20: {  	s11 =	rddreg [dreg:$0x7];
	s12 =	simm.s32 $0x12600  }
0x21: {  	[tilespmem:s12], [sflag:$0x4] =	stream.strided.gather [hbm4b:s11+s18], $0x2000, s19, s18, $0x38;
	[tilespmem:$0x1EA00] =	vst v63  }
0x22: {  	s13 =	rddreg [dreg:$0x8];
	s22 =	simm.s32 $0x14600  }
0x23: {  	[tilespmem:s22], [sflag:$0x5] =	stream.strided.gather [hbm4b:s13+s18], $0x2000, s19, s18, $0x38;
	[tilespmem:$0x1EA00] =	vst v63  }
0x24: {  	s23 =	rddreg [dreg:$0x9];
	s24 =	simm.s32 $0x16600  }
0x25: {  	[tilespmem:s24], [sflag:$0x6] =	stream.strided.gather [hbm4b:s23+s18], $0x2000, s19, s18, $0x38;
	[tilespmem:$0x1EA00] =	vst v63  }
0x26: {  	s25 =	simm.s32 $0x18600  }
0x27: {  	[tilespmem:s25], [sflag:$0x7] =	stream.strided.gather [hbm4b:s14+s18], $0x2000, s19, s18, $0x38;
	[tilespmem:$0x1EA00] =	vst v63  }
0x28: {  	s26 =	rddreg [dreg:$0x0]  }
0x29: {  	[tilespmem:s4], [sflag:$0xD] =	stream.linear.gather [hbm4b:s26+s4], $0x4000, $0x38;
	[tilespmem:$0x1EA00] =	vst v63  }
0x2a: {  	_ =	swait.ge [sflag:s28], $0x4000  }
0x2b: {  	[sflag:s28] =	ssyncset.done $0x0  }
0x2c: {  	[sflag:s28] =	ssyncadd.s32 $0xFFFFC000  }
0x2d: {  	v9 =	vld [tilespmem:s4+$0x0];
	_ =	sdelay $0x4  }
0x2e: {  	v9 =	vshra.s32 v9, $0x7  }
0x2f: {  	vm0 =	vge.s32 v9, v3;
	vm1 =	vlt.s32 v9, v1  }
0x30: {  	vm0 =	vmand vm0, vm1  }
0x31: {  	v9 =	vmpcnt.ones.xlane vm0;
	_ =	sdelay $0x1  }
0x32: {  	(v2sf) =	vpush v9, $0x0;
	_ =	sdelay $0x3  }
0x33: {  	v10 =	vor.u32 s4, v0  }
0x34: {  	s8 =	simm.s32 $0x10;
	[tilespmem:s4+$0x4080] =	vst.msk vm0, v10  }
0x35: {  	s10 =	simm.s32 $0x20;
	s9 =	simm.s32 $0x0;
	s22 =	simm.s32 $0x10;
	v9 =	vld [tilespmem:s8+$0x0]  }
.LBB2_2:
0x36: {  	p1 =	seq.s32 s10, $0x3FF0;
	_ =	sdelay $0x3  }
0x37: {  	v9 =	vshra.s32 v9, $0x7  }
0x38: {  	vm0 =	vge.s32 v9, v3;
	vm1 =	vlt.s32 v9, v1  }
0x39: {  	vm0 =	vmand vm0, vm1  }
0x3a: {  	v9 =	vmpcnt.ones.xlane vm0  }
0x3b: {  	s11 =	spop (v2sf)  }
0x3c: {  	v10 =	vor.u32 s8, v0;
	s8 =	smov.u32 s10;
	(v2sf) =	vpush v9, $0x0;
	s9 =	sadd.s32 s9, s11  }
0x3d: {  	[tilespmem:s9+$0x4080] =	vst.msk vm0, v10  }
.Ltmp2:
0x3e: {  	(pc) =	sbr.rel @!p1 .LBB2_2-.Ltmp2, $3  }
0x3f: {  	_ =	sdelay $0x1  }
0x40: {  	s22 =	sadd.s32 $0x10, s22  }
0x41: {  	s10 =	sadd.s32 $0x10, s10;
	v9 =	vld [tilespmem:s22+$0x0]  }
0x42: {  	_ =	sdelay $0x3  }
0x43: {  	v9 =	vshra.s32 v9, $0x7  }
0x44: {  	vm0 =	vge.s32 v9, v3;
	vm1 =	vlt.s32 v9, v1  }
0x45: {  	vm0 =	vmand vm0, vm1  }
0x46: {  	v9 =	vmpcnt.ones.xlane vm0  }
0x47: {  	s10 =	spop (v2sf)  }
0x48: {  	(v2sf) =	vpush v9, $0x0;
	v9 =	vor.u32 s8, v0;
	s8 =	sadd.s32 s9, s10  }
0x49: {  	[tilespmem:s8+$0x4080] =	vst.msk vm0, v9  }
0x4a: {  	[tilespmem:$0xC480] =	vst v4  }
0x4b: {  	[tilespmem:$0xC180] =	vst v4  }
0x4c: {  	[tilespmem:$0xC490] =	vst v4  }
0x4d: {  	[tilespmem:$0xC190] =	vst v4  }
0x4e: {  	[tilespmem:$0xC4A0] =	vst v4  }
0x4f: {  	[tilespmem:$0xC1A0] =	vst v4  }
0x50: {  	[tilespmem:$0xC4B0] =	vst v4  }
0x51: {  	[tilespmem:$0xC1B0] =	vst v4  }
0x52: {  	[tilespmem:$0xC4C0] =	vst v4  }
0x53: {  	[tilespmem:$0xC1C0] =	vst v4  }
0x54: {  	[tilespmem:$0xC4D0] =	vst v4  }
0x55: {  	[tilespmem:$0xC1D0] =	vst v4  }
0x56: {  	[tilespmem:$0xC4E0] =	vst v4  }
0x57: {  	[tilespmem:$0xC1E0] =	vst v4  }
0x58: {  	[tilespmem:$0xC4F0] =	vst v4  }
0x59: {  	[tilespmem:$0xC1F0] =	vst v4  }
0x5a: {  	[tilespmem:$0xC500] =	vst v4  }
0x5b: {  	[tilespmem:$0xC200] =	vst v4  }
0x5c: {  	[tilespmem:$0xC510] =	vst v4  }
0x5d: {  	[tilespmem:$0xC210] =	vst v4  }
0x5e: {  	[tilespmem:$0xC520] =	vst v4  }
0x5f: {  	[tilespmem:$0xC220] =	vst v4  }
0x60: {  	[tilespmem:$0xC530] =	vst v4  }
0x61: {  	[tilespmem:$0xC230] =	vst v4  }
0x62: {  	[tilespmem:$0xC540] =	vst v4;
	s9 =	spop (v2sf)  }
0x63: {  	[tilespmem:$0xC240] =	vst v4;
	s10 =	sadd.s32 s8, s9  }
0x64: {  	[tilespmem:$0xC550] =	vst v4;
	p1 =	slt.s32 s10, $0x1  }
.Ltmp3:
0x65: {  	[tilespmem:$0xC250] =	vst v4;
	(pc) =	sbr.rel @p1 .LBB2_7-.Ltmp3, $4  }
0x66: {  	[tilespmem:$0xC560] =	vst v4  }
0x67: {  	[tilespmem:$0xC260] =	vst v4  }
0x68: {  	[tilespmem:$0xC570] =	vst v4  }
0x69: {  	[tilespmem:$0xC270] =	vst v4;
	s22 =	sadd.s32 s8, s9  }
0x6a: {  	s9 =	sadd.s32 s8, s9  }
0x6b: {  	p2 =	seq.s32 s9, $0x1  }
.Ltmp4:
0x6c: {  	_ = 	snop;
	(pc) =	sbr.rel @p2 .LBB2_6-.Ltmp4, $3  }
0x6d: {  	_ =	sdelay $0x1  }
0x6e: {  	s8 =	simm.s32 $0x4080  }
0x6f: {  	v9 =	vld [tilespmem:s8+$0x0];
	s9 =	sadd.s32 $0xFFFFFFFF, s9  }
.LBB2_5:
0x70: {  	p2 =	seq.s32 s9, $0x1;
	_ =	sdelay $0x3  }
0x71: {  	(v2sf) =	vpush v9, $0x0;
	_ =	sdelay $0xe  }
0x72: {  	s10 =	spop (v2sf)  }
0x73: {  	v9 =	vld [tilespmem:s10+$0x0];
	_ =	sdelay $0x4  }
0x74: {  	(v2sf) =	vpush v9, $0x0;
	_ =	sdelay $0xe  }
0x75: {  	s10 =	spop (v2sf)  }
0x76: {  	s10 =	sshra.s32 s10, $0x7  }
0x77: {  	s10 =	ssub.s32 s10, s5  }
0x78: {  	v9 =	vmov s10;
	_ =	sdelay $0x1  }
.Ltmp5:
0x79: {  	(pc) =	sbr.rel @!p2 .LBB2_5-.Ltmp5, $3  }
0x7a: {  	_ =	sdelay $0x1  }
0x7b: {  	s8 =	sadd.s32 $0x1, s8;
	[tilespmem:v9+s29+$0x0] =	vst.idx.add.s32.msk $0x1, v5  }
0x7c: {  	s9 =	sadd.s32 $0xFFFFFFFF, s9;
	v9 =	vld [tilespmem:s8+$0x0]  }
.LBB2_6:
0x7d: {  	_ =	sdelay $0x3  }
0x7e: {  	(v2sf) =	vpush v9, $0x0;
	_ =	sdelay $0xe  }
0x7f: {  	s8 =	spop (v2sf)  }
0x80: {  	v9 =	vld [tilespmem:s8+$0x0];
	_ =	sdelay $0x4  }
0x81: {  	(v2sf) =	vpush v9, $0x0;
	_ =	sdelay $0xe  }
0x82: {  	s26 =	spop (v2sf)  }
0x83: {  	s8 =	sshra.s32 s26, $0x7  }
0x84: {  	s8 =	ssub.s32 s8, s5  }
0x85: {  	v9 =	vmov s8;
	_ =	sdelay $0x4  }
0x86: {  	[tilespmem:v9+s29+$0x0] =	vst.idx.add.s32.msk $0x1, v5  }
.LBB2_7:
0x87: {  	s25 =	simm.s32 $0x0  }
0x88: {  	s9 =	simm.s32 $0x10;
	v10 =	vld [tilespmem:s25+$0xC180]  }
0x89: {  	v12 =	vld [tilespmem:s9+$0xC180];
	_ =	sdelay $0x3  }
0x8a: {  	(xrf0) =	vadd.scan.msk.s32 $0xffff, v10  }
0x8b: {  	(xrf0) =	vadd.scan.msk.s32 $0xffff, v12;
	_ =	sdelay $0x4  }
0x8c: {  	s8 =	simm.s32 $0x20;
	v11, _, _ =	vpop (xrf0)  }
0x8d: {  	v9 =	vld [tilespmem:s8+$0xC180];
	(v2sf) =	vpush v11, $0xF;
	v13, _, _ =	vpop (xrf0)  }
0x8e: {  	(v2sf) =	vpush v13, $0xF;
	_ =	sdelay $0x3  }
0x8f: {  	s23 =	simm.s32 $0x30;
	(xrf0) =	vadd.scan.msk.s32 $0xffff, v9  }
0x90: {  	v11 =	vsub.s32 v11, v10;
	v10 =	vld [tilespmem:s23+$0xC180];
	_ =	sdelay $0x3  }
0x91: {  	s24 =	simm.s32 $0x0;
	s10 =	simm.s32 $0x100;
	v12 =	vsub.s32 v13, v12  }
.LBB2_8:
0x92: {  	s11 =	sshra.s32 s10, $0x2;
	p2 =	seq.s32 s10, $0x3C0;
	s10 =	sadd.s32 $0x40, s10;
	(xrf0) =	vadd.scan.msk.s32 $0xffff, v10;
	v13, _, _ =	vpop (xrf0);
	v14 =	vadd.s32 s24, v11;
	v11 =	vmov v12  }
.Ltmp6:
0x93: {  	v12 =	vsub.s32 v13, v9;
	(v2sf) =	vpush v13, $0xF;
	[tilespmem:s25+$0xC300] =	vst v14;
	v9 =	vmov v10;
	v10 =	vld [tilespmem:s11+$0xC180];
	(pc) =	sbr.rel @!p2 .LBB2_8-.Ltmp6, $4  }
0x94: {  	[tilespmem:s25+$0xC480] =	vst v14;
	s25 =	smov.u32 s9;
	s9 =	smov.u32 s8;
	s8 =	smov.u32 s23  }
0x95: {  	s23 =	smov.u32 s11  }
0x96: {  	s11 =	spop (v2sf)  }
0x97: {  	s24 =	sadd.s32 s24, s11  }
0x98: {  	(xrf0) =	vadd.scan.msk.s32 $0xffff, v10;
	_ =	sdelay $0x1  }
0x99: {  	v13, _, _ =	vpop (xrf0)  }
0x9a: {  	(v2sf) =	vpush v13, $0xF;
	_ =	sdelay $0x2  }
0x9b: {  	v14, _, _ =	vpop (xrf0)  }
0x9c: {  	(v2sf) =	vpush v14, $0xF;
	_ =	sdelay $0x6  }
0x9d: {  	s10 =	spop (v2sf);
	v11 =	vadd.s32 s24, v11  }
0x9e: {  	s10 =	sadd.s32 s24, s10;
	[tilespmem:s25+$0xC300] =	vst v11  }
0x9f: {  	[tilespmem:s25+$0xC480] =	vst v11;
	v11 =	vadd.s32 s10, v12;
	s11 =	spop (v2sf)  }
0xa0: {  	v9 =	vsub.s32 v13, v9;
	[tilespmem:s9+$0xC300] =	vst v11;
	s10 =	sadd.s32 s10, s11  }
.Ltmp7:
0xa1: {  	[tilespmem:s9+$0xC480] =	vst v11;
	v9 =	vadd.s32 s10, v9;
	s25 =	spop (v2sf);
	(pc) =	sbr.rel @p1 .LBB2_12-.Ltmp7, $4  }
0xa2: {  	v10 =	vsub.s32 v14, v10;
	[tilespmem:s8+$0xC300] =	vst v9;
	s9 =	sadd.s32 s10, s25  }
0xa3: {  	[tilespmem:s8+$0xC480] =	vst v9;
	v9 =	vadd.s32 s9, v10  }
0xa4: {  	[tilespmem:s23+$0xC300] =	vst v9  }
0xa5: {  	[tilespmem:s23+$0xC480] =	vst v9;
	s26 =	spop (v2sf)  }
0xa6: {  	s8 =	simm.s32 $0x4080  }
.LBB2_11:
0xa7: {  	v9 =	vld [tilespmem:s8+$0x0];
	_ =	sdelay $0x4  }
0xa8: {  	(v2sf) =	vpush v9, $0x0;
	_ =	sdelay $0xe  }
0xa9: {  	s9 =	spop (v2sf)  }
0xaa: {  	v10 =	vld [tilespmem:s9+$0x0];
	_ =	sdelay $0x4  }
0xab: {  	(v2sf) =	vpush v10, $0x0;
	_ =	sdelay $0xe  }
0xac: {  	s26 =	spop (v2sf)  }
0xad: {  	s9 =	sshra.s32 s26, $0x7  }
0xae: {  	s9 =	ssub.s32 s9, s5  }
0xaf: {  	v10 =	vmov s9;
	_ =	sdelay $0x4  }
0xb0: {  	v11 =	vld.idx.msk [tilespmem:v10+s30+$0x0], $0xffff;
	_ =	sdelay $0x4  }
0xb1: {  	v11 =	vbroadcast v11, $0x0;
	_ =	sdelay $0x1  }
0xb2: {  	p1 =	sne.s32 s22, $0x1  }
.Ltmp8:
0xb3: {  	_ = 	snop;
	(pc) =	sbr.rel @p1 .LBB2_11-.Ltmp8, $3  }
0xb4: {  	v9 =	vbroadcast v9, $0x0;
	_ =	sdelay $0x1  }
0xb5: {  	[tilespmem:v11+s31+$0x0] =	vst.idx.msk $0x1, v9  }
0xb6: {  	s8 =	sadd.s32 $0x1, s8;
	s22 =	sadd.s32 $0xFFFFFFFF, s22;
	[tilespmem:v10+s30+$0x0] =	vst.idx.add.s32.msk $0x1, v5  }
.LBB2_12:
.Ltmp9:
0xb7: {  	(pc) =	sbr.rel .LBB2_13-.Ltmp9, $2  }
0xb8: {  	_ =	sdelay $0x2  }
0xb9: {  	s22 =	simm.s32 $0x0;
	s23 =	simm.s32 $0x0  }
.LBB2_15:
0xba: {  	s26 =	smov.u32 s8  }
.LBB2_19:
0xbb: {  	_ =	sdelay $0x3  }
0xbc: {  	s9 =	sadd.s32 @!p3 $0x9, s25;
	[tilespmem:v9+s2+$0x0] =	vst.idx.msk @p1 $0x1, v10  }
0xbd: {  	[hbm4b:s6+s1] =	stream.indirect.scatter @p1 [tilespmem:s12], [sflag:s10], $0x80, s11, s1, $0xb8;
	[tilespmem:$0x1EA00] =	vst v63  }
0xbe: {  	_ =	swait.ge @!p3 [sflag:s9], $0x80  }
0xbf: {  	s10 =	sadd.s32 @p1 $0x1, s26;
	[sflag:s9] =	ssyncset.done @!p3 $0x0  }
0xc0: {  	s8 =	smov.u32 @p1 s10;
	[sflag:s9] =	ssyncadd.s32 @!p3 $0xFFFFFF80  }
0xc1: {  	v9 =	vld [tilespmem:s8+$0x0];
	_ =	sdelay $0x4  }
0xc2: {  	(v2sf) =	vpush v9, $0x0;
	_ =	sdelay $0xe  }
0xc3: {  	s11 =	spop (v2sf)  }
0xc4: {  	v10 =	vld [tilespmem:s11+$0x0];
	_ =	sdelay $0x4  }
0xc5: {  	(v2sf) =	vpush v10, $0x0;
	_ =	sdelay $0xe  }
0xc6: {  	s12 =	spop (v2sf)  }
0xc7: {  	s8 =	sand.u32 $0x7F, s12  }
0xc8: {  	v10 =	vor.u32 s8, v2;
	_ =	sdelay $0x4  }
0xc9: {  	v10 =	vld.idx.msk [tilespmem:v10+s24+$0x0], $0xffff  }
0xca: {  	v11 =	vor.u32 s8, v6;
	_ =	sdelay $0x2  }
0xcb: {  	s13 =	sshll.u32 s25, $0x7  }
0xcc: {  	[tilespmem:s13+$0x1E600] =	vst v10  }
0xcd: {  	v10 =	vld.idx.msk [tilespmem:v11+s24+$0x0], $0xffff  }
0xce: {  	v11 =	vor.u32 s8, v7;
	_ =	sdelay $0x3  }
0xcf: {  	[tilespmem:s13+$0x1E610] =	vst v10  }
0xd0: {  	v10 =	vld.idx.msk [tilespmem:v11+s24+$0x0], $0xffff  }
0xd1: {  	v11 =	vor.u32 s8, v8;
	_ =	sdelay $0x3  }
0xd2: {  	[tilespmem:s13+$0x1E620] =	vst v10  }
0xd3: {  	v10 =	vld.idx.msk [tilespmem:v11+s24+$0x0], $0xffff  }
0xd4: {  	v11 =	vmov s13;
	_ =	sdelay $0x2  }
0xd5: {  	v9 =	vbroadcast v9, $0x0  }
0xd6: {  	s22 =	sadd.s32 $0x1, s22;
	[tilespmem:s13+$0x1E630] =	vst v10  }
0xd7: {  	s26 =	sadd.s32 $0x9, s25;
	s9 =	sor.u32 $0x1E600, s13;
	s24 =	sor.u32 $0x1E800, s13;
	[tilespmem:v11+s2+$0x0] =	vst.idx.msk $0x1, v9  }
0xd8: {  	[hbm4b:s6+s1] =	stream.indirect.scatter [tilespmem:s9], [sflag:s26], $0x80, s24, s1, $0xb8;
	[tilespmem:$0x1EA00] =	vst v63  }
.LBB2_20:
0xd9: {  	s23 =	sadd.s32 $0x1, s23  }
0xda: {  	p1 =	sne.s32 s23, s16  }
.Ltmp10:
0xdb: {  	_ = 	snop;
	(pc) =	sbr.rel @!p1 .LBB2_21-.Ltmp10, $1  }
0xdc: {  	_ =	sdelay $0x3  }
.LBB2_13:
0xdd: {  	s8 =	sadd.s32 $0x7, s23  }
0xde: {  	p1 =	sge.u32 s8, s7  }
0xdf: {  	s9 =	sand.u32 @!p1 $0x7, s8;
	s10 =	sadd.s32 @!p1 s5, s8;
	s8 =	sand.u32 $0x7, s23  }
0xe0: {  	s12 =	simm.s32 @!p1 $0x400;
	s24 =	simm.s32 @!p1 $0x7A1400;
	s10 =	sshll.u32 @!p1 s10, $0x7  }
0xe1: {  	s11 =	sshll.u32 @!p1 s9, $0xD;
	s9 =	sadd.s32 @!p1 $0x1, s9;
	s10 =	sand.u32 @!p1 $0x1FFFFF80, s10  }
0xe2: {  	v9 =	vmov s23;
	s26 =	sadd.s32 $0x1, s8;
	s11 =	sadd.s32 @!p1 $0xC600, s11;
	s10 =	sadd.s32 @!p1 s3, s10  }
0xe3: {  	[tilespmem:s11], [sflag:s9] =	stream.strided.gather @!p1 [hbm4b:s10+s12], $0x2000, s24, s12, $0x38;
	[tilespmem:$0x1EA00] =	vst v63  }
0xe4: {  	_ =	swait.ge [sflag:s26], $0x2000  }
0xe5: {  	[sflag:s26] =	ssyncset.done $0x0  }
0xe6: {  	[sflag:s26] =	ssyncadd.s32 $0xFFFFE000  }
0xe7: {  	v10 =	vld.idx.msk [tilespmem:v9+s29+$0x0], $0xffff;
	_ =	sdelay $0x4  }
0xe8: {  	(v2sf) =	vpush v10, $0x0;
	_ =	sdelay $0xe  }
0xe9: {  	s9 =	spop (v2sf)  }
0xea: {  	p1 =	slt.s32 s9, $0x1  }
.Ltmp11:
0xeb: {  	_ = 	snop;
	(pc) =	sbr.rel @p1 .LBB2_20-.Ltmp11, $2  }
0xec: {  	_ =	sdelay $0x2  }
0xed: {  	v9 =	vld.idx.msk [tilespmem:v9+s0+$0x0], $0xffff  }
0xee: {  	_ =	sdelay $0x3  }
0xef: {  	(v2sf) =	vpush v9, $0x0;
	_ =	sdelay $0x9  }
0xf0: {  	s9 =	sadd.s32 $0xFFFFFFFF, s9  }
0xf1: {  	p2 =	sne.s32 s9, $0x0  }
.Ltmp12:
0xf2: {  	_ = 	snop;
	(pc) =	sbr.rel @!p2 .LBB2_15-.Ltmp12, $4  }
0xf3: {  	_ = 	snop  }
0xf4: {  	s8 =	sshll.u32 s8, $0xD  }
0xf5: {  	s25 =	sand.u32 $0x3, s22;
	p3 =	slt.s32 s22, $0x4;
	s10 =	spop (v2sf)  }
0xf6: {  	p1 =	por $0x0, $0x0;
	s24 =	sadd.s32 $0xC600, s8;
	s8 =	sadd.s32 $0x8100, s10  }
0xf7: {  	s10 =	sadd.s32 @!p3 $0x9, s25  }
0xf8: {  	_ =	swait.ge @!p3 [sflag:s10], $0x80  }
0xf9: {  	[sflag:s10] =	ssyncset.done @!p3 $0x0  }
0xfa: {  	[sflag:s10] =	ssyncadd.s32 @!p3 $0xFFFFFF80  }
0xfb: {  	v10 =	vld [tilespmem:s8+$0x0];
	_ =	sdelay $0x4  }
0xfc: {  	(v2sf) =	vpush v10, $0x0;
	_ =	sdelay $0xe  }
0xfd: {  	s13 =	spop (v2sf)  }
0xfe: {  	v9 =	vld [tilespmem:s13+$0x0];
	_ =	sdelay $0x4  }
0xff: {  	(v2sf) =	vpush v9, $0x0;
	_ =	sdelay $0xe  }
0x100: {  	s26 =	spop (v2sf)  }
0x101: {  	s10 =	sand.u32 $0x7F, s26  }
0x102: {  	v9 =	vor.u32 s10, v2;
	_ =	sdelay $0x4  }
0x103: {  	v9 =	vld.idx.msk [tilespmem:v9+s24+$0x0], $0xffff  }
0x104: {  	v11 =	vor.u32 s10, v6;
	_ =	sdelay $0x2  }
0x105: {  	s26 =	sshll.u32 s25, $0x7  }
0x106: {  	[tilespmem:s26+$0x1E600] =	vst v9  }
0x107: {  	v9 =	vld.idx.msk [tilespmem:v11+s24+$0x0], $0xffff  }
0x108: {  	v11 =	vor.u32 s10, v7;
	_ =	sdelay $0x3  }
0x109: {  	[tilespmem:s26+$0x1E610] =	vst v9  }
0x10a: {  	v9 =	vld.idx.msk [tilespmem:v11+s24+$0x0], $0xffff  }
0x10b: {  	v11 =	vor.u32 s10, v8;
	_ =	sdelay $0x3  }
0x10c: {  	s9 =	sadd.s32 $0xFFFFFFFF, s9;
	[tilespmem:s26+$0x1E620] =	vst v9  }
0x10d: {  	p2 =	sne.s32 s9, $0x0;
	v11 =	vld.idx.msk [tilespmem:v11+s24+$0x0], $0xffff  }
.Ltmp13:
0x10e: {  	v9 =	vmov s26;
	(pc) =	sbr.rel @!p2 .LBB2_17-.Ltmp13, $4  }
0x10f: {  	_ = 	snop  }
0x110: {  	s22 =	sadd.s32 $0x1, s22;
	p1 =	por $0x1, $0x1  }
0x111: {  	p3 =	slt.s32 s22, $0x4;
	v10 =	vbroadcast v10, $0x0;
	s11 =	sor.u32 $0x1E800, s26;
	s12 =	sor.u32 $0x1E600, s26  }
0x112: {  	s10 =	sadd.s32 $0x9, s25;
	s25 =	sand.u32 $0x3, s22;
	[tilespmem:s26+$0x1E630] =	vst v11;
	s26 =	smov.u32 s8  }
.LBB2_18:
0x113: {  	s9 =	sadd.s32 $0xFFFFFFFF, s9;
	s13 =	sadd.s32 @!p3 $0x9, s25;
	[tilespmem:v9+s2+$0x0] =	vst.idx.msk $0x1, v10;
	s26 =	sadd.s32 $0x1, s26  }
0x114: {  	[hbm4b:s6+s1] =	stream.indirect.scatter [tilespmem:s12], [sflag:s10], $0x80, s11, s1, $0xb8;
	[tilespmem:$0x1EA00] =	vst v63  }
0x115: {  	p2 =	sne.s32 s9, $0x0;
	_ =	swait.ge @!p3 [sflag:s13], $0x80  }
0x116: {  	[sflag:s13] =	ssyncset.done @!p3 $0x0  }
0x117: {  	[sflag:s13] =	ssyncadd.s32 @!p3 $0xFFFFFF80  }
0x118: {  	v10 =	vld [tilespmem:s26+$0x0];
	_ =	sdelay $0x4  }
0x119: {  	(v2sf) =	vpush v10, $0x0;
	_ =	sdelay $0xe  }
0x11a: {  	s10 =	spop (v2sf)  }
0x11b: {  	v9 =	vld [tilespmem:s10+$0x0];
	_ =	sdelay $0x4  }
0x11c: {  	(v2sf) =	vpush v9, $0x0;
	_ =	sdelay $0xe  }
0x11d: {  	s10 =	spop (v2sf)  }
0x11e: {  	s10 =	sand.u32 $0x7F, s10  }
0x11f: {  	v9 =	vor.u32 s10, v2;
	_ =	sdelay $0x4  }
0x120: {  	v9 =	vld.idx.msk [tilespmem:v9+s24+$0x0], $0xffff;
	_ =	sdelay $0x1  }
0x121: {  	v11 =	vor.u32 s10, v6;
	_ =	sdelay $0x2  }
0x122: {  	s13 =	sshll.u32 s25, $0x7  }
0x123: {  	[tilespmem:s13+$0x1E600] =	vst v9  }
0x124: {  	v9 =	vld.idx.msk [tilespmem:v11+s24+$0x0], $0xffff;
	_ =	sdelay $0x1  }
0x125: {  	v11 =	vor.u32 s10, v7;
	_ =	sdelay $0x3  }
0x126: {  	[tilespmem:s13+$0x1E610] =	vst v9  }
0x127: {  	v9 =	vld.idx.msk [tilespmem:v11+s24+$0x0], $0xffff;
	_ =	sdelay $0x1  }
0x128: {  	v11 =	vor.u32 s10, v8;
	_ =	sdelay $0x3  }
0x129: {  	[tilespmem:s13+$0x1E620] =	vst v9  }
0x12a: {  	v11 =	vld.idx.msk [tilespmem:v11+s24+$0x0], $0xffff;
	_ =	sdelay $0x1  }
.Ltmp14:
0x12b: {  	v9 =	vmov s13;
	(pc) =	sbr.rel @p2 .LBB2_18-.Ltmp14, $3  }
0x12c: {  	_ =	sdelay $0x1  }
0x12d: {  	s22 =	sadd.s32 $0x1, s22;
	s11 =	sor.u32 $0x1E800, s13;
	v10 =	vbroadcast v10, $0x0;
	s10 =	sadd.s32 $0x9, s25  }
0x12e: {  	p3 =	slt.s32 s22, $0x4;
	s12 =	sor.u32 $0x1E600, s13;
	s25 =	sand.u32 $0x3, s22;
	[tilespmem:s13+$0x1E630] =	vst v11  }
.Ltmp15:
0x12f: {  	_ = 	snop;
	(pc) =	sbr.rel .LBB2_19-.Ltmp15, $1  }
0x130: {  	_ =	sdelay $0x3  }
.LBB2_17:
.Ltmp16:
0x131: {  	(pc) =	sbr.rel .LBB2_19-.Ltmp16, $2  }
0x132: {  	_ =	sdelay $0x2  }
0x133: {  	s26 =	smov.u32 s8  }
.LBB2_21:
0x134: {  	s8 =	simm.s32 @!p0 $0x400;
	s9 =	simm.s32 @!p0 $0x7A1400;
	s10 =	simm.s32 @!p0 $0x1C600  }
0x135: {  	v9 =	vimm.s32 @!p0 $0xD9;
	[tilespmem:s10], [sflag:$0xD] =	stream.strided.gather @!p0 [hbm4b:s15+s8], $0x2000, s9, s8, $0x38;
	[tilespmem:$0x1EA00] =	vst v63  }
0x136: {  	s8 =	simm.s32 @!p0 $0xD  }
0x137: {  	_ =	swait.ge @!p0 [sflag:s8], $0x2000  }
0x138: {  	[sflag:s8] =	ssyncset.done @!p0 $0x0  }
0x139: {  	[sflag:s8] =	ssyncadd.s32 @!p0 $0xFFFFE000;
	s8 =	simm.s32 @!p0 $0xC180  }
0x13a: {  	v10 =	vld.idx.msk @!p0 [tilespmem:v9+s8+$0x0], $0xffff;
	_ =	sdelay $0x4  }
0x13b: {  	(v2sf) =	vpush @!p0 v10, $0x0;
	_ =	sdelay $0xe  }
0x13c: {  	s8 =	spop @!p0 (v2sf)  }
0x13d: {  	p1 =	slt.s32 @!p0 s8, $0x1  }
0x13e: {  	p1 =	por p0, p1  }
.Ltmp17:
0x13f: {  	_ = 	snop;
	(pc) =	sbr.rel @p1 .LBB2_22-.Ltmp17, $3  }
0x140: {  	_ =	sdelay $0x1  }
0x141: {  	s9 =	simm.s32 @!p0 $0xC300  }
0x142: {  	v9 =	vld.idx.msk @!p0 [tilespmem:v9+s9+$0x0], $0xffff  }
0x143: {  	_ =	sdelay $0x3  }
0x144: {  	(v2sf) =	vpush v9, $0x0;
	_ =	sdelay $0x9  }
0x145: {  	s8 =	sadd.s32 $0xFFFFFFFF, s8  }
0x146: {  	p2 =	sne.s32 s8, $0x0  }
.Ltmp18:
0x147: {  	_ = 	snop;
	(pc) =	sbr.rel @!p2 .LBB2_24-.Ltmp18, $3  }
0x148: {  	_ =	sdelay $0x1  }
0x149: {  	s23 =	sand.u32 $0x3, s22;
	s9 =	spop (v2sf)  }
0x14a: {  	p3 =	slt.s32 s22, $0x4;
	p1 =	por $0x0, $0x0;
	s24 =	sadd.s32 $0x8100, s9  }
0x14b: {  	s9 =	sadd.s32 @!p3 $0x9, s23  }
0x14c: {  	_ =	swait.ge @!p3 [sflag:s9], $0x80  }
0x14d: {  	[sflag:s9] =	ssyncset.done @!p3 $0x0  }
0x14e: {  	[sflag:s9] =	ssyncadd.s32 @!p3 $0xFFFFFF80  }
0x14f: {  	v10 =	vld [tilespmem:s24+$0x0];
	_ =	sdelay $0x4  }
0x150: {  	(v2sf) =	vpush v10, $0x0;
	_ =	sdelay $0xe  }
0x151: {  	s25 =	spop (v2sf)  }
0x152: {  	v9 =	vld [tilespmem:s25+$0x0];
	_ =	sdelay $0x4  }
0x153: {  	(v2sf) =	vpush v9, $0x0;
	_ =	sdelay $0xe  }
0x154: {  	s26 =	spop (v2sf)  }
0x155: {  	s9 =	sand.u32 $0x7F, s26  }
0x156: {  	v9 =	vor.u32 s9, v2;
	_ =	sdelay $0x4  }
0x157: {  	v9 =	vld.idx.msk [tilespmem:v9+s20+$0x0], $0xffff  }
0x158: {  	v11 =	vor.u32 s9, v6;
	_ =	sdelay $0x2  }
0x159: {  	s13 =	sshll.u32 s23, $0x7  }
0x15a: {  	[tilespmem:s13+$0x1E600] =	vst v9  }
0x15b: {  	v9 =	vld.idx.msk [tilespmem:v11+s20+$0x0], $0xffff  }
0x15c: {  	v11 =	vor.u32 s9, v7;
	_ =	sdelay $0x3  }
0x15d: {  	[tilespmem:s13+$0x1E610] =	vst v9  }
0x15e: {  	v9 =	vld.idx.msk [tilespmem:v11+s20+$0x0], $0xffff  }
0x15f: {  	v11 =	vor.u32 s9, v8;
	_ =	sdelay $0x3  }
0x160: {  	s9 =	sadd.s32 $0xFFFFFFFF, s8;
	[tilespmem:s13+$0x1E620] =	vst v9  }
0x161: {  	p2 =	sne.s32 s9, $0x0;
	v11 =	vld.idx.msk [tilespmem:v11+s20+$0x0], $0xffff  }
.Ltmp19:
0x162: {  	v9 =	vmov s13;
	(pc) =	sbr.rel @!p2 .LBB2_26-.Ltmp19, $4  }
0x163: {  	_ = 	snop  }
0x164: {  	s10 =	sadd.s32 $0x9, s23;
	s22 =	sadd.s32 $0x1, s22  }
0x165: {  	p1 =	por $0x1, $0x1;
	s11 =	sor.u32 $0x1E800, s13;
	s23 =	sand.u32 $0x3, s22;
	v10 =	vbroadcast v10, $0x0  }
0x166: {  	s12 =	sor.u32 $0x1E600, s13;
	p3 =	slt.s32 s22, $0x4;
	s8 =	smov.u32 s24;
	[tilespmem:s13+$0x1E630] =	vst v11  }
.LBB2_27:
0x167: {  	s9 =	sadd.s32 $0xFFFFFFFF, s9;
	s13 =	sadd.s32 @!p3 $0x9, s23;
	[tilespmem:v9+s2+$0x0] =	vst.idx.msk $0x1, v10;
	s8 =	sadd.s32 $0x1, s8  }
0x168: {  	[hbm4b:s6+s1] =	stream.indirect.scatter [tilespmem:s12], [sflag:s10], $0x80, s11, s1, $0xb8;
	[tilespmem:$0x1EA00] =	vst v63  }
0x169: {  	p2 =	sne.s32 s9, $0x0;
	_ =	swait.ge @!p3 [sflag:s13], $0x80  }
0x16a: {  	[sflag:s13] =	ssyncset.done @!p3 $0x0  }
0x16b: {  	[sflag:s13] =	ssyncadd.s32 @!p3 $0xFFFFFF80  }
0x16c: {  	v10 =	vld [tilespmem:s8+$0x0];
	_ =	sdelay $0x4  }
0x16d: {  	(v2sf) =	vpush v10, $0x0;
	_ =	sdelay $0xe  }
0x16e: {  	s10 =	spop (v2sf)  }
0x16f: {  	v9 =	vld [tilespmem:s10+$0x0];
	_ =	sdelay $0x4  }
0x170: {  	(v2sf) =	vpush v9, $0x0;
	_ =	sdelay $0xe  }
0x171: {  	s10 =	spop (v2sf)  }
0x172: {  	s10 =	sand.u32 $0x7F, s10  }
0x173: {  	v9 =	vor.u32 s10, v2;
	_ =	sdelay $0x4  }
0x174: {  	v9 =	vld.idx.msk [tilespmem:v9+s20+$0x0], $0xffff;
	_ =	sdelay $0x1  }
0x175: {  	v11 =	vor.u32 s10, v6;
	_ =	sdelay $0x2  }
0x176: {  	s13 =	sshll.u32 s23, $0x7  }
0x177: {  	[tilespmem:s13+$0x1E600] =	vst v9  }
0x178: {  	v9 =	vld.idx.msk [tilespmem:v11+s20+$0x0], $0xffff;
	_ =	sdelay $0x1  }
0x179: {  	v11 =	vor.u32 s10, v7;
	_ =	sdelay $0x3  }
0x17a: {  	[tilespmem:s13+$0x1E610] =	vst v9  }
0x17b: {  	v9 =	vld.idx.msk [tilespmem:v11+s20+$0x0], $0xffff;
	_ =	sdelay $0x1  }
0x17c: {  	v11 =	vor.u32 s10, v8;
	_ =	sdelay $0x3  }
0x17d: {  	[tilespmem:s13+$0x1E620] =	vst v9  }
0x17e: {  	v11 =	vld.idx.msk [tilespmem:v11+s20+$0x0], $0xffff;
	_ =	sdelay $0x1  }
.Ltmp20:
0x17f: {  	v9 =	vmov s13;
	(pc) =	sbr.rel @p2 .LBB2_27-.Ltmp20, $3  }
0x180: {  	_ =	sdelay $0x1  }
0x181: {  	s22 =	sadd.s32 $0x1, s22;
	s11 =	sor.u32 $0x1E800, s13;
	v10 =	vbroadcast v10, $0x0;
	s10 =	sadd.s32 $0x9, s23  }
0x182: {  	p3 =	slt.s32 s22, $0x4;
	s12 =	sor.u32 $0x1E600, s13;
	s23 =	sand.u32 $0x3, s22;
	[tilespmem:s13+$0x1E630] =	vst v11  }
.LBB2_28:
0x183: {  	_ =	sdelay $0x3  }
0x184: {  	s9 =	sadd.s32 @!p3 $0x9, s23;
	[tilespmem:v9+s2+$0x0] =	vst.idx.msk @p1 $0x1, v10  }
0x185: {  	[hbm4b:s6+s1] =	stream.indirect.scatter @p1 [tilespmem:s12], [sflag:s10], $0x80, s11, s1, $0xb8;
	[tilespmem:$0x1EA00] =	vst v63  }
0x186: {  	_ =	swait.ge @!p3 [sflag:s9], $0x80  }
0x187: {  	s8 =	sadd.s32 @p1 $0x1, s8;
	[sflag:s9] =	ssyncset.done @!p3 $0x0  }
0x188: {  	s24 =	smov.u32 @p1 s8;
	[sflag:s9] =	ssyncadd.s32 @!p3 $0xFFFFFF80  }
0x189: {  	v9 =	vld [tilespmem:s24+$0x0];
	_ =	sdelay $0x4  }
0x18a: {  	(v2sf) =	vpush v9, $0x0;
	_ =	sdelay $0xe  }
0x18b: {  	s12 =	spop (v2sf)  }
0x18c: {  	v10 =	vld [tilespmem:s12+$0x0];
	_ =	sdelay $0x4  }
0x18d: {  	(v2sf) =	vpush v10, $0x0;
	_ =	sdelay $0xe  }
0x18e: {  	s13 =	spop (v2sf)  }
0x18f: {  	s8 =	sand.u32 $0x7F, s13  }
0x190: {  	v10 =	vor.u32 s8, v2;
	_ =	sdelay $0x4  }
0x191: {  	v10 =	vld.idx.msk [tilespmem:v10+s20+$0x0], $0xffff  }
0x192: {  	v11 =	vor.u32 s8, v6;
	_ =	sdelay $0x2  }
0x193: {  	s24 =	sshll.u32 s23, $0x7  }
0x194: {  	[tilespmem:s24+$0x1E600] =	vst v10  }
0x195: {  	v10 =	vld.idx.msk [tilespmem:v11+s20+$0x0], $0xffff  }
0x196: {  	v11 =	vor.u32 s8, v7;
	_ =	sdelay $0x3  }
0x197: {  	[tilespmem:s24+$0x1E610] =	vst v10  }
0x198: {  	v10 =	vld.idx.msk [tilespmem:v11+s20+$0x0], $0xffff  }
0x199: {  	v11 =	vor.u32 s8, v8;
	_ =	sdelay $0x3  }
0x19a: {  	[tilespmem:s24+$0x1E620] =	vst v10  }
0x19b: {  	v10 =	vld.idx.msk [tilespmem:v11+s20+$0x0], $0xffff  }
0x19c: {  	v11 =	vmov s24;
	_ =	sdelay $0x1  }
.Ltmp21:
0x19d: {  	_ = 	snop;
	(pc) =	sbr.rel .LBB2_29-.Ltmp21, $4  }
0x19e: {  	v9 =	vbroadcast v9, $0x0  }
0x19f: {  	s26 =	sadd.s32 $0x9, s23;
	[tilespmem:s24+$0x1E630] =	vst v10  }
0x1a0: {  	s22 =	sadd.s32 $0x1, s22;
	s25 =	sor.u32 $0x1E800, s24;
	s9 =	sor.u32 $0x1E600, s24;
	[tilespmem:v11+s2+$0x0] =	vst.idx.msk $0x1, v9  }
0x1a1: {  	[hbm4b:s6+s1] =	stream.indirect.scatter [tilespmem:s9], [sflag:s26], $0x80, s25, s1, $0xb8;
	[tilespmem:$0x1EA00] =	vst v63  }
.LBB2_22:
0x1a2: {  	s22 =	smov.u32 @p0 s22  }
.LBB2_29:
0x1a3: {  	p1 =	slt.s32 s22, $0x1  }
.Ltmp22:
0x1a4: {  	_ = 	snop;
	(pc) =	sbr.rel @p1 .LBB2_33-.Ltmp22, $1  }
0x1a5: {  	_ =	sdelay $0x3  }
0x1a6: {  	p1 =	slt.s32 s22, $0x4  }
0x1a7: {  	s22 =	simm.s32 @!p1 $0x4  }
0x1a8: {  	p1 =	sne.s32 s22, $0x1  }
.Ltmp23:
0x1a9: {  	_ = 	snop;
	(pc) =	sbr.rel @!p1 .LBB2_32-.Ltmp23, $4  }
0x1aa: {  	_ = 	snop  }
0x1ab: {  	s8 =	simm.s32 $0x9  }
0x1ac: {  	_ =	swait.ge [sflag:s8], $0x80  }
0x1ad: {  	s9 =	sadd.s32 $0xFFFFFFFF, s22;
	[sflag:s8] =	ssyncset.done $0x0  }
.LBB2_31:
0x1ae: {  	p1 =	sne.s32 s9, $0x1;
	[sflag:s8] =	ssyncadd.s32 $0xFFFFFF80;
	s8 =	sadd.s32 $0x1, s8  }
.Ltmp24:
0x1af: {  	s9 =	sadd.s32 $0xFFFFFFFF, s9;
	(pc) =	sbr.rel @p1 .LBB2_31-.Ltmp24, $3  }
0x1b0: {  	_ =	sdelay $0x1  }
0x1b1: {  	_ =	swait.ge [sflag:s8], $0x80  }
0x1b2: {  	[sflag:s8] =	ssyncset.done $0x0  }
.Ltmp25:
0x1b3: {  	_ = 	snop;
	(pc) =	sbr.rel .LBB2_32-.Ltmp25, $1  }
0x1b4: {  	_ =	sdelay $0x3  }
.LBB2_24:
.Ltmp26:
0x1b5: {  	(pc) =	sbr.rel .LBB2_28-.Ltmp26, $2  }
0x1b6: {  	_ =	sdelay $0x2  }
0x1b7: {  	s8 =	smov.u32 s24  }
.LBB2_26:
.Ltmp27:
0x1b8: {  	(pc) =	sbr.rel .LBB2_28-.Ltmp27, $2  }
0x1b9: {  	_ =	sdelay $0x2  }
0x1ba: {  	s8 =	smov.u32 s24  }
.LBB2_34:
0x1bb: {  	_ =	sfence.sel $0x180000  }
0x1bc: {  	[bflag:$0x0] =	sbarrier.arrive $0xFFFF  }
0x1bd: {  	_ =	strace $0x90000047  }
0x1be: {  	s0 =	stileid.u32;
	[bflag:$0x2] =	sbarrier.arrive $0xFFFF  }
0x1bf: {  	p0 =	sne.s32 s0, $0x0;
	s0 =	rddreg [dreg:$0x3]  }
0x1c0: {  	s0 =	sadd.s32 @!p0 $0x100000, s0  }
0x1c1: {  	[sflag:s0] =	ssyncadd.tile.s32 @!p0 $0x1;
	_ =	shalt  }
.Lfunc_end2:
_tile_overlayer_lowered:
.L_overlay_start_2:
0x1c2: {  	(tag) =	ssettag $0x2  }
0x1c3: {  	s0 =	rddreg [dreg:$0x0];
	s2 =	stileid.u32  }
0x1c4: {  	s1 =	rddreg [dreg:$0x1];
	p0 =	sne.s32 s2, $0x0  }
0x1c5: {  	s3 =	rddreg [dreg:$0x2];
	[bflag:$0x3] =	sbarrier.arrive $0xFFFF;
	s2 =	simm.s32 @!p0 $0x1C0D  }
0x1c6: {  	[timem:s3], [sflag:s2] =	dma.local @!p0 [hbm:s0], s1  }
0x1c7: {  	s0 =	simm.s32 @!p0 $0xD  }
0x1c8: {  	_ =	swait.ge @!p0 [sflag:s0], s1  }
0x1c9: {  	s1 =	ssub.s32 @!p0 $0x0, s1;
	[sflag:s0] =	ssyncset.done @!p0 $0x0  }
0x1ca: {  	[sflag:s0] =	ssyncadd.s32 @!p0 s1  }
0x1cb: {  	[bflag:$0x3] =	sbarrier.arrive $0xFFFF  }
0x1cc: {  	_ =	shalt  }

// kernel: kernel.7.cloned.1.call-start
scs
__scs_entry_jumppad:
0x0: {  	(pc) =	sbr.rel $0x88, $3  }
0x1: {  	(tag) =	ssettag $0x0;
	lr =	simm.s32 $0x1  }
0x2: {  	[smem:$0x3F9E] =	sst lr;
	_ =	strace $0xD0000000  }
0x3: {  	_ = 	snop  }
0x4: {  	_ = 	snop  }
0x5: {  	_ = 	snop  }
0x6: {  	_ = 	snop  }
0x7: {  	_ = 	snop  }
__scs_overlays_trampoline_lowered:
0x8: {  	[smem:$0x3FAD] =	sst s0  }
0x9: {  	[smem:$0x3FAE] =	sst s1  }
0xa: {  	[smem:$0x3FAF] =	sst s2  }
0xb: {  	[smem:$0x3FB0] =	sst s3  }
0xc: {  	[smem:$0x3FB1] =	sst s4  }
0xd: {  	[smem:$0x3FB2] =	sst s5  }
0xe: {  	[smem:$0x3FB3] =	sst s6  }
0xf: {  	[smem:$0x3FB4] =	sst s7  }
0x10: {  	[smem:$0x3FB5] =	sst s8  }
0x11: {  	[smem:$0x3FB6] =	sst s9;
	s0 =	simm.s32 @!p0 $0x0  }
0x12: {  	s1 =	sld [smem:$0x3F9C];
	s0 =	simm.s32 @p0 $0x1  }
0x13: {  	[smem:$0x3FB7] =	sst s0;
	s0 =	simm.s32 @!p1 $0x0  }
0x14: {  	s2 =	sld [smem:$0x3F9B];
	s0 =	simm.s32 @p1 $0x1  }
0x15: {  	[smem:$0x3FB8] =	sst s0;
	s0 =	simm.s32 @!p2 $0x0  }
0x16: {  	s3 =	sld [smem:$0x3FDB];
	s0 =	simm.s32 @p2 $0x1  }
0x17: {  	s4 =	simm.s32 $0x1BF5;
	[smem:$0x3FBA] =	sst s0  }
0x18: {  	s0 =	sld [smem:$0x3F9D];
	_ =	swait.ge [sflag:s4], $0x0  }
0x19: {  	s7 =	sld [smem:$0x3F9E]  }
0x1a: {  	s8 =	sadd.s32 $0xFFFFE003, lr  }
0x1b: {  	s9 =	sadd.s32 $0xFFFFFEF7, lr;
	s5 =	simm.s32 $0xFFFFFFFF;
	p2 =	slt.u32 s8, $0xFFFFF086  }
0x1c: {  	p1 =	slt.u32 s9, $0xF7A;
	s5 =	simm.s32 @!p2 $0x0  }
0x1d: {  	s5 =	simm.s32 @p1 $0x1;
	p0 =	seq.s32 s7, s2  }
0x1e: {  	s7 =	smul.u32 @!p0 $0xF7A, s2;
	p2 =	seq.s32 @!p0 s5, $0x0  }
0x1f: {  	s9 =	smul.u32 $0xF7A, s1;
	s8 =	simm.s32 @!p0 $0x1BF5;
	p2 =	por !p2, p0  }
0x20: {  	[sflag:s8] =	ssyncset.s32 @!p0 $0xFFFFF086;
	s6 =	sadd.s32 @!p0 s3, s7;
	s7 =	simm.s32 @!p0 $0x108  }
0x21: {  	s3 =	sadd.s32 s3, s9;
	s6 =	sadd.s32 @!p0 $0x88, s6;
	s7 =	simm.s32 @p2 $0x1082  }
0x22: {  	[simem:s7], [sflag:s8] =	dma.local @!p0 [hbm:s6], $0xF7A  }
0x23: {  	s9 =	sor.u32 $0xD0000000, s2;
	s6 =	simm.s32 $0x108;
	_ =	swait.ge @!p0 [sflag:s8], $0x0  }
0x24: {  	s3 =	sadd.s32 $0x88, s3;
	s6 =	simm.s32 @!p1 $0x1082;
	[sflag:s4] =	ssyncset.s32 $0xFFFFF086  }
0x25: {  	[simem:s6], [sflag:s4] =	dma.local [hbm:s3], $0xF7A  }
0x26: {  	[smem:$0x3F9E] =	sst s1;
	(tag) =	ssettag s2;
	_ =	strace s9  }
0x27: {  	s1 =	sld [smem:$0x3FAE]  }
0x28: {  	s2 =	sld [smem:$0x3FAF]  }
0x29: {  	s4 =	sld [smem:$0x3FB1]  }
0x2a: {  	p0 =	seq.s32 s5, $0x0;
	s5 =	sld [smem:$0x3FB2]  }
0x2b: {  	s6 =	sld [smem:$0x3FB3]  }
0x2c: {  	s7 =	sld [smem:$0x3FB4]  }
0x2d: {  	s3 =	simm.s32 $0x108;
	s8 =	sld [smem:$0x3FB5]  }
0x2e: {  	s3 =	simm.s32 @!p0 $0x1082;
	s9 =	sld [smem:$0x3FB6]  }
0x2f: {  	lr =	sadd.s32 s0, s3;
	s0 =	sld [smem:$0x3FAD]  }
0x30: {  	s3 =	sld [smem:$0x3FB0]  }
0x31: {  	[smem:$0x3FB9] =	sst s10  }
0x32: {  	s10 =	sld [smem:$0x3FB7];
	_ =	sdelay $0x3  }
0x33: {  	p0 =	seq.s32 s10, $0x1;
	s10 =	sld [smem:$0x3FB9];
	_ =	sdelay $0x3  }
0x34: {  	[smem:$0x3FB9] =	sst s10  }
0x35: {  	s10 =	sld [smem:$0x3FB8];
	_ =	sdelay $0x3  }
0x36: {  	p1 =	seq.s32 s10, $0x1;
	s10 =	sld [smem:$0x3FB9];
	_ =	sdelay $0x3  }
0x37: {  	[smem:$0x3FB9] =	sst s10  }
0x38: {  	s10 =	sld [smem:$0x3FBA]  }
0x39: {  	_ = 	snop;
	(pc) =	sbr.ind lr, $3  }
0x3a: {  	_ = 	snop  }
0x3b: {  	_ = 	snop  }
0x3c: {  	p2 =	seq.s32 s10, $0x1;
	s10 =	sld [smem:$0x3FB9]  }
0x3d: {  	_ =	shalt  }
0x3e: {  	_ =	shalt  }
0x3f: {  	_ =	shalt  }
0x40: {  	_ =	shalt  }
0x41: {  	_ =	shalt  }
0x42: {  	_ =	shalt  }
0x43: {  	_ =	shalt  }
0x44: {  	_ =	shalt  }
0x45: {  	_ =	shalt  }
0x46: {  	_ =	shalt  }
0x47: {  	_ =	shalt  }
0x48: {  	_ =	shalt  }
0x49: {  	_ =	shalt  }
0x4a: {  	_ =	shalt  }
0x4b: {  	_ =	shalt  }
0x4c: {  	_ =	shalt  }
0x4d: {  	_ =	shalt  }
0x4e: {  	_ =	shalt  }
0x4f: {  	_ =	shalt  }
0x50: {  	_ =	shalt  }
0x51: {  	_ =	shalt  }
0x52: {  	_ =	shalt  }
0x53: {  	_ =	shalt  }
0x54: {  	_ =	shalt  }
0x55: {  	_ =	shalt  }
0x56: {  	_ =	shalt  }
0x57: {  	_ =	shalt  }
0x58: {  	_ =	shalt  }
0x59: {  	_ =	shalt  }
0x5a: {  	_ =	shalt  }
0x5b: {  	_ =	shalt  }
0x5c: {  	_ =	shalt  }
0x5d: {  	_ =	shalt  }
0x5e: {  	_ =	shalt  }
0x5f: {  	_ =	shalt  }
0x60: {  	_ =	shalt  }
0x61: {  	_ =	shalt  }
0x62: {  	_ =	shalt  }
0x63: {  	_ =	shalt  }
0x64: {  	_ =	shalt  }
0x65: {  	_ =	shalt  }
0x66: {  	_ =	shalt  }
0x67: {  	_ =	shalt  }
0x68: {  	_ =	shalt  }
0x69: {  	_ =	shalt  }
0x6a: {  	_ =	shalt  }
0x6b: {  	_ =	shalt  }
0x6c: {  	_ =	shalt  }
0x6d: {  	_ =	shalt  }
0x6e: {  	_ =	shalt  }
0x6f: {  	_ =	shalt  }
0x70: {  	_ =	shalt  }
0x71: {  	_ =	shalt  }
0x72: {  	_ =	shalt  }
0x73: {  	_ =	shalt  }
0x74: {  	_ =	shalt  }
0x75: {  	_ =	shalt  }
0x76: {  	_ =	shalt  }
0x77: {  	_ =	shalt  }
0x78: {  	_ =	shalt  }
0x79: {  	_ =	shalt  }
0x7a: {  	_ =	shalt  }
0x7b: {  	_ =	shalt  }
0x7c: {  	_ =	shalt  }
0x7d: {  	_ =	shalt  }
0x7e: {  	_ =	shalt  }
0x7f: {  	_ =	shalt  }
0x80: {  	_ =	shalt  }
0x81: {  	_ =	shalt  }
0x82: {  	_ =	shalt  }
0x83: {  	_ =	shalt  }
0x84: {  	_ =	shalt  }
0x85: {  	_ =	shalt  }
0x86: {  	_ =	shalt  }
0x87: {  	_ =	shalt  }
.Lfunc_end0:
.L_simem_size_0:
called_computation.1_lowered:
.L_overlay_start_0:
0x88: {  	s2 =	sld [smem:$0x3FD9]  }
0x89: {  	s3 =	sld [smem:$0x3FFE];
	_ =	sdelay $0x1  }
0x8a: {  	s1 =	srdreg.scid  }
0x8b: {  	s0 =	sand.u32 $0x1, s1  }
0x8c: {  	s17 =	sshll.u32 s0, $0xA;
	s2 =	sadd.s32 s3, s2  }
0x8d: {  	s2 =	sadd.s32 s2, s17  }
0x8e: {  	[smem:$0x3FC5] =	sst s2  }
0x8f: {  	_ = 	snop  }
0x90: {  	s2 =	sld [smem:$0x3FC9];
	(tm) =	ssettm $0x1  }
0x91: {  	s18 =	sld [smem:$0x3FFB];
	_ =	sdelay $0x3  }
0x92: {  	_ =	strace s18  }
0x93: {  	s3 =	sld [smem:$0x3FFC];
	_ =	sdelay $0x3  }
0x94: {  	_ =	strace s3  }
0x95: {  	s3 =	sld [smem:$0x3FFD];
	_ =	sdelay $0x3  }
0x96: {  	_ =	strace s3  }
0x97: {  	_ =	strace $0x8FFFFFFF  }
0x98: {  	s19 =	sld [smem:$0x3FDB];
	_ =	sdelay $0x1  }
0x99: {  	s4 =	simm.s32 $_scs_section_size  }
0x9a: {  	s5 =	simm.s32 $_size__tile_overlayer_lowered;
	s6 =	simm.s32 $_tile_overlayer_lowered  }
0x9b: {  	s22 =	simm.s32 $0x1BFF;
	s21 =	sshll.u32 s6, $0x1;
	s3 =	sadd.s32 s4, s19  }
0x9c: {  	s7 =	simm.s32 $0x0;
	s20 =	sshll.u32 s5, $0x1;
	s5 =	sadd.s32 s21, s3  }
0x9d: {  	[timem:s7], [sflag:s22] =	dma.local [hbm:s5], s20  }
0x9e: {  	_ =	swait.ge [sflag:s22], s20  }
0x9f: {  	s4 =	ssub.s32 $0x0, s20;
	[sflag:s22] =	ssyncset.done $0x0  }
0xa0: {  	[sflag:s22] =	ssyncadd.s32 s4;
	_ =	sdelay $0x1  }
0xa1: {  	s23 =	simm.s32 $0x1B8B  }
0xa2: {  	_ =	swait.ge [sflag:s23], $0x1  }
0xa3: {  	[sflag:s23] =	ssyncset.done $0x0  }
0xa4: {  	s25 =	simm.s32 $0x1B8E;
	s24 =	sld [smem:$0x3FFE];
	[sflag:s23] =	ssyncadd.s32 $0xFFFFFFFF  }
0xa5: {  	s26 =	simm.s32 $execute0_lowered;
	[smem:$0x3FD2] =	sst s25  }
0xa6: {  	s5 =	sshll.u32 s26, $0x1;
	_ =	strace $0x80000049;
	[dreg:$0x1] =	wrdreg $0xFFFFFFFF  }
0xa7: {  	s28 =	simm.s32 $_size_execute0_lowered;
	s3 =	sadd.s32 s3, s5;
	[dreg:$0x0] =	wrdreg $0x0  }
0xa8: {  	s5 =	sshll.u32 s28, $0x1;
	[dreg:$0x2] =	wrdreg s3  }
0xa9: {  	[dreg:$0x3] =	wrdreg s5  }
0xaa: {  	[dreg:$0x4] =	wrdreg $0xC0  }
0xab: {  	_ =	task [dreg:s7], $0x5FFFF  }
0xac: {  	[dreg:$0x1] =	wrdreg $0xFFFFFFFF  }
0xad: {  	[dreg:$0x0] =	wrdreg $0x60  }
0xae: {  	[dreg:$0x2] =	wrdreg s2  }
0xaf: {  	[dreg:$0x3] =	wrdreg s24  }
0xb0: {  	[dreg:$0x4] =	wrdreg $0x9  }
0xb1: {  	_ =	task.clear_ibuf [dreg:s7], $0x5FFFF;
	_ =	strace $0x90000049  }
0xb2: {  	s29 =	simm.s32 $0x9;
	_ =	strace $0x8000004B  }
0xb3: {  	_ =	swait.ge [sflag:s29], $0x1  }
0xb4: {  	[sflag:s29] =	ssyncadd.s32 $0xFFFFFFFF  }
0xb5: {  	_ =	strace $0x9000004B  }
0xb6: {  	_ =	sfence  }
0xb7: {  	s30 =	sld [smem:$0x0];
	_ =	sdelay $0x2  }
0xb8: {  	s31 =	sshll.u32 s1, $0xD;
	s1 =	sshrl.u32 s1, $0x2  }
0xb9: {  	s3 =	sand.u32 $0x4000, s31;
	s1 =	sadd.s32 s1, s30  }
0xba: {  	s0 =	sor.u32 s3, s0;
	s1 =	sshll.u32 s1, $0x11  }
0xbb: {  	s0 =	sor.u32 s1, s0  }
0xbc: {  	s0 =	sadd.s32 $0x8F2B, s0  }
0xbd: {  	[sflag:s0] =	ssyncadd.remote.s32 $0x1  }
0xbe: {  	_ =	sfence.sel $0xFFFF  }
0xbf: {  	[dreg:$0x0] =	wrdreg $0xFFFFFFFF;
	(pc) =	sbr.abs _section_cstart, $3  }
0xc0: {  	[dreg:$0x1] =	wrdreg $0xFFFFFFFF  }
0xc1: {  	_ =	task.clear_ibuf [dreg:s7], $0x2FFFF;
	_ =	strace $0x9FFFFFFF  }
0xc2: {  	(tm) =	ssettm $0x7FFFFFFF  }
0xc3: {  	_ =	shalt  }
tec
execute0_lowered:
.L_overlay_start_1:
0x0: {  	(tag) =	ssettag $0x1  }
0x1: {  	v0 =	vimm.s32 $0x1380  }
0x2: {  	vm14 =	vcmask $0x300;
	vm13 =	vcmask $0x704;
	vm12 =	vcmask $0xB08  }
0x3: {  	vm11 =	vcmask $0xF0C;
	vm10 =	vcmask $0x1310;
	vm9 =	vcmask $0x1714  }
0x4: {  	vm8 =	vcmask $0x1B18;
	vm7 =	vcmask $0x1F1C;
	vm6 =	vcmask $0x2320  }
0x5: {  	vm5 =	vcmask $0x2724;
	vm4 =	vcmask $0x2B28;
	vm3 =	vcmask $0x2F2C  }
0x6: {  	vm2 =	vcmask $0x3330;
	vm1 =	vcmask $0x3734;
	vm0 =	vcmask $0x3B38  }
0x7: {  	v1 =	vimm.s32 $0x3380;
	v2 =	vimm.s32 $0x5380;
	v3 =	vimm.s32 $0x7380  }
0x8: {  	v0 =	vsel vm14, $0x0, v0;
	v1 =	vsel vm14, $0x2000, v1;
	v2 =	vsel vm14, $0x4000, v2  }
0x9: {  	v3 =	vsel vm14, $0x6000, v3;
	v0 =	vsel vm13, $0x80, v0;
	v1 =	vsel vm13, $0x2080, v1  }
0xa: {  	v2 =	vsel vm13, $0x4080, v2;
	v3 =	vsel vm13, $0x6080, v3;
	v0 =	vsel vm12, $0x100, v0  }
0xb: {  	v1 =	vsel vm12, $0x2100, v1;
	v2 =	vsel vm12, $0x4100, v2;
	v3 =	vsel vm12, $0x6100, v3  }
0xc: {  	v0 =	vsel vm11, $0x180, v0;
	v1 =	vsel vm11, $0x2180, v1;
	v2 =	vsel vm11, $0x4180, v2  }
0xd: {  	v3 =	vsel vm11, $0x6180, v3;
	v0 =	vsel vm10, $0x200, v0;
	v1 =	vsel vm10, $0x2200, v1  }
0xe: {  	v2 =	vsel vm10, $0x4200, v2;
	v3 =	vsel vm10, $0x6200, v3;
	v0 =	vsel vm9, $0x280, v0  }
0xf: {  	v1 =	vsel vm9, $0x2280, v1;
	v2 =	vsel vm9, $0x4280, v2;
	v3 =	vsel vm9, $0x6280, v3  }
0x10: {  	s3 =	rddreg [dreg:$0x0];
	v0 =	vsel vm8, $0x300, v0;
	v1 =	vsel vm8, $0x2300, v1;
	v2 =	vsel vm8, $0x4300, v2  }
0x11: {  	s4 =	rddreg [dreg:$0x1];
	v3 =	vsel vm8, $0x6300, v3;
	v0 =	vsel vm7, $0x380, v0;
	v1 =	vsel vm7, $0x2380, v1  }
0x12: {  	s0 =	rddreg [dreg:$0x2];
	s5 =	srdreg.scid;
	v2 =	vsel vm7, $0x4380, v2;
	v3 =	vsel vm7, $0x6380, v3;
	v0 =	vsel vm6, $0x1000, v0  }
0x13: {  	s1 =	stileid.u32;
	s2 =	simm.s32 $0x0;
	s10 =	simm.s32 $0x2;
	v1 =	vsel vm6, $0x3000, v1;
	v2 =	vsel vm6, $0x5000, v2;
	v3 =	vsel vm6, $0x7000, v3  }
0x14: {  	s11 =	simm.s32 $0x1;
	s12 =	simm.s32 $0x18000;
	s13 =	simm.s32 $0x3;
	v0 =	vsel vm5, $0x1080, v0;
	v1 =	vsel vm5, $0x3080, v1;
	v2 =	vsel vm5, $0x5080, v2  }
0x15: {  	s5 =	sand.u32 $0x1, s5;
	s6 =	sshll.u32 s1, $0x1;
	[smem:$0x7FF] =	sst s2;
	v3 =	vsel vm5, $0x7080, v3;
	v0 =	vsel vm4, $0x1100, v0;
	v1 =	vsel vm4, $0x3100, v1  }
0x16: {  	s14 =	simm.s32 $0x0;
	s6 =	sor.u32 s5, s6;
	_ =	strace $0x8000004A;
	v2 =	vsel vm4, $0x5100, v2;
	v3 =	vsel vm4, $0x7100, v3;
	v0 =	vsel vm3, $0x1180, v0  }
0x17: {  	s5 =	ssub.s32 $0x2, s5;
	s7 =	sshll.u32 s6, $0xD;
	s8 =	sshll.u32 s6, $0x4;
	v1 =	vsel vm3, $0x3180, v1;
	v2 =	vsel vm3, $0x5180, v2;
	v3 =	vsel vm3, $0x7180, v3  }
0x18: {  	s9 =	sshrl.u32 s5, $0x1;
	s31 =	sshll.u32 s6, $0x9;
	s7 =	sadd.s32 s7, s4;
	v0 =	vsel vm2, $0x1200, v0;
	v1 =	vsel vm2, $0x3200, v1;
	v2 =	vsel vm2, $0x5200, v2  }
0x19: {  	s8 =	sadd.s32 s8, s4;
	s9 =	ssub.s32 s5, s9;
	s3 =	sadd.s32 s3, s31;
	v3 =	vsel vm2, $0x7200, v3;
	v0 =	vsel vm1, $0x1280, v0;
	v1 =	vsel vm1, $0x3280, v1  }
0x1a: {  	s4 =	sadd.s32 $0x400, s7;
	s5 =	sadd.s32 $0x40400, s8;
	s6 =	smax.u32 s9, $0x1;
	v2 =	vsel vm1, $0x5280, v2;
	v3 =	vsel vm1, $0x7280, v3;
	v0 =	vsel vm0, $0x1300, v0  }
0x1b: {  	s7 =	simm.s32 $0x1000;
	s8 =	simm.s32 $0x20000;
	s9 =	simm.s32 $0x8000;
	v1 =	vsel vm0, $0x3300, v1;
	v2 =	vsel vm0, $0x5300, v2;
	v3 =	vsel vm0, $0x7300, v3  }
.LBB2_1:
0x1c: {  	[tilespmem:s2], [sflag:$0x1] =	stream.strided.gather [hbm4b:s3+s7], $0x8000, s8, s7, $0x38;
	[tilespmem:$0x18080] =	vst v63  }
0x1d: {  	_ = 	snop  }
0x1e: {  	[tilespmem:s9], [sflag:$0x2] =	stream.linear.gather [hbm4b:s4+s2], $0x10000, $0x38;
	[tilespmem:$0x18080] =	vst v63  }
0x1f: {  	_ =	swait.ge [sflag:s10], $0x10000  }
0x20: {  	[sflag:s10] =	ssyncset.done $0x0  }
0x21: {  	[sflag:s10] =	ssyncadd.s32 $0xFFFF0000  }
0x22: {  	_ =	swait.ge [sflag:s11], $0x8000  }
0x23: {  	[sflag:s11] =	ssyncset.done $0x0  }
0x24: {  	s15 =	simm.s32 $0x8400;
	s16 =	simm.s32 $0xF;
	[sflag:s11] =	ssyncadd.s32 $0xFFFF8000  }
0x25: {  	v8 =	vmov s16;
	v4 =	vld [tilespmem:s15+$0x2A0]  }
0x26: {  	v9 =	vshll.u32 v8, $0x3  }
0x27: {  	v8 =	vand.u32 $0x7F, v8;
	v9 =	vand.u32 $0xC00, v9  }
0x28: {  	v8 =	vor.u32 v8, v9  }
0x29: {  	v10 =	vor.u32 v0, v8  }
0x2a: {  	s31 =	simm.s32 $0xE;
	v12 =	vor.u32 v1, v8;
	v13 =	vor.u32 v2, v8;
	v8 =	vor.u32 v3, v8;
	[tilespmem:$0x1FD00] =	vst v4;
	v4 =	vld [tilespmem:s15+$0x2B0]  }
0x2b: {  	v9 =	vmov s31  }
0x2c: {  	v11 =	vshll.u32 v9, $0x3  }
0x2d: {  	v9 =	vand.u32 $0x7E, v9;
	v11 =	vand.u32 $0xC00, v11  }
0x2e: {  	v9 =	vor.u32 v9, v11  }
0x2f: {  	v15 =	vor.u32 v0, v9;
	[tilespmem:$0x1FD30] =	vst v4;
	v4 =	vld.idx.msk [tilespmem:v8+s2+$0x0], $0xffff;
	_ =	sdelay $0x1  }
0x30: {  	s17 =	simm.s32 $0xD  }
0x31: {  	v11 =	vmov s17  }
0x32: {  	v21 =	vshll.u32 v11, $0x3;
	v38 =	vld.idx.msk [tilespmem:v10+s2+$0x0], $0xffff  }
0x33: {  	v10 =	vand.u32 $0x7D, v11;
	v11 =	vand.u32 $0xC00, v21;
	v21 =	vor.u32 v2, v9;
	[tilespmem:$0x1FC90] =	vst v4;
	v4 =	vld.idx.msk [tilespmem:v15+s2+$0x0], $0xffff;
	_ =	sdelay $0x4  }
0x34: {  	v29 =	vor.u32 v1, v9;
	v9 =	vor.u32 v3, v9;
	[tilespmem:$0x1FC70] =	vst v4;
	v4 =	vld.idx.msk [tilespmem:v21+s2+$0x0], $0xffff;
	_ =	sdelay $0x3  }
0x35: {  	v10 =	vor.u32 v10, v11  }
0x36: {  	v15 =	vor.u32 v2, v10;
	[tilespmem:$0x1FCC0] =	vst v4;
	v4 =	vld.idx.msk [tilespmem:v9+s2+$0x0], $0xffff;
	_ =	sdelay $0x2  }
0x37: {  	v22 =	vld.idx.msk [tilespmem:v12+s2+$0x0], $0xffff  }
0x38: {  	v54 =	vld.idx.msk [tilespmem:v13+s2+$0x0], $0xffff;
	v12 =	vor.u32 v0, v10  }
0x39: {  	s18 =	simm.s32 $0xC;
	v13 =	vor.u32 v1, v10;
	v10 =	vor.u32 v3, v10;
	[tilespmem:$0x1FCE0] =	vst v4;
	v4 =	vld.idx.msk [tilespmem:v15+s2+$0x0], $0xffff  }
0x3a: {  	v11 =	vmov s18  }
0x3b: {  	v8 =	vshll.u32 v11, $0x3  }
0x3c: {  	v11 =	vand.u32 $0x7C, v11;
	v8 =	vand.u32 $0xC00, v8  }
0x3d: {  	v30 =	vld.idx.msk [tilespmem:v12+s2+$0x0], $0xffff;
	v8 =	vor.u32 v11, v8  }
0x3e: {  	v12 =	vor.u32 v2, v8;
	[tilespmem:$0x1FD10] =	vst v4;
	v4 =	vld.idx.msk [tilespmem:v10+s2+$0x0], $0xffff;
	_ =	sdelay $0x3  }
0x3f: {  	v21 =	vor.u32 v0, v8  }
0x40: {  	s19 =	simm.s32 $0xB;
	v31 =	vor.u32 v1, v8;
	v8 =	vor.u32 v3, v8;
	[tilespmem:$0x1FD40] =	vst v4;
	v4 =	vld.idx.msk [tilespmem:v12+s2+$0x0], $0xffff  }
0x41: {  	v11 =	vmov s19  }
0x42: {  	v9 =	vshll.u32 v11, $0x3  }
0x43: {  	v11 =	vand.u32 $0x7B, v11;
	v9 =	vand.u32 $0xC00, v9  }
0x44: {  	v63 =	vld.idx.msk [tilespmem:v21+s2+$0x0], $0xffff;
	v9 =	vor.u32 v11, v9  }
0x45: {  	v21 =	vor.u32 v2, v9;
	[tilespmem:$0x1FD60] =	vst v4;
	v4 =	vld.idx.msk [tilespmem:v8+s2+$0x0], $0xffff;
	_ =	sdelay $0x3  }
0x46: {  	s20 =	simm.s32 $0xA;
	v52 =	vld.idx.msk [tilespmem:v13+s2+$0x0], $0xffff;
	v13 =	vor.u32 v0, v9  }
0x47: {  	v11 =	vmov s20;
	v15 =	vor.u32 v1, v9;
	v9 =	vor.u32 v3, v9;
	[tilespmem:$0x1FD80] =	vst v4;
	v4 =	vld.idx.msk [tilespmem:v21+s2+$0x0], $0xffff  }
0x48: {  	v10 =	vshll.u32 v11, $0x3  }
0x49: {  	v11 =	vand.u32 $0x7A, v11;
	v10 =	vand.u32 $0xC00, v10  }
0x4a: {  	v62 =	vld.idx.msk [tilespmem:v31+s2+$0x0], $0xffff;
	v10 =	vor.u32 v11, v10  }
0x4b: {  	s21 =	simm.s32 $0x9;
	v61 =	vld.idx.msk [tilespmem:v13+s2+$0x0], $0xffff;
	v31 =	vor.u32 v1, v10;
	v12 =	vor.u32 v0, v10  }
0x4c: {  	v11 =	vmov s21;
	v13 =	vor.u32 v2, v10;
	v10 =	vor.u32 v3, v10;
	[tilespmem:$0x1FDA0] =	vst v4;
	v4 =	vld.idx.msk [tilespmem:v9+s2+$0x0], $0xffff  }
0x4d: {  	v8 =	vshll.u32 v11, $0x3  }
0x4e: {  	v11 =	vand.u32 $0x79, v11;
	v8 =	vand.u32 $0xC00, v8  }
0x4f: {  	v60 =	vld.idx.msk [tilespmem:v15+s2+$0x0], $0xffff;
	v8 =	vor.u32 v11, v8  }
0x50: {  	v58 =	vld.idx.msk [tilespmem:v12+s2+$0x0], $0xffff;
	v15 =	vor.u32 v0, v8;
	v12 =	vor.u32 v2, v8  }
0x51: {  	s22 =	simm.s32 $0x8;
	v21 =	vor.u32 v1, v8;
	v8 =	vor.u32 v3, v8;
	[tilespmem:$0x1FDC0] =	vst v4;
	v4 =	vld.idx.msk [tilespmem:v10+s2+$0x0], $0xffff  }
0x52: {  	v11 =	vmov s22  }
0x53: {  	v9 =	vshll.u32 v11, $0x3  }
0x54: {  	v11 =	vand.u32 $0x78, v11;
	v9 =	vand.u32 $0xC00, v9  }
0x55: {  	v51 =	vld.idx.msk [tilespmem:v31+s2+$0x0], $0xffff;
	v9 =	vor.u32 v11, v9  }
0x56: {  	v31 =	vor.u32 v1, v9;
	[tilespmem:$0x1FDE0] =	vst v4;
	v4 =	vld.idx.msk [tilespmem:v8+s2+$0x0], $0xffff;
	_ =	sdelay $0x3  }
0x57: {  	v53 =	vld.idx.msk [tilespmem:v15+s2+$0x0], $0xffff  }
0x58: {  	v15 =	vor.u32 v2, v9;
	[tilespmem:$0x1FE10] =	vst v4;
	v4 =	vld.idx.msk [tilespmem:v31+s2+$0x0], $0xffff;
	_ =	sdelay $0x3  }
0x59: {  	v50 =	vld.idx.msk [tilespmem:v13+s2+$0x0], $0xffff  }
0x5a: {  	s23 =	simm.s32 $0x7;
	v13 =	vor.u32 v0, v9;
	v9 =	vor.u32 v3, v9;
	[tilespmem:$0x1FE40] =	vst v4;
	v4 =	vld.idx.msk [tilespmem:v15+s2+$0x0], $0xffff  }
0x5b: {  	v11 =	vmov s23  }
0x5c: {  	v10 =	vshll.u32 v11, $0x3  }
0x5d: {  	v11 =	vand.u32 $0x77, v11;
	v10 =	vand.u32 $0xC00, v10  }
0x5e: {  	v46 =	vld.idx.msk [tilespmem:v12+s2+$0x0], $0xffff;
	v10 =	vor.u32 v11, v10  }
0x5f: {  	v12 =	vor.u32 v0, v10;
	[tilespmem:$0x1FE50] =	vst v4;
	v4 =	vld.idx.msk [tilespmem:v9+s2+$0x0], $0xffff;
	_ =	sdelay $0x3  }
0x60: {  	v48 =	vld.idx.msk [tilespmem:v21+s2+$0x0], $0xffff  }
0x61: {  	v21 =	vor.u32 v1, v10;
	[tilespmem:$0x1FE80] =	vst v4;
	v4 =	vld.idx.msk [tilespmem:v12+s2+$0x0], $0xffff;
	_ =	sdelay $0x2  }
0x62: {  	v34 =	vld [tilespmem:s15+$0x390]  }
0x63: {  	v44 =	vld.idx.msk [tilespmem:v13+s2+$0x0], $0xffff  }
0x64: {  	s24 =	simm.s32 $0x6;
	v13 =	vor.u32 v2, v10;
	v10 =	vor.u32 v3, v10;
	[tilespmem:$0x1FE70] =	vst v4;
	v4 =	vld.idx.msk [tilespmem:v21+s2+$0x0], $0xffff  }
0x65: {  	v11 =	vmov s24  }
0x66: {  	v36 =	vld [tilespmem:s15+$0x3A0];
	v8 =	vshll.u32 v11, $0x3  }
0x67: {  	v11 =	vand.u32 $0x76, v11;
	v8 =	vand.u32 $0xC00, v8  }
0x68: {  	v8 =	vor.u32 v11, v8  }
0x69: {  	v22 =	vsub.f32 v22, v34;
	v15 =	vor.u32 v0, v8;
	[tilespmem:$0x1FEA0] =	vst v4;
	v4 =	vld.idx.msk [tilespmem:v10+s2+$0x0], $0xffff;
	_ =	sdelay $0x1  }
0x6a: {  	[tilespmem:$0x1FC50] =	vst v22;
	v22 =	vsub.f32 v54, v36  }
0x6b: {  	v40 =	vld [tilespmem:s15+$0x300]  }
0x6c: {  	[tilespmem:$0x1FC60] =	vst v22;
	v22 =	vld [tilespmem:$0x1FC70]  }
0x6d: {  	v31 =	vor.u32 v1, v8;
	[tilespmem:$0x1FEE0] =	vst v4;
	v4 =	vld.idx.msk [tilespmem:v15+s2+$0x0], $0xffff;
	_ =	sdelay $0x3  }
0x6e: {  	v33 =	vld [tilespmem:s15+$0x3B0];
	v22 =	vsub.f32 v22, v40  }
0x6f: {  	v12 =	vor.u32 v2, v8;
	[tilespmem:$0x1FEC0] =	vst v4;
	v4 =	vld.idx.msk [tilespmem:v31+s2+$0x0], $0xffff  }
0x70: {  	[tilespmem:$0x1FC80] =	vst v22;
	v22 =	vld [tilespmem:$0x1FC90];
	_ =	sdelay $0x1  }
0x71: {  	v39 =	vld [tilespmem:s15+$0x310]  }
0x72: {  	s25 =	simm.s32 $0x5;
	v35 =	vld.idx.msk [tilespmem:v29+s2+$0x0], $0xffff  }
0x73: {  	v11 =	vmov s25;
	v8 =	vor.u32 v3, v8;
	[tilespmem:$0x1FEF0] =	vst v4;
	v4 =	vld.idx.msk [tilespmem:v12+s2+$0x0], $0xffff  }
0x74: {  	v22 =	vsub.f32 v22, v33;
	v9 =	vshll.u32 v11, $0x3  }
0x75: {  	v11 =	vand.u32 $0x75, v11;
	v9 =	vand.u32 $0xC00, v9  }
0x76: {  	[tilespmem:$0x1FCA0] =	vst v22;
	v9 =	vor.u32 v11, v9  }
0x77: {  	v22 =	vsub.f32 v35, v39;
	v57 =	vld.idx.msk [tilespmem:v13+s2+$0x0], $0xffff;
	v13 =	vor.u32 v0, v9;
	v21 =	vor.u32 v1, v9  }
0x78: {  	s26 =	simm.s32 $0x4;
	v15 =	vor.u32 v2, v9;
	v9 =	vor.u32 v3, v9;
	[tilespmem:$0x1FF00] =	vst v4;
	v4 =	vld.idx.msk [tilespmem:v8+s2+$0x0], $0xffff  }
0x79: {  	v41 =	vld [tilespmem:s15+$0x320];
	v11 =	vmov s26  }
0x7a: {  	[tilespmem:$0x1FCB0] =	vst v22;
	v22 =	vld [tilespmem:$0x1FCC0];
	v10 =	vshll.u32 v11, $0x3  }
0x7b: {  	v11 =	vand.u32 $0x74, v11;
	v10 =	vand.u32 $0xC00, v10  }
0x7c: {  	v10 =	vor.u32 v11, v10  }
0x7d: {  	v12 =	vor.u32 v0, v10;
	[tilespmem:$0x1FF20] =	vst v4;
	v4 =	vld.idx.msk [tilespmem:v9+s2+$0x0], $0xffff;
	_ =	sdelay $0x1  }
0x7e: {  	v22 =	vsub.f32 v22, v41  }
0x7f: {  	v43 =	vld [tilespmem:s15+$0x330]  }
0x80: {  	[tilespmem:$0x1FCD0] =	vst v22;
	v22 =	vld [tilespmem:$0x1FCE0]  }
0x81: {  	s28 =	simm.s32 $0x3;
	[tilespmem:$0x1FF60] =	vst v4;
	v4 =	vld.idx.msk [tilespmem:v12+s2+$0x0], $0xffff  }
0x82: {  	v56 =	vld [tilespmem:s15+$0x280];
	v11 =	vmov s28  }
0x83: {  	v8 =	vshll.u32 v11, $0x3  }
0x84: {  	v49 =	vld.idx.msk [tilespmem:v13+s2+$0x0], $0xffff;
	v13 =	vor.u32 v2, v10;
	v11 =	vand.u32 $0x73, v11;
	v8 =	vand.u32 $0xC00, v8  }
0x85: {  	v31 =	vor.u32 v1, v10;
	v10 =	vor.u32 v3, v10;
	v11 =	vor.u32 v11, v8  }
0x86: {  	v32 =	vld [tilespmem:s15+$0x380];
	v22 =	vsub.f32 v22, v43;
	[tilespmem:$0x1FF50] =	vst v4;
	v4 =	vor.u32 v2, v11  }
0x87: {  	v34 =	vsub.f32 v30, v56;
	v30 =	vld [tilespmem:$0x1FD10]  }
0x88: {  	[tilespmem:$0x1FCF0] =	vst v22;
	v22 =	vld [tilespmem:$0x1FD00]  }
0x89: {  	v47 =	vld.idx.msk [tilespmem:v15+s2+$0x0], $0xffff  }
0x8a: {  	v15 =	vld.idx.msk [tilespmem:v10+s2+$0x0], $0xffff  }
0x8b: {  	v10 =	vld.idx.msk [tilespmem:v4+s2+$0x0], $0xffff  }
0x8c: {  	v4 =	vld [tilespmem:s15+$0x200];
	_ =	sdelay $0x1  }
0x8d: {  	v22 =	vsub.f32 v30, v22  }
0x8e: {  	v32 =	vsub.f32 v38, v32  }
0x8f: {  	[tilespmem:$0x1FD20] =	vst v22;
	v22 =	vld [tilespmem:$0x1FD40]  }
0x90: {  	[tilespmem:$0x1FC40] =	vst v32;
	v32 =	vsub.f32 v63, v4;
	v4 =	vld [tilespmem:$0x1FD30];
	_ =	sdelay $0x4  }
0x91: {  	v4 =	vsub.f32 v22, v4  }
0x92: {  	v7 =	vld [tilespmem:s15+$0x220]  }
0x93: {  	[tilespmem:$0x1FD50] =	vst v4;
	v4 =	vld [tilespmem:$0x1FD60];
	_ =	sdelay $0x4  }
0x94: {  	v4 =	vsub.f32 v4, v7  }
0x95: {  	v18 =	vld [tilespmem:s15+$0x230]  }
0x96: {  	[tilespmem:$0x1FD70] =	vst v4;
	v4 =	vld [tilespmem:$0x1FD80];
	_ =	sdelay $0x2  }
0x97: {  	v59 =	vld [tilespmem:s15+$0x290]  }
0x98: {  	v6 =	vld [tilespmem:s15+$0x180]  }
0x99: {  	v14 =	vld [tilespmem:s15+$0x190];
	v4 =	vsub.f32 v4, v18  }
0x9a: {  	v17 =	vld [tilespmem:s15+$0x1A0]  }
0x9b: {  	[tilespmem:$0x1FD90] =	vst v4;
	v4 =	vld [tilespmem:$0x1FDA0]  }
0x9c: {  	v24 =	vld [tilespmem:s15+$0x1B0]  }
0x9d: {  	v16 =	vld [tilespmem:s15+$0x100]  }
0x9e: {  	v19 =	vld [tilespmem:s15+$0x110]  }
0x9f: {  	v23 =	vld [tilespmem:s15+$0x120]  }
0xa0: {  	v26 =	vld [tilespmem:s15+$0x130];
	v4 =	vsub.f32 v4, v17  }
0xa1: {  	v20 =	vld [tilespmem:s15+$0x80]  }
0xa2: {  	[tilespmem:$0x1FDB0] =	vst v4;
	v4 =	vld [tilespmem:$0x1FDC0]  }
0xa3: {  	v25 =	vld [tilespmem:s15+$0x90];
	v5 =	vor.u32 v1, v11  }
0xa4: {  	v28 =	vld [tilespmem:s15+$0xA0]  }
0xa5: {  	v27 =	vld [tilespmem:s15+$0x0]  }
0xa6: {  	v42 =	vld [tilespmem:s15+$0x30]  }
0xa7: {  	v9 =	vld.idx.msk [tilespmem:v13+s2+$0x0], $0xffff;
	v4 =	vsub.f32 v4, v24  }
0xa8: {  	v13 =	vld.idx.msk [tilespmem:v5+s2+$0x0], $0xffff  }
0xa9: {  	[tilespmem:$0x1FDD0] =	vst v4;
	v4 =	vld [tilespmem:$0x1FDE0]  }
0xaa: {  	v5 =	vld [tilespmem:s15+$0x210]  }
0xab: {  	v37 =	vld [tilespmem:s15+$0xFFFFFF80]  }
0xac: {  	v45 =	vld [tilespmem:s15+$0xFFFFFF90]  }
0xad: {  	v29 =	vld [tilespmem:s15+$0xB0]  }
0xae: {  	v61 =	vsub.f32 v61, v6;
	v6 =	vld [tilespmem:$0x1FE10];
	v4 =	vsub.f32 v4, v26  }
0xaf: {  	s29 =	simm.s32 $0x1;
	v38 =	vld [tilespmem:s15+$0xFFFFFFA0];
	v62 =	vsub.f32 v62, v5;
	v5 =	vsub.f32 v46, v28  }
0xb0: {  	v55 =	vld.idx.msk [tilespmem:v21+s2+$0x0], $0xffff;
	[tilespmem:$0x1FDF0] =	vst v4;
	v4 =	vmov s29  }
0xb1: {  	v8 =	vld.idx.msk [tilespmem:v31+s2+$0x0], $0xffff;
	v21 =	vor.u32 v0, v11;
	[tilespmem:$0x1FE00] =	vst v5;
	v5 =	vshll.u32 v4, $0x3  }
0xb2: {  	v31 =	vld [tilespmem:s15+$0x10];
	v4 =	vand.u32 $0x71, v4;
	v5 =	vand.u32 $0xC00, v5  }
0xb3: {  	v6 =	vsub.f32 v6, v29;
	v29 =	vor.u32 v4, v5;
	v4 =	vld [tilespmem:$0x1FE40]  }
0xb4: {  	v54 =	vld [tilespmem:s15+$0xFFFFFFB0]  }
0xb5: {  	v58 =	vsub.f32 v58, v16;
	v16 =	vld [tilespmem:s15+$0xFFFFFD00]  }
0xb6: {  	v12 =	vld.idx.msk [tilespmem:v21+s2+$0x0], $0xffff  }
0xb7: {  	v21 =	vld [tilespmem:s15+$0x20];
	v63 =	vsub.f32 v50, v23  }
0xb8: {  	v50 =	vsub.f32 v44, v27;
	v44 =	vsub.f32 v4, v31;
	v4 =	vld [tilespmem:$0x1FE50]  }
0xb9: {  	v36 =	vld [tilespmem:s15+$0xFFFFFF00]  }
0xba: {  	v40 =	vld [tilespmem:s15+$0xFFFFFF10]  }
0xbb: {  	[tilespmem:$0x1FED0] =	vst v16;
	v16 =	vld [tilespmem:s15+$0xFFFFFD20]  }
0xbc: {  	v22 =	vld [tilespmem:s15+$0xFFFFFD30]  }
0xbd: {  	v52 =	vsub.f32 v52, v59;
	v59 =	vsub.f32 v4, v21;
	v4 =	vld [tilespmem:s15+$0xFFFFFD90]  }
0xbe: {  	v41 =	vld [tilespmem:s15+$0xFFFFFF30]  }
0xbf: {  	[tilespmem:$0x1FE20] =	vst v6;
	v6 =	vld [tilespmem:s15+$0xFFFFFD80]  }
0xc0: {  	[tilespmem:$0x1FF10] =	vst v16;
	v16 =	vld [tilespmem:$0x1FF20]  }
0xc1: {  	[tilespmem:$0x1FF30] =	vst v22;
	v22 =	vld [tilespmem:s15+$0xFFFFFC80]  }
0xc2: {  	[tilespmem:$0x1FE60] =	vst v4;
	v4 =	vld [tilespmem:$0x1FE70]  }
0xc3: {  	v18 =	vld [tilespmem:s15+$0xFFFFFEA0]  }
0xc4: {  	v39 =	vld [tilespmem:s15+$0xFFFFFF20]  }
0xc5: {  	s30 =	simm.s32 $0x2;
	s31 =	simm.s32 $0x0;
	v51 =	vsub.f32 v51, v19;
	[tilespmem:$0x1FE30] =	vst v6;
	v6 =	vld [tilespmem:s15+$0xFFFFFDB0]  }
0xc6: {  	v19 =	vld [tilespmem:s15+$0xFFFFFE00];
	v7 =	vmov s30;
	[tilespmem:$0x1FF40] =	vst v22;
	v22 =	vimm.f32 $0.0e+00;
	v17 =	vmov s31  }
0xc7: {  	v43 =	vld [tilespmem:s15+$0xFFFFFEB0];
	v23 =	vshll.u32 v17, $0x3;
	v17 =	vand.u32 $0x70, v17;
	v4 =	vsub.f32 v4, v37  }
0xc8: {  	[tilespmem:$0x1FF90] =	vst v22;
	v22 =	vld [tilespmem:s15+$0xFFFFFC10];
	v37 =	vsub.f32 v16, v41;
	v41 =	vsub.f32 v47, v18;
	v18 =	vand.u32 $0xC00, v23  }
0xc9: {  	v60 =	vsub.f32 v60, v14;
	v14 =	vshll.u32 v7, $0x3;
	v17 =	vor.u32 v17, v18;
	v18 =	vld [tilespmem:$0x1FF50]  }
0xca: {  	[tilespmem:$0x1FEB0] =	vst v6;
	v6 =	vld [tilespmem:$0x1FEC0];
	v7 =	vand.u32 $0x72, v7;
	v14 =	vand.u32 $0xC00, v14  }
0xcb: {  	v53 =	vsub.f32 v53, v20;
	v20 =	vor.u32 v7, v14;
	v7 =	vld [tilespmem:$0x1FEE0]  }
0xcc: {  	v5 =	vld [tilespmem:$0x1FE80]  }
0xcd: {  	[tilespmem:$0x1FFA0] =	vst v22;
	v22 =	vld [tilespmem:s15+$0xFFFFFC20]  }
0xce: {  	v18 =	vsub.f32 v18, v19;
	v19 =	vld [tilespmem:$0x1FF60]  }
0xcf: {  	v14 =	vld [tilespmem:$0x1FF00]  }
0xd0: {  	v57 =	vsub.f32 v57, v38;
	v38 =	vsub.f32 v7, v54;
	v7 =	vld [tilespmem:$0x1FEF0]  }
0xd1: {  	v21 =	vsub.f32 v5, v42;
	v5 =	vld [tilespmem:s15+$0xFFFFFDA0]  }
0xd2: {  	[tilespmem:$0x1FFB0] =	vst v22;
	v22 =	vld [tilespmem:s15+$0xFFFFFC30]  }
0xd3: {  	v43 =	vsub.f32 v19, v43;
	v19 =	vld [tilespmem:s15+$0xFFFFFC90]  }
0xd4: {  	v30 =	vld [tilespmem:s15+$0xFFFFFE80]  }
0xd5: {  	v33 =	vld [tilespmem:s15+$0xFFFFFE90]  }
0xd6: {  	v11 =	vor.u32 v3, v11;
	[tilespmem:$0x1FE90] =	vst v5;
	v5 =	vld [tilespmem:$0x1FEA0]  }
0xd7: {  	v56 =	vld [tilespmem:s15+$0xFFFFFE20];
	v48 =	vsub.f32 v48, v25;
	v6 =	vsub.f32 v6, v36;
	v25 =	vor.u32 v2, v20;
	[tilespmem:$0x1FFC0] =	vst v22  }
0xd8: {  	v7 =	vsub.f32 v7, v40;
	v40 =	vsub.f32 v14, v39;
	v22 =	vimm.f32 $0.0e+00;
	[tilespmem:$0x1FF70] =	vst v19;
	v19 =	vld [tilespmem:s15+$0xFFFFFC00]  }
0xd9: {  	v35 =	vld [tilespmem:s15+$0xFFFFFE10];
	v14 =	vsub.f32 v49, v30;
	[tilespmem:$0x1FFD0] =	vst v22;
	v22 =	vimm.f32 $0.0e+00;
	v24 =	vor.u32 v1, v20  }
0xda: {  	v46 =	vld [tilespmem:s15+$0xFFFFFE30];
	[tilespmem:$0x1FFE0] =	vst v22;
	v22 =	vimm.f32 $0.0e+00;
	v26 =	vor.u32 v3, v20;
	v27 =	vor.u32 v0, v29  }
0xdb: {  	v11 =	vld.idx.msk [tilespmem:v11+s2+$0x0], $0xffff;
	v28 =	vor.u32 v1, v29;
	v5 =	vsub.f32 v5, v45;
	v16 =	vsub.f32 v55, v33  }
0xdc: {  	v54 =	vld [tilespmem:s15+$0xFFFFFD10];
	[tilespmem:$0x1FFF0] =	vst v22;
	v23 =	vor.u32 v0, v20;
	v20 =	vor.u32 v2, v29;
	v33 =	vor.u32 v0, v17  }
0xdd: {  	s16 =	simm.s32 $0x1F;
	v55 =	vld [tilespmem:s15+$0xFFFFFCA0];
	v30 =	vor.u32 v1, v17;
	[tilespmem:$0x1FF80] =	vst v19;
	v19 =	vor.u32 v3, v29;
	v29 =	vor.u32 v2, v17  }
.LBB2_2:
0xde: {  	v39 =	vsub.f32 v8, v35;
	v8 =	vld [tilespmem:$0x1FC40];
	_ =	sdelay $0x4  }
0xdf: {  	v42 =	vsub.f32 v9, v56;
	v56 =	vmul.f32 v8, v8;
	v8 =	vld [tilespmem:$0x1FC50];
	_ =	sdelay $0x3  }
0xe0: {  	v36 =	vor.u32 v3, v17;
	v17 =	vld.idx.msk [tilespmem:v23+s2+$0x0], $0xffff  }
0xe1: {  	v23 =	vmul.f32 v8, v8;
	v8 =	vld [tilespmem:$0x1FE30];
	_ =	sdelay $0x4  }
0xe2: {  	v45 =	vsub.f32 v15, v46;
	v46 =	vsub.f32 v12, v8;
	v8 =	vld [tilespmem:$0x1FC80];
	_ =	sdelay $0x3  }
0xe3: {  	v15 =	vld.idx.msk [tilespmem:v25+s2+$0x0], $0xffff  }
0xe4: {  	v25 =	vmul.f32 v8, v8;
	v8 =	vld [tilespmem:$0x1FCB0];
	_ =	sdelay $0x4  }
0xe5: {  	v22 =	vmul.f32 v8, v8;
	v8 =	vld [tilespmem:$0x1FE60];
	_ =	sdelay $0x4  }
0xe6: {  	v35 =	vsub.f32 v13, v8;
	v8 =	vld [tilespmem:$0x1FE90];
	_ =	sdelay $0x4  }
0xe7: {  	v47 =	vmul.f32 v52, v52;
	v52 =	vsub.f32 v10, v8;
	v10 =	vld [tilespmem:$0x1FED0];
	_ =	sdelay $0x3  }
0xe8: {  	v31 =	vld.idx.msk [tilespmem:v26+s2+$0x0], $0xffff  }
0xe9: {  	v9 =	vmul.f32 v60, v60;
	v60 =	vsub.f32 v17, v10;
	v17 =	vld [tilespmem:$0x1FF10]  }
0xea: {  	v10 =	vmul.f32 v58, v58;
	v58 =	vld [tilespmem:$0x1FF30];
	_ =	sdelay $0x3  }
0xeb: {  	v27 =	vld.idx.msk [tilespmem:v27+s2+$0x0], $0xffff;
	v13 =	vmul.f32 v48, v48  }
0xec: {  	v48 =	vsub.f32 v15, v17;
	v17 =	vmul.f32 v44, v44;
	v44 =	vsub.f32 v31, v58;
	v31 =	vld [tilespmem:$0x1FF40];
	_ =	sdelay $0x1  }
0xed: {  	v28 =	vld.idx.msk [tilespmem:v28+s2+$0x0], $0xffff  }
0xee: {  	v33 =	vld.idx.msk [tilespmem:v33+s2+$0x0], $0xffff  }
0xef: {  	v15 =	vmul.f32 v50, v50;
	v50 =	vmul.f32 v14, v14;
	v14 =	vld [tilespmem:$0x1FF80]  }
0xf0: {  	v27 =	vsub.f32 v27, v31;
	v31 =	vld [tilespmem:$0x1FF70];
	_ =	sdelay $0x4  }
0xf1: {  	v28 =	vsub.f32 v28, v31;
	v31 =	vsub.f32 v33, v14;
	v33 =	vld [tilespmem:s15+$0xFFFFFCB0];
	s15 =	sadd.s32 $0x800, s15  }
0xf2: {  	v14 =	vld [tilespmem:s15+$0x380];
	_ =	sdelay $0x3  }
0xf3: {  	v30 =	vld.idx.msk [tilespmem:v30+s2+$0x0], $0xffff  }
0xf4: {  	[tilespmem:$0x1F9C0] =	vst v14;
	v14 =	vld [tilespmem:$0x1FFA0];
	_ =	sdelay $0x4  }
0xf5: {  	v30 =	vsub.f32 v30, v14;
	v14 =	vld [tilespmem:s15+$0x390];
	_ =	sdelay $0x3  }
0xf6: {  	v29 =	vld.idx.msk [tilespmem:v29+s2+$0x0], $0xffff  }
0xf7: {  	[tilespmem:$0x1F9D0] =	vst v14;
	v14 =	vld [tilespmem:$0x1FFB0];
	_ =	sdelay $0x4  }
0xf8: {  	v29 =	vsub.f32 v29, v14;
	v14 =	vld [tilespmem:s15+$0x3A0];
	_ =	sdelay $0x2  }
0xf9: {  	v36 =	vld.idx.msk [tilespmem:v36+s2+$0x0], $0xffff  }
0xfa: {  	v8 =	vld [tilespmem:$0x1FEB0]  }
0xfb: {  	[tilespmem:$0x1F9E0] =	vst v14;
	v14 =	vld [tilespmem:$0x1FFC0];
	_ =	sdelay $0x4  }
0xfc: {  	v49 =	vsub.f32 v11, v8;
	v8 =	vmul.f32 v61, v61;
	v61 =	vsub.f32 v36, v14;
	v14 =	vld [tilespmem:s15+$0x3B0];
	_ =	sdelay $0x3  }
0xfd: {  	v24 =	vld.idx.msk [tilespmem:v24+s2+$0x0], $0xffff  }
0xfe: {  	[tilespmem:$0x1F9F0] =	vst v14;
	v14 =	vld [tilespmem:$0x1FF90];
	_ =	sdelay $0x2  }
0xff: {  	v58 =	vmul.f32 v31, v31  }
0x100: {  	v24 =	vsub.f32 v24, v54  }
0x101: {  	v54 =	vmul.f32 v60, v60;
	v60 =	vmul.f32 v61, v61;
	v61 =	vadd.f32 v58, v14;
	v14 =	vld [tilespmem:$0x1FFD0];
	_ =	sdelay $0x2  }
0x102: {  	v30 =	vmul.f32 v30, v30;
	_ =	sdelay $0x1  }
0x103: {  	v30 =	vadd.f32 v30, v14;
	v14 =	vld [tilespmem:s15+$0x320];
	_ =	sdelay $0x4  }
0x104: {  	[tilespmem:$0x1FA00] =	vst v14;
	v14 =	vld [tilespmem:$0x1FFE0];
	_ =	sdelay $0x2  }
0x105: {  	v29 =	vmul.f32 v29, v29;
	_ =	sdelay $0x1  }
0x106: {  	v29 =	vadd.f32 v29, v14;
	v14 =	vld [tilespmem:$0x1FFF0];
	_ =	sdelay $0x4  }
0x107: {  	v58 =	vadd.f32 v60, v14;
	v14 =	vld [tilespmem:s15+$0x330];
	_ =	sdelay $0x4  }
0x108: {  	[tilespmem:$0x1FA20] =	vst v14;
	v14 =	vld [tilespmem:s15+$0x280];
	_ =	sdelay $0x4  }
0x109: {  	[tilespmem:$0x1FA10] =	vst v14;
	v14 =	vld [tilespmem:s15+$0x290];
	_ =	sdelay $0x4  }
0x10a: {  	[tilespmem:$0x1FA30] =	vst v14;
	v14 =	vld [tilespmem:s15+$0x2A0];
	_ =	sdelay $0x4  }
0x10b: {  	[tilespmem:$0x1FA40] =	vst v14;
	v14 =	vld [tilespmem:s15+$0x2B0];
	_ =	sdelay $0x4  }
0x10c: {  	[tilespmem:$0x1FA60] =	vst v14;
	v14 =	vld [tilespmem:s15+$0x200];
	_ =	sdelay $0x4  }
0x10d: {  	[tilespmem:$0x1FA50] =	vst v14;
	v14 =	vld [tilespmem:s15+$0x210];
	_ =	sdelay $0x4  }
0x10e: {  	[tilespmem:$0x1FA70] =	vst v14;
	v14 =	vld [tilespmem:s15+$0x220];
	_ =	sdelay $0x4  }
0x10f: {  	[tilespmem:$0x1FA80] =	vst v14;
	v14 =	vld [tilespmem:s15+$0x230];
	_ =	sdelay $0x4  }
0x110: {  	[tilespmem:$0x1FAA0] =	vst v14;
	v14 =	vld [tilespmem:s15+$0x180];
	_ =	sdelay $0x4  }
0x111: {  	[tilespmem:$0x1FA90] =	vst v14;
	v14 =	vld [tilespmem:s15+$0x190];
	_ =	sdelay $0x2  }
0x112: {  	v20 =	vld.idx.msk [tilespmem:v20+s2+$0x0], $0xffff;
	v27 =	vmul.f32 v27, v27  }
0x113: {  	v5 =	vmul.f32 v5, v5;
	v6 =	vmul.f32 v6, v6  }
0x114: {  	v4 =	vmul.f32 v4, v4;
	v28 =	vmul.f32 v28, v28;
	v27 =	vadd.f32 v27, v61;
	[tilespmem:$0x1FAB0] =	vst v14;
	v14 =	vld [tilespmem:s15+$0x1A0]  }
0x115: {  	v7 =	vmul.f32 v7, v7;
	v24 =	vmul.f32 v24, v24  }
0x116: {  	v19 =	vld.idx.msk [tilespmem:v19+s2+$0x0], $0xffff;
	v46 =	vmul.f32 v46, v46;
	v27 =	vadd.f32 v54, v27;
	v28 =	vadd.f32 v28, v30  }
0x117: {  	v18 =	vmul.f32 v18, v18;
	v20 =	vsub.f32 v20, v55;
	v12 =	vmul.f32 v53, v53  }
0x118: {  	v53 =	vmul.f32 v35, v35;
	v27 =	vadd.f32 v46, v27;
	v24 =	vadd.f32 v24, v28  }
0x119: {  	v39 =	vmul.f32 v39, v39;
	v20 =	vmul.f32 v20, v20;
	[tilespmem:$0x1FAC0] =	vst v14;
	v14 =	vld [tilespmem:s15+$0x1B0]  }
0x11a: {  	v11 =	vmul.f32 v51, v51;
	v18 =	vadd.f32 v18, v27;
	v24 =	vadd.f32 v53, v24  }
0x11b: {  	v19 =	vsub.f32 v19, v33;
	v30 =	vmul.f32 v48, v48;
	v20 =	vadd.f32 v20, v29  }
0x11c: {  	v51 =	vmul.f32 v16, v16;
	v18 =	vadd.f32 v50, v18;
	v24 =	vadd.f32 v39, v24  }
0x11d: {  	v19 =	vmul.f32 v19, v19;
	v28 =	vmul.f32 v52, v52;
	v20 =	vadd.f32 v30, v20  }
0x11e: {  	v6 =	vadd.f32 v6, v18;
	v24 =	vadd.f32 v51, v24;
	v29 =	vmul.f32 v44, v44;
	[tilespmem:$0x1FAE0] =	vst v14;
	v14 =	vld [tilespmem:s15+$0x110]  }
0x11f: {  	v30 =	vmul.f32 v42, v42;
	v20 =	vadd.f32 v28, v20;
	v19 =	vadd.f32 v19, v58  }
0x120: {  	v27 =	vmul.f32 v41, v41;
	v4 =	vadd.f32 v4, v6;
	v7 =	vadd.f32 v7, v24  }
0x121: {  	v20 =	vadd.f32 v30, v20;
	v19 =	vadd.f32 v29, v19;
	v29 =	vmul.f32 v49, v49  }
0x122: {  	v4 =	vadd.f32 v15, v4;
	v5 =	vadd.f32 v5, v7;
	v7 =	vld [tilespmem:s15+$0x100]  }
0x123: {  	v20 =	vadd.f32 v27, v20;
	v19 =	vadd.f32 v29, v19;
	v29 =	vmul.f32 v40, v40;
	[tilespmem:$0x1FAF0] =	vst v14;
	v14 =	vld [tilespmem:$0x1FE00];
	_ =	sdelay $0x1  }
0x124: {  	v18 =	vmul.f32 v57, v57;
	v4 =	vadd.f32 v12, v4;
	v20 =	vadd.f32 v29, v20  }
0x125: {  	v5 =	vadd.f32 v17, v5  }
0x126: {  	v6 =	vmul.f32 v59, v59;
	v4 =	vadd.f32 v10, v4;
	v10 =	vld [tilespmem:$0x1FDB0];
	[tilespmem:$0x1FAD0] =	vst v7;
	v7 =	vadd.f32 v18, v20  }
0x127: {  	v28 =	vmul.f32 v45, v45;
	v5 =	vadd.f32 v13, v5;
	v15 =	vmul.f32 v14, v14;
	v14 =	vld [tilespmem:s15+$0x120]  }
0x128: {  	v26 =	vmul.f32 v34, v34;
	v4 =	vadd.f32 v8, v4;
	v13 =	vld [tilespmem:s15+$0x80];
	v6 =	vadd.f32 v6, v7  }
0x129: {  	v34 =	vmovc v63;
	v8 =	vld [tilespmem:$0x1FD70];
	v5 =	vadd.f32 v11, v5;
	v19 =	vadd.f32 v28, v19;
	v28 =	vmul.f32 v43, v43  }
0x12a: {  	v12 =	vmul.f32 v34, v34;
	v11 =	vld [tilespmem:s15+$0xA0];
	v6 =	vadd.f32 v15, v6  }
0x12b: {  	v27 =	vmul.f32 v37, v37;
	v5 =	vadd.f32 v9, v5;
	v9 =	vld [tilespmem:s15+$0x0];
	v19 =	vadd.f32 v28, v19  }
0x12c: {  	v10 =	vmul.f32 v10, v10;
	v6 =	vadd.f32 v12, v6;
	[tilespmem:$0x1FB00] =	vst v14;
	v14 =	vld [tilespmem:$0x1FE20]  }
0x12d: {  	v24 =	vmul.f32 v38, v38;
	[tilespmem:$0x1FB10] =	vst v13;
	v13 =	vld [tilespmem:$0x1FDF0];
	v19 =	vadd.f32 v27, v19  }
0x12e: {  	v6 =	vadd.f32 v10, v6;
	v10 =	vld [tilespmem:s15+$0x10]  }
0x12f: {  	v18 =	vadd.f32 v24, v19;
	v19 =	vmul.f32 v21, v21  }
0x130: {  	[tilespmem:$0x1FB40] =	vst v11;
	v11 =	vld [tilespmem:$0x1FDD0]  }
0x131: {  	v7 =	vadd.f32 v19, v18;
	v17 =	vmul.f32 v14, v14  }
0x132: {  	v8 =	vmul.f32 v8, v8;
	[tilespmem:$0x1FB50] =	vst v9;
	v9 =	vld [tilespmem:$0x1FD90]  }
0x133: {  	v13 =	vmul.f32 v13, v13;
	[tilespmem:$0x1FB70] =	vst v10;
	v10 =	vld [tilespmem:$0x1FD20];
	v7 =	vadd.f32 v17, v7  }
0x134: {  	v6 =	vadd.f32 v8, v6;
	v8 =	vld [tilespmem:$0x1FD50]  }
0x135: {  	v11 =	vmul.f32 v11, v11;
	v7 =	vadd.f32 v13, v7;
	_ =	sdelay $0x1  }
0x136: {  	v9 =	vmul.f32 v9, v9;
	v7 =	vadd.f32 v11, v7  }
0x137: {  	v10 =	vmul.f32 v10, v10  }
0x138: {  	v8 =	vmul.f32 v8, v8;
	v7 =	vadd.f32 v9, v7;
	v9 =	vld [tilespmem:s15+$0x30]  }
0x139: {  	v6 =	vadd.f32 v10, v6;
	v10 =	vld [tilespmem:s15+$0xFFFFFF90]  }
0x13a: {  	v63 =	vmul.f32 v32, v32;
	v7 =	vadd.f32 v8, v7;
	v8 =	vld [tilespmem:$0x1FCF0];
	_ =	sdelay $0x1  }
0x13b: {  	v62 =	vmul.f32 v62, v62;
	v4 =	vadd.f32 v63, v4  }
0x13c: {  	[tilespmem:$0x1FBA0] =	vst v9;
	v9 =	vld [tilespmem:$0x1FCD0]  }
0x13d: {  	v4 =	vadd.f32 v26, v4;
	v5 =	vadd.f32 v62, v5  }
0x13e: {  	[tilespmem:$0x1FBB0] =	vst v10;
	v10 =	vld [tilespmem:$0x1FC60];
	v8 =	vmul.f32 v8, v8  }
0x13f: {  	v4 =	vadd.f32 v25, v4;
	v5 =	vadd.f32 v47, v5  }
0x140: {  	v7 =	vadd.f32 v8, v7;
	v8 =	vld [tilespmem:$0x1FCA0]  }
0x141: {  	v4 =	vadd.f32 v56, v4;
	v5 =	vadd.f32 v22, v5;
	v9 =	vmul.f32 v9, v9;
	_ =	sdelay $0x1  }
0x142: {  	[tilespmem:$0x1FF90] =	vst v4;
	v4 =	vadd.f32 v23, v5;
	v10 =	vmul.f32 v10, v10;
	v6 =	vadd.f32 v9, v6;
	_ =	sdelay $0x1  }
0x143: {  	[tilespmem:$0x1FFD0] =	vst v4;
	v8 =	vmul.f32 v8, v8;
	v4 =	vadd.f32 v10, v6;
	_ =	sdelay $0x1  }
0x144: {  	[tilespmem:$0x1FFE0] =	vst v4;
	v4 =	vadd.f32 v8, v7;
	_ =	sdelay $0x1  }
0x145: {  	[tilespmem:$0x1FFF0] =	vst v4;
	v4 =	vld [tilespmem:s15+$0xFFFFFF10];
	_ =	sdelay $0x4  }
0x146: {  	[tilespmem:$0x1FBD0] =	vst v4;
	v4 =	vld [tilespmem:s15+$0xFFFFFF30];
	_ =	sdelay $0x4  }
0x147: {  	[tilespmem:$0x1FBE0] =	vst v4;
	v4 =	vld [tilespmem:s15+$0xFFFFFE90];
	_ =	sdelay $0x4  }
0x148: {  	[tilespmem:$0x1FBF0] =	vst v4;
	v4 =	vld [tilespmem:s15+$0xFFFFFEA0];
	_ =	sdelay $0x4  }
0x149: {  	[tilespmem:$0x1FC00] =	vst v4;
	v4 =	vld [tilespmem:s15+$0xFFFFFEB0];
	_ =	sdelay $0x4  }
0x14a: {  	[tilespmem:$0x1FC20] =	vst v4;
	v4 =	vld [tilespmem:s15+$0xFFFFFE00];
	_ =	sdelay $0x4  }
0x14b: {  	[tilespmem:$0x1FC10] =	vst v4;
	v4 =	vld [tilespmem:s15+$0xFFFFFE30];
	_ =	sdelay $0x4  }
0x14c: {  	[tilespmem:$0x1FC30] =	vst v4;
	v4 =	vld [tilespmem:s15+$0xFFFFFD80];
	_ =	sdelay $0x2  }
0x14d: {  	v11 =	vld [tilespmem:s15+$0x20];
	_ =	sdelay $0x1  }
0x14e: {  	[tilespmem:$0x1FE30] =	vst v4;
	v4 =	vld [tilespmem:s15+$0xFFFFFD90];
	_ =	sdelay $0x2  }
0x14f: {  	[tilespmem:$0x1FB80] =	vst v11;
	v11 =	vld [tilespmem:s15+$0xFFFFFF80];
	_ =	sdelay $0x1  }
0x150: {  	[tilespmem:$0x1FE60] =	vst v4;
	v4 =	vld [tilespmem:s15+$0xFFFFFDA0]  }
0x151: {  	v26 =	vld [tilespmem:s15+$0xFFFFFC20]  }
0x152: {  	v23 =	vld [tilespmem:s15+$0xFFFFFC00]  }
0x153: {  	[tilespmem:$0x1FB90] =	vst v11;
	v11 =	vld [tilespmem:s15+$0xFFFFFD30]  }
0x154: {  	v9 =	vld [tilespmem:s15+$0xFFFFFFB0]  }
0x155: {  	s17 =	sadd.s32 $0xFFFFFFFE, s16;
	[tilespmem:$0x1FE90] =	vst v4;
	v4 =	vld [tilespmem:s15+$0xFFFFFDB0]  }
0x156: {  	[tilespmem:$0x1FFB0] =	vst v26;
	v5 =	vld [tilespmem:s15+$0xFFFFFD00];
	v6 =	vmov s17  }
0x157: {  	s18 =	sadd.s32 $0xFFFFFFFF, s16;
	s29 =	sadd.s32 $0xFFFFFFF2, s16;
	[tilespmem:$0x1FF80] =	vst v23;
	v26 =	vand.u32 $0x7D, v6;
	v6 =	vshll.u32 v6, $0x3  }
0x158: {  	s20 =	sadd.s32 $0xFFFFFFFC, s16;
	v20 =	vmov s29;
	[tilespmem:$0x1FF30] =	vst v11;
	v7 =	vmov s18;
	s18 =	sadd.s32 $0xFFFFFFF8, s16;
	v6 =	vand.u32 $0xC00, v6  }
0x159: {  	[tilespmem:$0x1FBC0] =	vst v9;
	v9 =	vmov s20;
	v11 =	vmov s18;
	v23 =	vshll.u32 v7, $0x3  }
0x15a: {  	v25 =	vld [tilespmem:s15+$0xFFFFFC10];
	v7 =	vand.u32 $0x7E, v7;
	v26 =	vor.u32 v26, v6;
	[tilespmem:$0x1FEB0] =	vst v4;
	v4 =	vmov s16  }
0x15b: {  	v32 =	vld [tilespmem:s15+$0x300];
	[tilespmem:$0x1FED0] =	vst v5;
	v23 =	vand.u32 $0xC00, v23;
	v5 =	vand.u32 $0x7F, v4;
	v4 =	vshll.u32 v4, $0x3  }
0x15c: {  	v31 =	vld [tilespmem:$0x1F9C0];
	v62 =	vor.u32 v0, v26;
	v7 =	vor.u32 v7, v23;
	v4 =	vand.u32 $0xC00, v4  }
0x15d: {  	v15 =	vld [tilespmem:s15+$0xFFFFFC80];
	v29 =	vand.u32 $0x7B, v9;
	v30 =	vor.u32 v1, v7;
	v4 =	vor.u32 v5, v4  }
0x15e: {  	v12 =	vld [tilespmem:s15+$0xB0];
	v59 =	vshll.u32 v9, $0x3;
	v47 =	vshll.u32 v11, $0x3;
	v5 =	vor.u32 v0, v4  }
0x15f: {  	[tilespmem:$0x1FFA0] =	vst v25;
	v24 =	vor.u32 v1, v4;
	v25 =	vor.u32 v2, v4;
	v23 =	vor.u32 v3, v4;
	v4 =	vld [tilespmem:s15+$0xFFFFFC30]  }
0x160: {  	v8 =	vld [tilespmem:s15+$0xFFFFFD20];
	v63 =	vor.u32 v1, v26;
	v33 =	vand.u32 $0xC00, v59;
	v47 =	vand.u32 $0xC00, v47  }
0x161: {  	v28 =	vor.u32 v0, v7;
	v44 =	vld.idx.msk [tilespmem:v62+s2+$0x0], $0xffff;
	v62 =	vand.u32 $0x71, v20;
	v20 =	vshll.u32 v20, $0x3  }
0x162: {  	v29 =	vor.u32 v29, v33;
	v20 =	vand.u32 $0xC00, v20;
	v9 =	vld.idx.msk [tilespmem:v30+s2+$0x0], $0xffff;
	v30 =	vand.u32 $0x77, v11  }
0x163: {  	v46 =	vor.u32 v0, v29;
	v30 =	vor.u32 v30, v47;
	v47 =	vor.u32 v62, v20;
	v62 =	vld [tilespmem:$0x1F9D0]  }
0x164: {  	s19 =	sadd.s32 $0xFFFFFFFB, s16;
	[tilespmem:$0x1FFC0] =	vst v4;
	v4 =	vld.idx.msk [tilespmem:v5+s2+$0x0], $0xffff  }
0x165: {  	[tilespmem:$0x1FF10] =	vst v8;
	v8 =	vmov s19;
	v5 =	vld.idx.msk [tilespmem:v24+s2+$0x0], $0xffff  }
0x166: {  	v59 =	vor.u32 v2, v29;
	v42 =	vshll.u32 v8, $0x3;
	v24 =	vand.u32 $0x7A, v8;
	v8 =	vld.idx.msk [tilespmem:v28+s2+$0x0], $0xffff  }
0x167: {  	s22 =	sadd.s32 $0xFFFFFFFA, s16;
	v45 =	vld.idx.msk [tilespmem:v63+s2+$0x0], $0xffff;
	v42 =	vand.u32 $0xC00, v42  }
0x168: {  	v13 =	vmov s22;
	v60 =	vor.u32 v2, v7;
	v53 =	vld.idx.msk [tilespmem:v46+s2+$0x0], $0xffff;
	v24 =	vor.u32 v24, v42  }
0x169: {  	v6 =	vld.idx.msk [tilespmem:v25+s2+$0x0], $0xffff;
	v25 =	vand.u32 $0x79, v13;
	v13 =	vshll.u32 v13, $0x3;
	v63 =	vor.u32 v0, v24  }
0x16a: {  	s28 =	sadd.s32 $0xFFFFFFF5, s16;
	v61 =	vor.u32 v3, v7;
	v7 =	vld.idx.msk [tilespmem:v23+s2+$0x0], $0xffff;
	v13 =	vand.u32 $0xC00, v13;
	v5 =	vsub.f32 v5, v62  }
0x16b: {  	s24 =	sadd.s32 $0xFFFFFFF6, s16;
	v19 =	vmov s28;
	[tilespmem:$0x1FF40] =	vst v15;
	v13 =	vor.u32 v25, v13;
	v25 =	vld.idx.msk [tilespmem:v59+s2+$0x0], $0xffff;
	v8 =	vsub.f32 v8, v32  }
0x16c: {  	v52 =	vand.u32 $0x74, v19;
	v19 =	vshll.u32 v19, $0x3;
	v15 =	vmov s24;
	[tilespmem:$0x1FC50] =	vst v5;
	v5 =	vld [tilespmem:$0x1F9E0]  }
0x16d: {  	v39 =	vand.u32 $0x75, v15;
	v15 =	vshll.u32 v15, $0x3;
	v46 =	vor.u32 v0, v13;
	[tilespmem:$0x1FC80] =	vst v8;
	v8 =	vld [tilespmem:$0x1F9F0]  }
0x16e: {  	s23 =	sadd.s32 $0xFFFFFFF9, s16;
	v19 =	vand.u32 $0xC00, v19;
	v15 =	vand.u32 $0xC00, v15;
	v59 =	vld.idx.msk [tilespmem:v63+s2+$0x0], $0xffff;
	v63 =	vor.u32 v2, v13  }
0x16f: {  	v19 =	vor.u32 v52, v19;
	[tilespmem:$0x1FB60] =	vst v12;
	v12 =	vmov s23;
	v15 =	vor.u32 v39, v15  }
0x170: {  	v23 =	vand.u32 $0x78, v12;
	v12 =	vshll.u32 v12, $0x3;
	v4 =	vsub.f32 v4, v31  }
0x171: {  	v28 =	vor.u32 v2, v26;
	v12 =	vand.u32 $0xC00, v12;
	v5 =	vsub.f32 v6, v5  }
0x172: {  	s21 =	sadd.s32 $0xFFFFFFFD, s16;
	v12 =	vor.u32 v23, v12;
	[tilespmem:$0x1FC40] =	vst v4;
	v55 =	vld.idx.msk [tilespmem:v46+s2+$0x0], $0xffff;
	v7 =	vsub.f32 v7, v8  }
0x173: {  	v10 =	vmov s21;
	v52 =	vor.u32 v2, v12;
	v4 =	vor.u32 v1, v15;
	v46 =	vld.idx.msk [tilespmem:v63+s2+$0x0], $0xffff;
	[tilespmem:$0x1FC60] =	vst v5  }
0x174: {  	v63 =	vor.u32 v0, v15;
	v5 =	vor.u32 v2, v15;
	[tilespmem:$0x1FCA0] =	vst v7;
	v7 =	vor.u32 v3, v15;
	v15 =	vld [tilespmem:$0x1FA30]  }
0x175: {  	v27 =	vand.u32 $0x7C, v10;
	v10 =	vshll.u32 v10, $0x3  }
0x176: {  	v10 =	vand.u32 $0xC00, v10  }
0x177: {  	v27 =	vor.u32 v27, v10;
	v28 =	vld.idx.msk [tilespmem:v28+s2+$0x0], $0xffff  }
0x178: {  	v48 =	vor.u32 v0, v27;
	v31 =	vld.idx.msk [tilespmem:v52+s2+$0x0], $0xffff  }
0x179: {  	v52 =	vsub.f32 v45, v15;
	v15 =	vld [tilespmem:$0x1FA40];
	_ =	sdelay $0x3  }
0x17a: {  	v48 =	vld.idx.msk [tilespmem:v48+s2+$0x0], $0xffff;
	v26 =	vor.u32 v3, v26  }
0x17b: {  	v15 =	vsub.f32 v28, v15;
	v28 =	vld [tilespmem:$0x1FA50];
	_ =	sdelay $0x3  }
0x17c: {  	v26 =	vld.idx.msk [tilespmem:v26+s2+$0x0], $0xffff  }
0x17d: {  	v32 =	vsub.f32 v48, v28;
	v28 =	vld [tilespmem:$0x1FA60]  }
0x17e: {  	v50 =	vor.u32 v1, v27;
	_ =	sdelay $0x3  }
0x17f: {  	v26 =	vsub.f32 v26, v28  }
0x180: {  	v51 =	vor.u32 v2, v27;
	v50 =	vld.idx.msk [tilespmem:v50+s2+$0x0], $0xffff  }
0x181: {  	[tilespmem:$0x1FD50] =	vst v26;
	v26 =	vld [tilespmem:$0x1FA70];
	_ =	sdelay $0x3  }
0x182: {  	v42 =	vld.idx.msk [tilespmem:v51+s2+$0x0], $0xffff  }
0x183: {  	v62 =	vsub.f32 v50, v26;
	v26 =	vld [tilespmem:$0x1FA80]  }
0x184: {  	s25 =	sadd.s32 $0xFFFFFFF7, s16  }
0x185: {  	v17 =	vmov s25  }
0x186: {  	v36 =	vand.u32 $0x76, v17;
	v17 =	vshll.u32 v17, $0x3  }
0x187: {  	v17 =	vand.u32 $0xC00, v17  }
0x188: {  	v36 =	vor.u32 v36, v17;
	v27 =	vor.u32 v3, v27;
	v26 =	vsub.f32 v42, v26  }
0x189: {  	v11 =	vld.idx.msk [tilespmem:v61+s2+$0x0], $0xffff;
	v61 =	vor.u32 v0, v36  }
0x18a: {  	[tilespmem:$0x1FD70] =	vst v26;
	v26 =	vld [tilespmem:$0x1FA90];
	_ =	sdelay $0x2  }
0x18b: {  	v27 =	vld.idx.msk [tilespmem:v27+s2+$0x0], $0xffff  }
0x18c: {  	v45 =	vld.idx.msk [tilespmem:v61+s2+$0x0], $0xffff  }
0x18d: {  	v61 =	vsub.f32 v53, v26;
	v26 =	vld [tilespmem:$0x1FAA0]  }
0x18e: {  	v10 =	vld.idx.msk [tilespmem:v60+s2+$0x0], $0xffff;
	v60 =	vor.u32 v1, v29;
	_ =	sdelay $0x3  }
0x18f: {  	v26 =	vsub.f32 v27, v26  }
0x190: {  	v60 =	vld.idx.msk [tilespmem:v60+s2+$0x0], $0xffff  }
0x191: {  	[tilespmem:$0x1FD90] =	vst v26;
	v26 =	vld [tilespmem:$0x1FAB0]  }
0x192: {  	v35 =	vld [tilespmem:s15+$0x310];
	_ =	sdelay $0x3  }
0x193: {  	v34 =	vor.u32 v2, v24;
	v60 =	vsub.f32 v60, v26;
	v26 =	vld [tilespmem:$0x1FAC0]  }
0x194: {  	v8 =	vsub.f32 v9, v35;
	v9 =	vld [tilespmem:$0x1FA10]  }
0x195: {  	s30 =	sadd.s32 $0xFFFFFFF3, s16  }
0x196: {  	v21 =	vmov s30  }
0x197: {  	v58 =	vand.u32 $0x72, v21;
	v21 =	vshll.u32 v21, $0x3  }
0x198: {  	v21 =	vand.u32 $0xC00, v21;
	v29 =	vor.u32 v3, v29;
	v23 =	vld.idx.msk [tilespmem:v34+s2+$0x0], $0xffff;
	v25 =	vsub.f32 v25, v26  }
0x199: {  	v20 =	vor.u32 v58, v21;
	v58 =	vor.u32 v2, v30;
	v34 =	vsub.f32 v44, v9;
	v9 =	vld [tilespmem:$0x1FA20]  }
0x19a: {  	[tilespmem:$0x1FDB0] =	vst v25;
	v25 =	vld [tilespmem:$0x1FAD0]  }
0x19b: {  	v18 =	vld [tilespmem:s15+$0xFFFFFC90];
	_ =	sdelay $0x1  }
0x19c: {  	v29 =	vld.idx.msk [tilespmem:v29+s2+$0x0], $0xffff  }
0x19d: {  	v9 =	vsub.f32 v11, v9;
	v11 =	vld.idx.msk [tilespmem:v58+s2+$0x0], $0xffff  }
0x19e: {  	s26 =	sadd.s32 $0xFFFFFFF4, s16;
	v58 =	vsub.f32 v59, v25;
	v25 =	vld [tilespmem:$0x1FAE0]  }
0x19f: {  	s31 =	sadd.s32 $0xFFFFFFF1, s16;
	[tilespmem:$0x1FF70] =	vst v18;
	v18 =	vmov s26;
	v54 =	vor.u32 v1, v24  }
0x1a0: {  	v22 =	vmov s31;
	v33 =	vand.u32 $0x73, v18;
	v18 =	vshll.u32 v18, $0x3  }
0x1a1: {  	v18 =	vand.u32 $0xC00, v18;
	v51 =	vand.u32 $0x70, v22;
	v22 =	vshll.u32 v22, $0x3  }
0x1a2: {  	v18 =	vor.u32 v33, v18;
	v22 =	vand.u32 $0xC00, v22;
	v39 =	vor.u32 v0, v12  }
0x1a3: {  	v33 =	vor.u32 v1, v12;
	v12 =	vor.u32 v3, v12;
	v25 =	vsub.f32 v29, v25  }
0x1a4: {  	v17 =	vor.u32 v51, v22;
	v51 =	vor.u32 v0, v30;
	v54 =	vld.idx.msk [tilespmem:v54+s2+$0x0], $0xffff  }
0x1a5: {  	[tilespmem:$0x1FDD0] =	vst v25;
	v25 =	vld [tilespmem:$0x1FAF0];
	_ =	sdelay $0x1  }
0x1a6: {  	v14 =	vld [tilespmem:s15+$0x130]  }
0x1a7: {  	v6 =	vld.idx.msk [tilespmem:v12+s2+$0x0], $0xffff  }
0x1a8: {  	v12 =	vld.idx.msk [tilespmem:v51+s2+$0x0], $0xffff  }
0x1a9: {  	v24 =	vor.u32 v3, v24;
	v51 =	vsub.f32 v54, v25;
	v54 =	vld.idx.msk [tilespmem:v4+s2+$0x0], $0xffff  }
0x1aa: {  	v4 =	vld [tilespmem:$0x1FB10];
	_ =	sdelay $0x1  }
0x1ab: {  	v16 =	vld [tilespmem:s15+$0xFFFFFE20]  }
0x1ac: {  	v41 =	vld [tilespmem:s15+$0xFFFFFD10]  }
0x1ad: {  	[tilespmem:$0x1FB20] =	vst v14;
	v24 =	vld.idx.msk [tilespmem:v24+s2+$0x0], $0xffff  }
0x1ae: {  	v53 =	vsub.f32 v55, v4;
	v4 =	vld [tilespmem:$0x1FB20]  }
0x1af: {  	v14 =	vld [tilespmem:s15+$0x90];
	v49 =	vor.u32 v1, v13  }
0x1b0: {  	v57 =	vld [tilespmem:s15+$0xFFFFFFA0]  }
0x1b1: {  	v38 =	vld [tilespmem:s15+$0xFFFFFF00]  }
0x1b2: {  	v37 =	vld [tilespmem:s15+$0xFFFFFE80]  }
0x1b3: {  	v40 =	vld [tilespmem:s15+$0xFFFFFF20];
	v4 =	vsub.f32 v24, v4  }
0x1b4: {  	[tilespmem:$0x1FB30] =	vst v14;
	v21 =	vld.idx.msk [tilespmem:v49+s2+$0x0], $0xffff  }
0x1b5: {  	[tilespmem:$0x1FDF0] =	vst v4;
	v4 =	vld [tilespmem:$0x1FB30]  }
0x1b6: {  	v43 =	vld [tilespmem:s15+$0xFFFFFCA0];
	v56 =	vor.u32 v1, v30;
	v30 =	vor.u32 v3, v30  }
0x1b7: {  	v14 =	vld [tilespmem:s15+$0xFFFFFE10];
	v22 =	vor.u32 v2, v36  }
0x1b8: {  	v13 =	vor.u32 v3, v13;
	v39 =	vld.idx.msk [tilespmem:v39+s2+$0x0], $0xffff  }
0x1b9: {  	v33 =	vld.idx.msk [tilespmem:v33+s2+$0x0], $0xffff  }
0x1ba: {  	v48 =	vsub.f32 v21, v4;
	v4 =	vld [tilespmem:$0x1FB40]  }
0x1bb: {  	v30 =	vld.idx.msk [tilespmem:v30+s2+$0x0], $0xffff  }
0x1bc: {  	v22 =	vld.idx.msk [tilespmem:v22+s2+$0x0], $0xffff  }
0x1bd: {  	v49 =	vor.u32 v1, v36;
	v13 =	vld.idx.msk [tilespmem:v13+s2+$0x0], $0xffff  }
0x1be: {  	v36 =	vor.u32 v3, v36;
	[tilespmem:$0x1FCB0] =	vst v8;
	v8 =	vld [tilespmem:$0x1FA00]  }
0x1bf: {  	v55 =	vld.idx.msk [tilespmem:v5+s2+$0x0], $0xffff;
	v4 =	vsub.f32 v46, v4  }
0x1c0: {  	v5 =	vld [tilespmem:$0x1FBA0]  }
0x1c1: {  	[tilespmem:$0x1FE00] =	vst v4;
	v4 =	vld [tilespmem:$0x1FB50]  }
0x1c2: {  	v49 =	vld.idx.msk [tilespmem:v49+s2+$0x0], $0xffff  }
0x1c3: {  	v36 =	vld.idx.msk [tilespmem:v36+s2+$0x0], $0xffff  }
0x1c4: {  	v8 =	vsub.f32 v10, v8;
	v10 =	vld.idx.msk [tilespmem:v56+s2+$0x0], $0xffff  }
0x1c5: {  	v21 =	vsub.f32 v6, v5;
	v5 =	vld [tilespmem:$0x1FBB0]  }
0x1c6: {  	v50 =	vsub.f32 v39, v4;
	v4 =	vld [tilespmem:$0x1FB60]  }
0x1c7: {  	v40 =	vsub.f32 v22, v40;
	v22 =	vld [tilespmem:$0x1FC20]  }
0x1c8: {  	v57 =	vsub.f32 v11, v57;
	v11 =	vld [tilespmem:$0x1FBF0]  }
0x1c9: {  	v35 =	vor.u32 v1, v18;
	v29 =	vld.idx.msk [tilespmem:v63+s2+$0x0], $0xffff  }
0x1ca: {  	v56 =	vor.u32 v2, v18;
	v5 =	vsub.f32 v10, v5;
	v10 =	vld [tilespmem:$0x1FBE0]  }
0x1cb: {  	v46 =	vld.idx.msk [tilespmem:v7+s2+$0x0], $0xffff;
	v4 =	vsub.f32 v13, v4  }
0x1cc: {  	v7 =	vld [tilespmem:$0x1FBC0]  }
0x1cd: {  	[tilespmem:$0x1FE20] =	vst v4;
	v4 =	vld [tilespmem:$0x1FB70]  }
0x1ce: {  	[tilespmem:$0x1FCD0] =	vst v8;
	v8 =	vor.u32 v0, v19;
	v13 =	vld.idx.msk [tilespmem:v35+s2+$0x0], $0xffff  }
0x1cf: {  	v35 =	vmov v14;
	v14 =	vsub.f32 v29, v37;
	v37 =	vsub.f32 v36, v10;
	v10 =	vld.idx.msk [tilespmem:v56+s2+$0x0], $0xffff  }
0x1d0: {  	v42 =	vor.u32 v0, v18;
	v18 =	vor.u32 v3, v18;
	v56 =	vmovc v16;
	v16 =	vsub.f32 v54, v11;
	v11 =	vld [tilespmem:$0x1FC00]  }
0x1d1: {  	v25 =	vld [tilespmem:$0x1FB00]  }
0x1d2: {  	v44 =	vsub.f32 v33, v4;
	v4 =	vld [tilespmem:$0x1FB80]  }
0x1d3: {  	[tilespmem:$0x1FCF0] =	vst v9;
	v9 =	vor.u32 v1, v19;
	v6 =	vsub.f32 v45, v38;
	v38 =	vsub.f32 v30, v7;
	v7 =	vld [tilespmem:$0x1FBD0]  }
0x1d4: {  	[tilespmem:$0x1FD20] =	vst v15;
	v15 =	vor.u32 v2, v19;
	v39 =	vld.idx.msk [tilespmem:v8+s2+$0x0], $0xffff  }
0x1d5: {  	v19 =	vor.u32 v3, v19;
	v54 =	vmov v41;
	v41 =	vsub.f32 v55, v11;
	v11 =	vld.idx.msk [tilespmem:v18+s2+$0x0], $0xffff  }
0x1d6: {  	v18 =	vld [tilespmem:$0x1FC10]  }
0x1d7: {  	p0 =	sne.s32 s16, $0x1FF;
	v28 =	vor.u32 v1, v47;
	v59 =	vsub.f32 v31, v4;
	v4 =	vld [tilespmem:$0x1FB90]  }
.Ltmp0:
0x1d8: {  	v27 =	vor.u32 v0, v47;
	v26 =	vor.u32 v3, v20;
	v63 =	vsub.f32 v23, v25;
	v8 =	vld.idx.msk [tilespmem:v9+s2+$0x0], $0xffff;
	(pc) =	sbr.rel @p0 .LBB2_2-.Ltmp0, $4  }
0x1d9: {  	v23 =	vor.u32 v0, v20;
	v25 =	vor.u32 v2, v20;
	v24 =	vor.u32 v1, v20;
	v9 =	vld.idx.msk [tilespmem:v15+s2+$0x0], $0xffff  }
0x1da: {  	v20 =	vor.u32 v2, v47;
	v30 =	vor.u32 v1, v17;
	v15 =	vld.idx.msk [tilespmem:v19+s2+$0x0], $0xffff;
	v19 =	vor.u32 v3, v47  }
0x1db: {  	v7 =	vsub.f32 v49, v7;
	v29 =	vor.u32 v2, v17;
	v55 =	vmovc v43;
	v43 =	vsub.f32 v46, v22;
	v46 =	vld [tilespmem:$0x1FC30]  }
0x1dc: {  	s16 =	sadd.s32 $0x10, s16;
	v33 =	vor.u32 v0, v17;
	v18 =	vsub.f32 v39, v18;
	v4 =	vsub.f32 v12, v4;
	v12 =	vld.idx.msk [tilespmem:v42+s2+$0x0], $0xffff  }
0x1dd: {  	_ =	sdelay $0x3  }
0x1de: {  	v22 =	vld.idx.msk [tilespmem:v23+s2+$0x0], $0xffff  }
0x1df: {  	v45 =	vld.idx.msk [tilespmem:v24+s2+$0x0], $0xffff  }
0x1e0: {  	v47 =	vld.idx.msk [tilespmem:v25+s2+$0x0], $0xffff  }
0x1e1: {  	v49 =	vld.idx.msk [tilespmem:v26+s2+$0x0], $0xffff  }
0x1e2: {  	v26 =	vld.idx.msk [tilespmem:v27+s2+$0x0], $0xffff  }
0x1e3: {  	v27 =	vld.idx.msk [tilespmem:v28+s2+$0x0], $0xffff  }
0x1e4: {  	v28 =	vld.idx.msk [tilespmem:v33+s2+$0x0], $0xffff  }
0x1e5: {  	v30 =	vld.idx.msk [tilespmem:v30+s2+$0x0], $0xffff  }
0x1e6: {  	v29 =	vld.idx.msk [tilespmem:v29+s2+$0x0], $0xffff  }
0x1e7: {  	v31 =	vld [tilespmem:$0x1FE30]  }
0x1e8: {  	v8 =	vsub.f32 v8, v35;
	v35 =	vld [tilespmem:$0x1FE60]  }
0x1e9: {  	v36 =	vld [tilespmem:$0x1FE90]  }
0x1ea: {  	v39 =	vld [tilespmem:$0x1FEB0]  }
0x1eb: {  	v17 =	vor.u32 v3, v17;
	v20 =	vld.idx.msk [tilespmem:v20+s2+$0x0], $0xffff  }
0x1ec: {  	v42 =	vld [tilespmem:$0x1FED0]  }
0x1ed: {  	v19 =	vld.idx.msk [tilespmem:v19+s2+$0x0], $0xffff  }
0x1ee: {  	v6 =	vmul.f32 v6, v6;
	v9 =	vsub.f32 v9, v56;
	v56 =	vld [tilespmem:$0x1FF80]  }
0x1ef: {  	v7 =	vmul.f32 v7, v7;
	v5 =	vmul.f32 v5, v5;
	v15 =	vsub.f32 v15, v46;
	v46 =	vld [tilespmem:$0x1FF30]  }
0x1f0: {  	v33 =	vmul.f32 v21, v21;
	v18 =	vmul.f32 v18, v18;
	v17 =	vld.idx.msk [tilespmem:v17+s2+$0x0], $0xffff  }
0x1f1: {  	v4 =	vmul.f32 v4, v4;
	v12 =	vsub.f32 v12, v31;
	v23 =	vsub.f32 v45, v54;
	v45 =	vld [tilespmem:$0x1FF10]  }
0x1f2: {  	v8 =	vmul.f32 v8, v8;
	v13 =	vsub.f32 v13, v35;
	v10 =	vsub.f32 v10, v36;
	v54 =	vld [tilespmem:$0x1FF70]  }
0x1f3: {  	v9 =	vmul.f32 v9, v9;
	v11 =	vsub.f32 v11, v39;
	v22 =	vsub.f32 v22, v42;
	v36 =	vld [tilespmem:$0x1FFA0]  }
0x1f4: {  	v39 =	vld [tilespmem:$0x1FFB0];
	v20 =	vsub.f32 v20, v55;
	v15 =	vmul.f32 v15, v15;
	v31 =	vmul.f32 v59, v59  }
0x1f5: {  	v42 =	vld [tilespmem:$0x1FFC0];
	v35 =	vmul.f32 v53, v53;
	v53 =	vmul.f32 v52, v52;
	v28 =	vsub.f32 v28, v56  }
0x1f6: {  	v56 =	vmul.f32 v14, v14;
	v20 =	vmul.f32 v20, v20;
	v25 =	vsub.f32 v49, v46;
	v49 =	vld [tilespmem:$0x1FF40]  }
0x1f7: {  	v22 =	vmul.f32 v22, v22;
	v23 =	vmul.f32 v23, v23;
	v24 =	vsub.f32 v47, v45;
	v47 =	vld [tilespmem:s15+$0xFFFFFCB0]  }
0x1f8: {  	v12 =	vmul.f32 v12, v12;
	v13 =	vmul.f32 v13, v13;
	v46 =	vld [tilespmem:$0x1FFD0]  }
0x1f9: {  	v10 =	vmul.f32 v10, v10;
	v11 =	vmul.f32 v11, v11;
	v45 =	vld [tilespmem:$0x1FF90]  }
0x1fa: {  	v28 =	vmul.f32 v28, v28;
	v27 =	vsub.f32 v27, v54;
	v30 =	vsub.f32 v30, v36  }
0x1fb: {  	v29 =	vsub.f32 v29, v39;
	v55 =	vmul.f32 v25, v25;
	v26 =	vsub.f32 v26, v49;
	v49 =	vld [tilespmem:$0x1FFF0]  }
0x1fc: {  	v36 =	vmul.f32 v48, v48;
	v30 =	vmul.f32 v30, v30;
	v19 =	vsub.f32 v19, v47;
	v47 =	vld [tilespmem:$0x1FFE0]  }
0x1fd: {  	v17 =	vsub.f32 v17, v42;
	v39 =	vmul.f32 v58, v58;
	v27 =	vmul.f32 v27, v27  }
0x1fe: {  	v30 =	vadd.f32 v30, v46;
	v28 =	vadd.f32 v28, v45;
	v26 =	vmul.f32 v26, v26  }
0x1ff: {  	v29 =	vmul.f32 v29, v29;
	v17 =	vmul.f32 v17, v17  }
0x200: {  	v48 =	vmul.f32 v62, v62;
	v27 =	vadd.f32 v27, v30;
	v26 =	vadd.f32 v26, v28  }
0x201: {  	v19 =	vmul.f32 v19, v19;
	v17 =	vadd.f32 v17, v49;
	v29 =	vadd.f32 v29, v47  }
0x202: {  	v54 =	vmul.f32 v24, v24;
	v23 =	vadd.f32 v23, v27;
	v22 =	vadd.f32 v22, v26  }
0x203: {  	v28 =	vmul.f32 v50, v50;
	v17 =	vadd.f32 v19, v17;
	v20 =	vadd.f32 v20, v29  }
0x204: {  	v27 =	vmul.f32 v38, v38;
	v13 =	vadd.f32 v13, v23;
	v12 =	vadd.f32 v12, v22  }
0x205: {  	v26 =	vmul.f32 v57, v57;
	v17 =	vadd.f32 v55, v17;
	v19 =	vadd.f32 v54, v20  }
0x206: {  	v23 =	vmul.f32 v37, v37;
	v8 =	vadd.f32 v8, v13;
	v12 =	vadd.f32 v18, v12  }
0x207: {  	v47 =	vmul.f32 v32, v32;
	v11 =	vadd.f32 v11, v17;
	v10 =	vadd.f32 v10, v19  }
0x208: {  	v17 =	vmul.f32 v16, v16;
	v20 =	vmul.f32 v43, v43;
	v12 =	vadd.f32 v56, v12  }
0x209: {  	v59 =	vld [tilespmem:$0x1FCF0];
	v18 =	vadd.f32 v15, v11;
	v19 =	vmul.f32 v41, v41;
	v9 =	vadd.f32 v9, v10  }
0x20a: {  	v42 =	vld [tilespmem:$0x1FDF0];
	v22 =	vmul.f32 v40, v40;
	v8 =	vadd.f32 v17, v8;
	v6 =	vadd.f32 v6, v12  }
0x20b: {  	v38 =	vld [tilespmem:$0x1FE20];
	v40 =	vmul.f32 v51, v51;
	v10 =	vadd.f32 v20, v18;
	v9 =	vadd.f32 v19, v9  }
0x20c: {  	v37 =	vld [tilespmem:$0x1FE00];
	v51 =	vmul.f32 v34, v34;
	v7 =	vadd.f32 v7, v8;
	v4 =	vadd.f32 v4, v6  }
0x20d: {  	v58 =	vld [tilespmem:$0x1FCD0];
	v29 =	vmul.f32 v44, v44;
	v25 =	vadd.f32 v23, v10;
	v24 =	vadd.f32 v22, v9  }
0x20e: {  	v46 =	vld [tilespmem:$0x1FDD0];
	v44 =	vmul.f32 v60, v60;
	v5 =	vadd.f32 v5, v7;
	v4 =	vadd.f32 v28, v4  }
0x20f: {  	v45 =	vld [tilespmem:$0x1FDB0];
	v43 =	vmul.f32 v61, v61;
	v30 =	vadd.f32 v27, v25;
	v6 =	vadd.f32 v26, v24  }
0x210: {  	v50 =	vld [tilespmem:$0x1FD90];
	v11 =	vmul.f32 v38, v38;
	v5 =	vadd.f32 v29, v5;
	v4 =	vadd.f32 v35, v4  }
0x211: {  	v49 =	vld [tilespmem:$0x1FD70];
	v8 =	vmul.f32 v37, v37;
	v7 =	vadd.f32 v33, v30;
	v6 =	vadd.f32 v31, v6  }
0x212: {  	v57 =	vld [tilespmem:$0x1FCB0];
	v41 =	vmul.f32 v63, v63;
	v5 =	vadd.f32 v36, v5;
	v4 =	vadd.f32 v39, v4  }
0x213: {  	v55 =	vld [tilespmem:$0x1FD50];
	v10 =	vmul.f32 v42, v42;
	v7 =	vadd.f32 v11, v7;
	v6 =	vadd.f32 v8, v6  }
0x214: {  	v54 =	vld [tilespmem:$0x1FD20];
	v9 =	vmul.f32 v45, v45;
	v5 =	vadd.f32 v40, v5;
	v4 =	vadd.f32 v43, v4  }
0x215: {  	v56 =	vld [tilespmem:$0x1FC80];
	v7 =	vadd.f32 v10, v7;
	v8 =	vmul.f32 v46, v46;
	v6 =	vadd.f32 v41, v6  }
0x216: {  	v62 =	vld [tilespmem:$0x1FC60];
	v11 =	vmul.f32 v50, v50;
	v5 =	vadd.f32 v44, v5;
	v4 =	vadd.f32 v47, v4  }
0x217: {  	v60 =	vld [tilespmem:$0x1FC40];
	v7 =	vadd.f32 v8, v7;
	v8 =	vmul.f32 v49, v49;
	v6 =	vadd.f32 v9, v6  }
0x218: {  	v61 =	vld [tilespmem:$0x1FC50];
	v10 =	vmul.f32 v55, v55;
	v5 =	vadd.f32 v48, v5;
	v4 =	vadd.f32 v51, v4  }
0x219: {  	v63 =	vld [tilespmem:$0x1FCA0];
	v7 =	vadd.f32 v11, v7;
	v9 =	vmul.f32 v54, v54;
	v6 =	vadd.f32 v8, v6  }
0x21a: {  	v5 =	vadd.f32 v53, v5;
	v11 =	vmul.f32 v57, v57;
	v8 =	vmul.f32 v56, v56  }
0x21b: {  	v7 =	vadd.f32 v10, v7;
	v6 =	vadd.f32 v9, v6;
	v9 =	vmul.f32 v58, v58  }
0x21c: {  	v5 =	vadd.f32 v11, v5;
	v4 =	vadd.f32 v8, v4;
	v8 =	vmul.f32 v59, v59  }
0x21d: {  	v10 =	vmul.f32 v61, v61;
	v6 =	vadd.f32 v9, v6;
	v9 =	vmul.f32 v60, v60  }
0x21e: {  	v11 =	vmul.f32 v63, v63;
	v7 =	vadd.f32 v8, v7;
	v8 =	vmul.f32 v62, v62  }
0x21f: {  	v5 =	vadd.f32 v10, v5;
	v4 =	vadd.f32 v9, v4  }
0x220: {  	v6 =	vadd.f32 v8, v6;
	v7 =	vadd.f32 v11, v7;
	_ =	sdelay $0x1  }
0x221: {  	v4 =	vadd.f32 v5, v4;
	v5 =	vadd.f32 v7, v6;
	_ =	sdelay $0x1  }
0x222: {  	s14 =	sadd.s32 $0x1, s14;
	v4 =	vadd.f32 v5, v4  }
0x223: {  	p0 =	sne.s32 s14, s6  }
.Ltmp1:
0x224: {  	[tilespmem:$0x18000] =	vst v4;
	(pc) =	sbr.rel @p0 .LBB2_1-.Ltmp1, $4  }
0x225: {  	[hbm4b:s5+s2] =	stream.linear.scatter [tilespmem:s12], [sflag:$0x3], $0x80, $0x38;
	[tilespmem:$0x18080] =	vst v63  }
0x226: {  	_ =	swait.ge [sflag:s13], $0x80  }
0x227: {  	[sflag:s13] =	ssyncset.done $0x0  }
0x228: {  	[sflag:s13] =	ssyncadd.s32 $0xFFFFFF80  }
0x229: {  	_ =	sfence.sel $0x180000  }
0x22a: {  	[bflag:$0x0] =	sbarrier.arrive $0xFFFF  }
0x22b: {  	p0 =	sne.s32 s1, $0x0;
	_ =	strace $0x9000004A  }
0x22c: {  	s0 =	sadd.s32 @!p0 $0x100000, s0;
	[bflag:$0x2] =	sbarrier.arrive $0xFFFF  }
0x22d: {  	[sflag:s0] =	ssyncadd.tile.s32 @!p0 $0x1;
	_ =	shalt  }
.Lfunc_end2:
_tile_overlayer_lowered:
.L_overlay_start_2:
0x22e: {  	(tag) =	ssettag $0x2  }
0x22f: {  	s0 =	rddreg [dreg:$0x0];
	s2 =	stileid.u32  }
0x230: {  	s1 =	rddreg [dreg:$0x1];
	p0 =	sne.s32 s2, $0x0  }
0x231: {  	s3 =	rddreg [dreg:$0x2];
	[bflag:$0x3] =	sbarrier.arrive $0xFFFF;
	s2 =	simm.s32 @!p0 $0x1C03  }
0x232: {  	[timem:s3], [sflag:s2] =	dma.local @!p0 [hbm:s0], s1  }
0x233: {  	s0 =	simm.s32 @!p0 $0x3  }
0x234: {  	_ =	swait.ge @!p0 [sflag:s0], s1  }
0x235: {  	s1 =	ssub.s32 @!p0 $0x0, s1;
	[sflag:s0] =	ssyncset.done @!p0 $0x0  }
0x236: {  	[sflag:s0] =	ssyncadd.s32 @!p0 s1  }
0x237: {  	[bflag:$0x3] =	sbarrier.arrive $0xFFFF  }
0x238: {  	_ =	shalt  }

</sc_bundles>
